<compile_context>
chip_gen: v7x
topology: tpu7x:2x2x1
jax: 0.10.2.dev20260603
libtpu: 0.0.44.dev20260713+nightly
codegen_flags: <defaults>
</compile_context>

<pallas_src>
import functools

import jax
import jax.numpy as jnp
from jax import lax
from jax.experimental import pallas as pl
from jax.experimental.pallas import tpu as pltpu
from jax.experimental.pallas import tpu_sc as plsc

C = 128
N = 10000
K = 32
NC, NS = 2, 16
NW = NC * NS
T_F = C // NW
CH_N = 400
CH_NG = CH_N // 16
N_CHUNK = N // CH_N

TC_BLK = N
TC_GRID = 1


def _h_body(x_ref, w1_ref, b1_ref, h_ref):
    h = lax.dot_general(w1_ref[...], x_ref[...],
                        dimension_numbers=(((1,), (0,)), ((), ())),
                        preferred_element_type=jnp.float32)
    h_ref[...] = jnp.maximum(h + b1_ref[...], 0.0)


def _compute_h(x_cn, w1, b1):
    return pl.pallas_call(
        _h_body,
        grid=(TC_GRID,),
        in_specs=[
            pl.BlockSpec((C, TC_BLK), lambda i: (0, i)),
            pl.BlockSpec((C, C), lambda i: (0, 0)),
            pl.BlockSpec((C, 1), lambda i: (0, 0)),
        ],
        out_specs=pl.BlockSpec((C, TC_BLK), lambda i: (0, i)),
        out_shape=jax.ShapeDtypeStruct((C, N), jnp.float32),
    )(x_cn, w1, b1.reshape(C, 1))


@functools.cache
def _make_sc_gather_max():
    @functools.partial(
        pl.kernel,
        out_type=jax.ShapeDtypeStruct((NW, T_F, N_CHUNK, CH_NG, 16),
                                      jnp.float32),
        mesh=plsc.VectorSubcoreMesh(core_axis_name="c", subcore_axis_name="s"),
        compiler_params=pltpu.CompilerParams(needs_layout_passes=False,
                                             use_tc_tiling_on_sc=False),
        scratch_types=[
            pltpu.VMEM((N,), jnp.float32),
            pltpu.VMEM((N,), jnp.float32),
            pltpu.VMEM((N,), jnp.float32),
            pltpu.VMEM((N,), jnp.float32),
            pltpu.VMEM((2, CH_NG, K, 16), jnp.int32),
            pltpu.VMEM((2, T_F, CH_NG, 16), jnp.float32),
            pltpu.SemaphoreType.DMA,
            pltpu.SemaphoreType.DMA,
            pltpu.SemaphoreType.DMA,
            pltpu.SemaphoreType.DMA,
        ],
    )
    def _sc_gather_max(h, idx4, out, tab0, tab1, tab2, tab3,
                       idx_ring, out_ring,
                       sem_i0, sem_i1, sem_o0, sem_o1):
        t = lax.axis_index("s") * NC + lax.axis_index("c")
        sems_i = [sem_i0, sem_i1]
        sems_o = [sem_o0, sem_o1]
        tabs = [tab0, tab1, tab2, tab3]

        for f in range(T_F):
            pltpu.sync_copy(h.at[t * T_F + f], tabs[f])

        def start_idx(c, rb):
            pltpu.async_copy(idx4.at[c], idx_ring.at[rb], sems_i[rb])

        def drain_idx(rb):
            pltpu.make_async_copy(idx4.at[0], idx_ring.at[rb],
                                  sems_i[rb]).wait()

        def start_out(c, rb):
            for f in range(T_F):
                pltpu.async_copy(out_ring.at[rb, f], out.at[t, f, c],
                                 sems_o[rb])

        def drain_out(rb):
            for f in range(T_F):
                pltpu.make_async_copy(out_ring.at[rb, f], out.at[t, f, 0],
                                      sems_o[rb]).wait()

        start_idx(0, 0)

        def chunk_body(c, rb):
            @pl.when(c + 1 < N_CHUNK)
            def _():
                start_idx(c + 1, 1 - rb)

            drain_idx(rb)

            @pl.when(c >= 2)
            def _():
                drain_out(rb)

            def ng_body(ng, _):
                ivs = [idx_ring[rb, ng, k, :] for k in range(K)]
                for f in range(T_F):
                    acc = plsc.load_gather(tabs[f], [ivs[0]])
                    for k in range(1, K):
                        acc = jnp.maximum(
                            acc, plsc.load_gather(tabs[f], [ivs[k]]))
                    out_ring[rb, f, ng, :] = acc
                return 0

            lax.fori_loop(0, CH_NG, ng_body, 0)
            start_out(c, rb)

        def chunk_pair(c2, _):
            for rb in range(2):
                c = 2 * c2 + rb

                @pl.when(c < N_CHUNK)
                def _():
                    chunk_body(c, rb)
            return 0

        lax.fori_loop(0, (N_CHUNK + 1) // 2, chunk_pair, 0)
        drain_out(0)
        drain_out(1)

    return _sc_gather_max


def _out_body(x_ref, m_ref, w2a_ref, w2b_ref, b2_ref, o_ref):
    a = lax.dot_general(w2a_ref[...], x_ref[...],
                        dimension_numbers=(((1,), (0,)), ((), ())),
                        preferred_element_type=jnp.float32)
    b = lax.dot_general(w2b_ref[...], m_ref[...],
                        dimension_numbers=(((1,), (0,)), ((), ())),
                        preferred_element_type=jnp.float32)
    o_ref[...] = jnp.maximum(a + b + b2_ref[...], 0.0)


def _compute_out(x_cn, m_cn, w2a, w2b, b2):
    return pl.pallas_call(
        _out_body,
        grid=(TC_GRID,),
        in_specs=[
            pl.BlockSpec((C, TC_BLK), lambda i: (0, i)),
            pl.BlockSpec((C, TC_BLK), lambda i: (0, i)),
            pl.BlockSpec((C, C), lambda i: (0, 0)),
            pl.BlockSpec((C, C), lambda i: (0, 0)),
            pl.BlockSpec((C, 1), lambda i: (0, 0)),
        ],
        out_specs=pl.BlockSpec((C, TC_BLK), lambda i: (0, i)),
        out_shape=jax.ShapeDtypeStruct((C, N), jnp.float32),
    )(x_cn, m_cn, w2a, w2b, b2.reshape(C, 1))


def kernel(x, edge_index, W1, b1, W2, b2):
    x_cn = x[0, :, :, 0]
    idx = edge_index[0, 0].astype(jnp.int32)
    idx4 = idx.reshape(N_CHUNK, CH_NG, 16, K).transpose(0, 1, 3, 2)

    h = _compute_h(x_cn, W1, b1)
    m_raw = _make_sc_gather_max()(h, idx4)
    m_cn = m_raw.reshape(C, N)
    out_cn = _compute_out(x_cn, m_cn, W2[:, :C], W2[:, C:], b2)
    return out_cn.reshape(1, C, N, 1)

# --- scband reference (transcript-rebuilt; emitter-appended) ---
"""Pipeline reference for scband-graph-sage-7138235646508 (READ-ONLY COPY).

The authoritative reference and input builder live on the scoring server;
editing this copy changes nothing except your own understanding.
"""

import jax, jax.numpy as jnp
import numpy as np


def setup_inputs(seed: int = 0) -> dict:
    key = jax.random.key(seed)
    ks = jax.random.split(key, 4)
    B, C, N, K, Cout = 1, 128, 10000, 32, 128
    x = jax.random.normal(ks[0], (B, C, N, 1), dtype=jnp.float32)
    edge_index = jax.random.randint(ks[1], (2, B, N, K), 0, N, dtype=jnp.int32).astype(jnp.int64)
    # nn1: BasicConv([C, C]) -> Conv2d(C, C, 1, bias=True) + relu
    W1 = jax.random.normal(ks[2], (C, C), dtype=jnp.float32) * (1.0 / np.sqrt(C))
    b1 = jnp.zeros((C,), dtype=jnp.float32)
    # nn2: BasicConv([2C, Cout]) -> Conv2d(2C, Cout, 1, bias=True) + relu
    W2 = jax.random.normal(ks[3], (Cout, 2 * C), dtype=jnp.float32) * (1.0 / np.sqrt(2 * C))
    b2 = jnp.zeros((Cout,), dtype=jnp.float32)
    return {"x": x, "edge_index": edge_index, "W1": W1, "b1": b1, "W2": W2, "b2": b2}


def batched_index_select(x, idx):
    # x: [B, C, N, 1], idx: [B, N, K] -> feature map [B, C, N, K]
    xt = jnp.transpose(x[..., 0], (0, 2, 1))  # [B, N, C]
    gathered = jax.vmap(lambda xb, ib: jnp.take(xb, ib, axis=0))(xt, idx)  # [B, N, K, C]
    return jnp.transpose(gathered, (0, 3, 1, 2))  # [B, C, N, K]


def reference(x, edge_index, W1, b1, W2, b2):
    # x_j = batched_index_select(x, edge_index[0])  -> [B, C, N, K]
    x_j = batched_index_select(x, edge_index[0])
    # nn1: 1x1 conv + relu
    h = jnp.einsum('oc,bcnk->bonk', W1, x_j) + b1[None, :, None, None]
    h = jax.nn.relu(h)
    # max over neighbors, keepdim
    x_j_max = jnp.max(h, axis=-1, keepdims=True)  # [B, C, N, 1]
    # nn2 on concat([x, x_j_max], dim=1): 1x1 conv + relu
    cat = jnp.concatenate([x, x_j_max], axis=1)  # [B, 2C, N, 1]
    out = jnp.einsum('oc,bcnk->bonk', W2, cat) + b2[None, :, None, None]
    out = jax.nn.relu(out)
    return out

if __name__ == "__main__":
    import jax
    _d = setup_inputs()
    print(jax.jit(kernel)(*tuple(_d.values())))

</pallas_src>

<mosaic_0001>
#map = affine_map<(d0, d1) -> (0, 0)>
#map1 = affine_map<(d0, d1) -> (0, 0, 0, 0)>
#map2 = affine_map<(d0, d1) -> (0, 0, 0, 0, 0)>
module attributes {stable_mosaic.version = 14 : i64} {
  func.func @_sc_gather_max(%arg0: i32, %arg1: i32, %arg2: memref<128x10000xf32, #tpu.memory_space<hbm>>, %arg3: memref<25x25x32x16xi32, #tpu.memory_space<hbm>>, %arg4: memref<32x4x25x25x16xf32, #tpu.memory_space<hbm>>, %arg5: memref<10000xf32, #tpu.memory_space<vmem>>, %arg6: memref<10000xf32, #tpu.memory_space<vmem>>, %arg7: memref<10000xf32, #tpu.memory_space<vmem>>, %arg8: memref<10000xf32, #tpu.memory_space<vmem>>, %arg9: memref<2x25x32x16xi32, #tpu.memory_space<vmem>>, %arg10: memref<2x4x25x16xf32, #tpu.memory_space<vmem>>, %arg11: memref<!tpu.dma_semaphore, #tpu.memory_space<semaphore_mem>>, %arg12: memref<!tpu.dma_semaphore, #tpu.memory_space<semaphore_mem>>, %arg13: memref<!tpu.dma_semaphore, #tpu.memory_space<semaphore_mem>>, %arg14: memref<!tpu.dma_semaphore, #tpu.memory_space<semaphore_mem>>) attributes {dimension_semantics = [#tpu.dimension_semantics<core_parallel>, #tpu.dimension_semantics<subcore_parallel>], iteration_bounds = array<i64: 2, 16>, scalar_prefetch = 0 : i64, scratch_operands = 10 : i64, tpu.core_type = #tpu.core_type<sc_vector_subcore>, window_params = [{transform_indices = #map}, {transform_indices = #map1}, {transform_indices = #map2}]} {
    %mul3A = arith.constant 2 : i32
    %mul3A_0 = arith.muli %arg1, %mul3A : i32
    %add3A = arith.addi %mul3A_0, %arg0 : i32
    %mul3A_1 = arith.constant 4 : i32
    %mul3A_2 = arith.muli %add3A, %mul3A_1 : i32
    %add3A_3 = arith.constant 0 : i32
    %add3A_4 = arith.addi %mul3A_2, %add3A_3 : i32
    "tpu.region"() ({
      %run_scoped3A = tpu.sem_alloc : memref<!tpu.dma_semaphore, #tpu.memory_space<semaphore_mem>>
      %dma_start3A_203 = arith.constant 0 : i32
      %dma_start3A_204 = tpu.memref_slice %arg2[%add3A_4, %dma_start3A_203] : memref<128x10000xf32, #tpu.memory_space<hbm>> -> memref<1x10000xf32, #tpu.memory_space<hbm>>
      %dma_start3A_205 = tpu.memref_squeeze %dma_start3A_204 : memref<1x10000xf32, #tpu.memory_space<hbm>> -> memref<10000xf32, #tpu.memory_space<hbm>>
      %dma_start3A_206 = arith.constant 0 : i32
      %dma_start3A_207 = tpu.memref_slice %arg2[%add3A_4, %dma_start3A_206] : memref<128x10000xf32, #tpu.memory_space<hbm>> -> memref<1x10000xf32, #tpu.memory_space<hbm>>
      %dma_start3A_208 = tpu.memref_squeeze %dma_start3A_207 : memref<1x10000xf32, #tpu.memory_space<hbm>> -> memref<10000xf32, #tpu.memory_space<hbm>>
      tpu.enqueue_dma source(%dma_start3A_208 : memref<10000xf32, #tpu.memory_space<hbm>>) target(%arg5 : memref<10000xf32, #tpu.memory_space<vmem>>) target_semaphore(%run_scoped3A : memref<!tpu.dma_semaphore, #tpu.memory_space<semaphore_mem>>)
      %dma_wait3A_209 = arith.constant 0 : i32
      %dma_wait3A_210 = tpu.memref_slice %arg2[%add3A_4, %dma_wait3A_209] : memref<128x10000xf32, #tpu.memory_space<hbm>> -> memref<1x10000xf32, #tpu.memory_space<hbm>>
      %dma_wait3A_211 = tpu.memref_squeeze %dma_wait3A_210 : memref<1x10000xf32, #tpu.memory_space<hbm>> -> memref<10000xf32, #tpu.memory_space<hbm>>
      %dma_wait3A_212 = arith.constant 0 : i32
      %dma_wait3A_213 = tpu.memref_slice %arg2[%add3A_4, %dma_wait3A_212] : memref<128x10000xf32, #tpu.memory_space<hbm>> -> memref<1x10000xf32, #tpu.memory_space<hbm>>
      %dma_wait3A_214 = tpu.memref_squeeze %dma_wait3A_213 : memref<1x10000xf32, #tpu.memory_space<hbm>> -> memref<10000xf32, #tpu.memory_space<hbm>>
      tpu.wait_dma2 semaphore(%run_scoped3A : memref<!tpu.dma_semaphore, #tpu.memory_space<semaphore_mem>>) src(%dma_wait3A_214 : memref<10000xf32, #tpu.memory_space<hbm>>) dst(%arg5 : memref<10000xf32, #tpu.memory_space<vmem>>)
      tpu.yield
    }) : () -> ()
    %mul3A_5 = arith.constant 4 : i32
    %mul3A_6 = arith.muli %add3A, %mul3A_5 : i32
    %add3A_7 = arith.constant 1 : i32
    %add3A_8 = arith.addi %mul3A_6, %add3A_7 : i32
    "tpu.region"() ({
      %run_scoped3A = tpu.sem_alloc : memref<!tpu.dma_semaphore, #tpu.memory_space<semaphore_mem>>
      %dma_start3A_203 = arith.constant 0 : i32
      %dma_start3A_204 = tpu.memref_slice %arg2[%add3A_8, %dma_start3A_203] : memref<128x10000xf32, #tpu.memory_space<hbm>> -> memref<1x10000xf32, #tpu.memory_space<hbm>>
      %dma_start3A_205 = tpu.memref_squeeze %dma_start3A_204 : memref<1x10000xf32, #tpu.memory_space<hbm>> -> memref<10000xf32, #tpu.memory_space<hbm>>
      %dma_start3A_206 = arith.constant 0 : i32
      %dma_start3A_207 = tpu.memref_slice %arg2[%add3A_8, %dma_start3A_206] : memref<128x10000xf32, #tpu.memory_space<hbm>> -> memref<1x10000xf32, #tpu.memory_space<hbm>>
      %dma_start3A_208 = tpu.memref_squeeze %dma_start3A_207 : memref<1x10000xf32, #tpu.memory_space<hbm>> -> memref<10000xf32, #tpu.memory_space<hbm>>
      tpu.enqueue_dma source(%dma_start3A_208 : memref<10000xf32, #tpu.memory_space<hbm>>) target(%arg6 : memref<10000xf32, #tpu.memory_space<vmem>>) target_semaphore(%run_scoped3A : memref<!tpu.dma_semaphore, #tpu.memory_space<semaphore_mem>>)
      %dma_wait3A_209 = arith.constant 0 : i32
      %dma_wait3A_210 = tpu.memref_slice %arg2[%add3A_8, %dma_wait3A_209] : memref<128x10000xf32, #tpu.memory_space<hbm>> -> memref<1x10000xf32, #tpu.memory_space<hbm>>
      %dma_wait3A_211 = tpu.memref_squeeze %dma_wait3A_210 : memref<1x10000xf32, #tpu.memory_space<hbm>> -> memref<10000xf32, #tpu.memory_space<hbm>>
      %dma_wait3A_212 = arith.constant 0 : i32
      %dma_wait3A_213 = tpu.memref_slice %arg2[%add3A_8, %dma_wait3A_212] : memref<128x10000xf32, #tpu.memory_space<hbm>> -> memref<1x10000xf32, #tpu.memory_space<hbm>>
      %dma_wait3A_214 = tpu.memref_squeeze %dma_wait3A_213 : memref<1x10000xf32, #tpu.memory_space<hbm>> -> memref<10000xf32, #tpu.memory_space<hbm>>
      tpu.wait_dma2 semaphore(%run_scoped3A : memref<!tpu.dma_semaphore, #tpu.memory_space<semaphore_mem>>) src(%dma_wait3A_214 : memref<10000xf32, #tpu.memory_space<hbm>>) dst(%arg6 : memref<10000xf32, #tpu.memory_space<vmem>>)
      tpu.yield
    }) : () -> ()
    %mul3A_9 = arith.constant 4 : i32
    %mul3A_10 = arith.muli %add3A, %mul3A_9 : i32
    %add3A_11 = arith.constant 2 : i32
    %add3A_12 = arith.addi %mul3A_10, %add3A_11 : i32
    "tpu.region"() ({
      %run_scoped3A = tpu.sem_alloc : memref<!tpu.dma_semaphore, #tpu.memory_space<semaphore_mem>>
      %dma_start3A_203 = arith.constant 0 : i32
      %dma_start3A_204 = tpu.memref_slice %arg2[%add3A_12, %dma_start3A_203] : memref<128x10000xf32, #tpu.memory_space<hbm>> -> memref<1x10000xf32, #tpu.memory_space<hbm>>
      %dma_start3A_205 = tpu.memref_squeeze %dma_start3A_204 : memref<1x10000xf32, #tpu.memory_space<hbm>> -> memref<10000xf32, #tpu.memory_space<hbm>>
      %dma_start3A_206 = arith.constant 0 : i32
      %dma_start3A_207 = tpu.memref_slice %arg2[%add3A_12, %dma_start3A_206] : memref<128x10000xf32, #tpu.memory_space<hbm>> -> memref<1x10000xf32, #tpu.memory_space<hbm>>
      %dma_start3A_208 = tpu.memref_squeeze %dma_start3A_207 : memref<1x10000xf32, #tpu.memory_space<hbm>> -> memref<10000xf32, #tpu.memory_space<hbm>>
      tpu.enqueue_dma source(%dma_start3A_208 : memref<10000xf32, #tpu.memory_space<hbm>>) target(%arg7 : memref<10000xf32, #tpu.memory_space<vmem>>) target_semaphore(%run_scoped3A : memref<!tpu.dma_semaphore, #tpu.memory_space<semaphore_mem>>)
      %dma_wait3A_209 = arith.constant 0 : i32
      %dma_wait3A_210 = tpu.memref_slice %arg2[%add3A_12, %dma_wait3A_209] : memref<128x10000xf32, #tpu.memory_space<hbm>> -> memref<1x10000xf32, #tpu.memory_space<hbm>>
      %dma_wait3A_211 = tpu.memref_squeeze %dma_wait3A_210 : memref<1x10000xf32, #tpu.memory_space<hbm>> -> memref<10000xf32, #tpu.memory_space<hbm>>
      %dma_wait3A_212 = arith.constant 0 : i32
      %dma_wait3A_213 = tpu.memref_slice %arg2[%add3A_12, %dma_wait3A_212] : memref<128x10000xf32, #tpu.memory_space<hbm>> -> memref<1x10000xf32, #tpu.memory_space<hbm>>
      %dma_wait3A_214 = tpu.memref_squeeze %dma_wait3A_213 : memref<1x10000xf32, #tpu.memory_space<hbm>> -> memref<10000xf32, #tpu.memory_space<hbm>>
      tpu.wait_dma2 semaphore(%run_scoped3A : memref<!tpu.dma_semaphore, #tpu.memory_space<semaphore_mem>>) src(%dma_wait3A_214 : memref<10000xf32, #tpu.memory_space<hbm>>) dst(%arg7 : memref<10000xf32, #tpu.memory_space<vmem>>)
      tpu.yield
    }) : () -> ()
    %mul3A_13 = arith.constant 4 : i32
    %mul3A_14 = arith.muli %add3A, %mul3A_13 : i32
    %add3A_15 = arith.constant 3 : i32
    %add3A_16 = arith.addi %mul3A_14, %add3A_15 : i32
    "tpu.region"() ({
      %run_scoped3A = tpu.sem_alloc : memref<!tpu.dma_semaphore, #tpu.memory_space<semaphore_mem>>
      %dma_start3A_203 = arith.constant 0 : i32
      %dma_start3A_204 = tpu.memref_slice %arg2[%add3A_16, %dma_start3A_203] : memref<128x10000xf32, #tpu.memory_space<hbm>> -> memref<1x10000xf32, #tpu.memory_space<hbm>>
      %dma_start3A_205 = tpu.memref_squeeze %dma_start3A_204 : memref<1x10000xf32, #tpu.memory_space<hbm>> -> memref<10000xf32, #tpu.memory_space<hbm>>
      %dma_start3A_206 = arith.constant 0 : i32
      %dma_start3A_207 = tpu.memref_slice %arg2[%add3A_16, %dma_start3A_206] : memref<128x10000xf32, #tpu.memory_space<hbm>> -> memref<1x10000xf32, #tpu.memory_space<hbm>>
      %dma_start3A_208 = tpu.memref_squeeze %dma_start3A_207 : memref<1x10000xf32, #tpu.memory_space<hbm>> -> memref<10000xf32, #tpu.memory_space<hbm>>
      tpu.enqueue_dma source(%dma_start3A_208 : memref<10000xf32, #tpu.memory_space<hbm>>) target(%arg8 : memref<10000xf32, #tpu.memory_space<vmem>>) target_semaphore(%run_scoped3A : memref<!tpu.dma_semaphore, #tpu.memory_space<semaphore_mem>>)
      %dma_wait3A_209 = arith.constant 0 : i32
      %dma_wait3A_210 = tpu.memref_slice %arg2[%add3A_16, %dma_wait3A_209] : memref<128x10000xf32, #tpu.memory_space<hbm>> -> memref<1x10000xf32, #tpu.memory_space<hbm>>
      %dma_wait3A_211 = tpu.memref_squeeze %dma_wait3A_210 : memref<1x10000xf32, #tpu.memory_space<hbm>> -> memref<10000xf32, #tpu.memory_space<hbm>>
      %dma_wait3A_212 = arith.constant 0 : i32
      %dma_wait3A_213 = tpu.memref_slice %arg2[%add3A_16, %dma_wait3A_212] : memref<128x10000xf32, #tpu.memory_space<hbm>> -> memref<1x10000xf32, #tpu.memory_space<hbm>>
      %dma_wait3A_214 = tpu.memref_squeeze %dma_wait3A_213 : memref<1x10000xf32, #tpu.memory_space<hbm>> -> memref<10000xf32, #tpu.memory_space<hbm>>
      tpu.wait_dma2 semaphore(%run_scoped3A : memref<!tpu.dma_semaphore, #tpu.memory_space<semaphore_mem>>) src(%dma_wait3A_214 : memref<10000xf32, #tpu.memory_space<hbm>>) dst(%arg8 : memref<10000xf32, #tpu.memory_space<vmem>>)
      tpu.yield
    }) : () -> ()
    %dma_start3A = arith.constant 0 : i32
    %dma_start3A_17 = arith.constant 0 : i32
    %dma_start3A_18 = arith.constant 0 : i32
    %dma_start3A_19 = arith.constant 0 : i32
    %dma_start3A_20 = arith.constant 0 : i32
    %dma_start3A_21 = tpu.memref_slice %arg9[%dma_start3A_17, %dma_start3A_18, %dma_start3A_19, %dma_start3A_20] : memref<2x25x32x16xi32, #tpu.memory_space<vmem>> -> memref<1x25x32x16xi32, #tpu.memory_space<vmem>>
    %dma_start3A_22 = tpu.memref_squeeze %dma_start3A_21 : memref<1x25x32x16xi32, #tpu.memory_space<vmem>> -> memref<25x32x16xi32, #tpu.memory_space<vmem>>
    %dma_start3A_23 = arith.constant 0 : i32
    %dma_start3A_24 = arith.constant 0 : i32
    %dma_start3A_25 = arith.constant 0 : i32
    %dma_start3A_26 = tpu.memref_slice %arg3[%dma_start3A, %dma_start3A_23, %dma_start3A_24, %dma_start3A_25] : memref<25x25x32x16xi32, #tpu.memory_space<hbm>> -> memref<1x25x32x16xi32, #tpu.memory_space<hbm>>
    %dma_start3A_27 = tpu.memref_squeeze %dma_start3A_26 : memref<1x25x32x16xi32, #tpu.memory_space<hbm>> -> memref<25x32x16xi32, #tpu.memory_space<hbm>>
    %dma_start3A_28 = arith.constant 0 : i32
    %dma_start3A_29 = arith.constant 0 : i32
    %dma_start3A_30 = arith.constant 0 : i32
    %dma_start3A_31 = tpu.memref_slice %arg9[%dma_start3A_17, %dma_start3A_28, %dma_start3A_29, %dma_start3A_30] : memref<2x25x32x16xi32, #tpu.memory_space<vmem>> -> memref<1x25x32x16xi32, #tpu.memory_space<vmem>>
    %dma_start3A_32 = tpu.memref_squeeze %dma_start3A_31 : memref<1x25x32x16xi32, #tpu.memory_space<vmem>> -> memref<25x32x16xi32, #tpu.memory_space<vmem>>
    %dma_start3A_33 = arith.constant 0 : i32
    %dma_start3A_34 = arith.constant 0 : i32
    %dma_start3A_35 = arith.constant 0 : i32
    %dma_start3A_36 = tpu.memref_slice %arg3[%dma_start3A, %dma_start3A_33, %dma_start3A_34, %dma_start3A_35] : memref<25x25x32x16xi32, #tpu.memory_space<hbm>> -> memref<1x25x32x16xi32, #tpu.memory_space<hbm>>
    %dma_start3A_37 = tpu.memref_squeeze %dma_start3A_36 : memref<1x25x32x16xi32, #tpu.memory_space<hbm>> -> memref<25x32x16xi32, #tpu.memory_space<hbm>>
    tpu.enqueue_dma source(%dma_start3A_37 : memref<25x32x16xi32, #tpu.memory_space<hbm>>) target(%dma_start3A_32 : memref<25x32x16xi32, #tpu.memory_space<vmem>>) target_semaphore(%arg11 : memref<!tpu.dma_semaphore, #tpu.memory_space<semaphore_mem>>)
    %scan3A = arith.constant 0 : i32
    %scan3A_38 = arith.constant 0 : i32
    %scan3A_39 = arith.constant 13 : i32
    %scan3A_40 = arith.addi %scan3A_38, %scan3A_39 : i32
    %scan3A_41 = arith.constant 1 : i32
    %scan3A_42 = scf.for %scan3A_203 = %scan3A_38 to %scan3A_40 step %scan3A_41 iter_args(%scan3A_204 = %scan3A) -> (i32)  : i32 {
      %mul3A_205 = arith.constant 2 : i32
      %mul3A_206 = arith.muli %mul3A_205, %scan3A_203 : i32
      %add3A_207 = arith.constant 0 : i32
      %add3A_208 = arith.addi %mul3A_206, %add3A_207 : i32
      %lt3A = arith.constant 25 : i32
      %lt3A_209 = arith.cmpi slt, %add3A_208, %lt3A : i32
      %convert_element_type3A = arith.extui %lt3A_209 : i1 to i32
      %cond3A = arith.constant 0 : i32
      %cond3A_210 = arith.cmpi ne, %convert_element_type3A, %cond3A : i32
      scf.if %cond3A_210 {
        %add3A_221 = arith.constant 1 : i32
        %add3A_222 = arith.addi %add3A_208, %add3A_221 : i32
        %lt3A_223 = arith.constant 25 : i32
        %lt3A_224 = arith.cmpi slt, %add3A_222, %lt3A_223 : i32
        %convert_element_type3A_225 = arith.extui %lt3A_224 : i1 to i32
        %cond3A_226 = arith.constant 0 : i32
        %cond3A_227 = arith.cmpi ne, %convert_element_type3A_225, %cond3A_226 : i32
        scf.if %cond3A_227 {
          %add3A_337 = arith.constant 1 : i32
          %add3A_338 = arith.addi %add3A_208, %add3A_337 : i32
          %dma_start3A_339 = arith.constant 1 : i32
          %dma_start3A_340 = arith.constant 0 : i32
          %dma_start3A_341 = arith.constant 0 : i32
          %dma_start3A_342 = arith.constant 0 : i32
          %dma_start3A_343 = tpu.memref_slice %arg9[%dma_start3A_339, %dma_start3A_340, %dma_start3A_341, %dma_start3A_342] : memref<2x25x32x16xi32, #tpu.memory_space<vmem>> -> memref<1x25x32x16xi32, #tpu.memory_space<vmem>>
          %dma_start3A_344 = tpu.memref_squeeze %dma_start3A_343 : memref<1x25x32x16xi32, #tpu.memory_space<vmem>> -> memref<25x32x16xi32, #tpu.memory_space<vmem>>
          %dma_start3A_345 = arith.constant 0 : i32
          %dma_start3A_346 = arith.constant 0 : i32
          %dma_start3A_347 = arith.constant 0 : i32
          %dma_start3A_348 = tpu.memref_slice %arg3[%add3A_338, %dma_start3A_345, %dma_start3A_346, %dma_start3A_347] : memref<25x25x32x16xi32, #tpu.memory_space<hbm>> -> memref<1x25x32x16xi32, #tpu.memory_space<hbm>>
          %dma_start3A_349 = tpu.memref_squeeze %dma_start3A_348 : memref<1x25x32x16xi32, #tpu.memory_space<hbm>> -> memref<25x32x16xi32, #tpu.memory_space<hbm>>
          %dma_start3A_350 = arith.constant 0 : i32
          %dma_start3A_351 = arith.constant 0 : i32
          %dma_start3A_352 = arith.constant 0 : i32
          %dma_start3A_353 = tpu.memref_slice %arg9[%dma_start3A_339, %dma_start3A_350, %dma_start3A_351, %dma_start3A_352] : memref<2x25x32x16xi32, #tpu.memory_space<vmem>> -> memref<1x25x32x16xi32, #tpu.memory_space<vmem>>
          %dma_start3A_354 = tpu.memref_squeeze %dma_start3A_353 : memref<1x25x32x16xi32, #tpu.memory_space<vmem>> -> memref<25x32x16xi32, #tpu.memory_space<vmem>>
          %dma_start3A_355 = arith.constant 0 : i32
          %dma_start3A_356 = arith.constant 0 : i32
          %dma_start3A_357 = arith.constant 0 : i32
          %dma_start3A_358 = tpu.memref_slice %arg3[%add3A_338, %dma_start3A_355, %dma_start3A_356, %dma_start3A_357] : memref<25x25x32x16xi32, #tpu.memory_space<hbm>> -> memref<1x25x32x16xi32, #tpu.memory_space<hbm>>
          %dma_start3A_359 = tpu.memref_squeeze %dma_start3A_358 : memref<1x25x32x16xi32, #tpu.memory_space<hbm>> -> memref<25x32x16xi32, #tpu.memory_space<hbm>>
          tpu.enqueue_dma source(%dma_start3A_359 : memref<25x32x16xi32, #tpu.memory_space<hbm>>) target(%dma_start3A_354 : memref<25x32x16xi32, #tpu.memory_space<vmem>>) target_semaphore(%arg12 : memref<!tpu.dma_semaphore, #tpu.memory_space<semaphore_mem>>)
        } else {
        }
        %dma_wait3A_228 = arith.constant 0 : i32
        %dma_wait3A_229 = arith.constant 0 : i32
        %dma_wait3A_230 = arith.constant 0 : i32
        %dma_wait3A_231 = arith.constant 0 : i32
        %dma_wait3A_232 = arith.constant 0 : i32
        %dma_wait3A_233 = tpu.memref_slice %arg9[%dma_wait3A_229, %dma_wait3A_230, %dma_wait3A_231, %dma_wait3A_232] : memref<2x25x32x16xi32, #tpu.memory_space<vmem>> -> memref<1x25x32x16xi32, #tpu.memory_space<vmem>>
        %dma_wait3A_234 = tpu.memref_squeeze %dma_wait3A_233 : memref<1x25x32x16xi32, #tpu.memory_space<vmem>> -> memref<25x32x16xi32, #tpu.memory_space<vmem>>
        %dma_wait3A_235 = arith.constant 0 : i32
        %dma_wait3A_236 = arith.constant 0 : i32
        %dma_wait3A_237 = arith.constant 0 : i32
        %dma_wait3A_238 = tpu.memref_slice %arg3[%dma_wait3A_228, %dma_wait3A_235, %dma_wait3A_236, %dma_wait3A_237] : memref<25x25x32x16xi32, #tpu.memory_space<hbm>> -> memref<1x25x32x16xi32, #tpu.memory_space<hbm>>
        %dma_wait3A_239 = tpu.memref_squeeze %dma_wait3A_238 : memref<1x25x32x16xi32, #tpu.memory_space<hbm>> -> memref<25x32x16xi32, #tpu.memory_space<hbm>>
        %dma_wait3A_240 = arith.constant 0 : i32
        %dma_wait3A_241 = arith.constant 0 : i32
        %dma_wait3A_242 = arith.constant 0 : i32
        %dma_wait3A_243 = tpu.memref_slice %arg9[%dma_wait3A_229, %dma_wait3A_240, %dma_wait3A_241, %dma_wait3A_242] : memref<2x25x32x16xi32, #tpu.memory_space<vmem>> -> memref<1x25x32x16xi32, #tpu.memory_space<vmem>>
        %dma_wait3A_244 = tpu.memref_squeeze %dma_wait3A_243 : memref<1x25x32x16xi32, #tpu.memory_space<vmem>> -> memref<25x32x16xi32, #tpu.memory_space<vmem>>
        %dma_wait3A_245 = arith.constant 0 : i32
        %dma_wait3A_246 = arith.constant 0 : i32
        %dma_wait3A_247 = arith.constant 0 : i32
        %dma_wait3A_248 = tpu.memref_slice %arg3[%dma_wait3A_228, %dma_wait3A_245, %dma_wait3A_246, %dma_wait3A_247] : memref<25x25x32x16xi32, #tpu.memory_space<hbm>> -> memref<1x25x32x16xi32, #tpu.memory_space<hbm>>
        %dma_wait3A_249 = tpu.memref_squeeze %dma_wait3A_248 : memref<1x25x32x16xi32, #tpu.memory_space<hbm>> -> memref<25x32x16xi32, #tpu.memory_space<hbm>>
        tpu.wait_dma2 semaphore(%arg11 : memref<!tpu.dma_semaphore, #tpu.memory_space<semaphore_mem>>) src(%dma_wait3A_249 : memref<25x32x16xi32, #tpu.memory_space<hbm>>) dst(%dma_wait3A_244 : memref<25x32x16xi32, #tpu.memory_space<vmem>>)
        %ge3A = arith.constant 2 : i32
        %ge3A_250 = arith.cmpi sge, %add3A_208, %ge3A : i32
        %convert_element_type3A_251 = arith.extui %ge3A_250 : i1 to i32
        %cond3A_252 = arith.constant 0 : i32
        %cond3A_253 = arith.cmpi ne, %convert_element_type3A_251, %cond3A_252 : i32
        scf.if %cond3A_253 {
          %dma_wait3A_337 = arith.constant 0 : i32
          %dma_wait3A_338 = arith.constant 0 : i32
          %dma_wait3A_339 = arith.constant 0 : i32
          %dma_wait3A_340 = arith.constant 0 : i32
          %dma_wait3A_341 = arith.constant 0 : i32
          %dma_wait3A_342 = arith.constant 0 : i32
          %dma_wait3A_343 = tpu.memref_slice %arg10[%dma_wait3A_337, %dma_wait3A_338, %dma_wait3A_341, %dma_wait3A_342] : memref<2x4x25x16xf32, #tpu.memory_space<vmem>> -> memref<1x1x25x16xf32, #tpu.memory_space<vmem>>
          %dma_wait3A_344 = tpu.memref_squeeze %dma_wait3A_343 : memref<1x1x25x16xf32, #tpu.memory_space<vmem>> -> memref<25x16xf32, #tpu.memory_space<vmem>>
          %dma_wait3A_345 = arith.constant 0 : i32
          %dma_wait3A_346 = arith.constant 0 : i32
          %dma_wait3A_347 = tpu.memref_slice %arg4[%add3A, %dma_wait3A_339, %dma_wait3A_340, %dma_wait3A_345, %dma_wait3A_346] : memref<32x4x25x25x16xf32, #tpu.memory_space<hbm>> -> memref<1x1x1x25x16xf32, #tpu.memory_space<hbm>>
          %dma_wait3A_348 = tpu.memref_squeeze %dma_wait3A_347 : memref<1x1x1x25x16xf32, #tpu.memory_space<hbm>> -> memref<25x16xf32, #tpu.memory_space<hbm>>
          %dma_wait3A_349 = arith.constant 0 : i32
          %dma_wait3A_350 = arith.constant 0 : i32
          %dma_wait3A_351 = tpu.memref_slice %arg4[%add3A, %dma_wait3A_339, %dma_wait3A_340, %dma_wait3A_349, %dma_wait3A_350] : memref<32x4x25x25x16xf32, #tpu.memory_space<hbm>> -> memref<1x1x1x25x16xf32, #tpu.memory_space<hbm>>
          %dma_wait3A_352 = tpu.memref_squeeze %dma_wait3A_351 : memref<1x1x1x25x16xf32, #tpu.memory_space<hbm>> -> memref<25x16xf32, #tpu.memory_space<hbm>>
          %dma_wait3A_353 = arith.constant 0 : i32
          %dma_wait3A_354 = arith.constant 0 : i32
          %dma_wait3A_355 = tpu.memref_slice %arg10[%dma_wait3A_337, %dma_wait3A_338, %dma_wait3A_353, %dma_wait3A_354] : memref<2x4x25x16xf32, #tpu.memory_space<vmem>> -> memref<1x1x25x16xf32, #tpu.memory_space<vmem>>
          %dma_wait3A_356 = tpu.memref_squeeze %dma_wait3A_355 : memref<1x1x25x16xf32, #tpu.memory_space<vmem>> -> memref<25x16xf32, #tpu.memory_space<vmem>>
          tpu.wait_dma2 semaphore(%arg13 : memref<!tpu.dma_semaphore, #tpu.memory_space<semaphore_mem>>) src(%dma_wait3A_356 : memref<25x16xf32, #tpu.memory_space<vmem>>) dst(%dma_wait3A_352 : memref<25x16xf32, #tpu.memory_space<hbm>>)
          %dma_wait3A_357 = arith.constant 0 : i32
          %dma_wait3A_358 = arith.constant 1 : i32
          %dma_wait3A_359 = arith.constant 1 : i32
          %dma_wait3A_360 = arith.constant 0 : i32
          %dma_wait3A_361 = arith.constant 0 : i32
          %dma_wait3A_362 = arith.constant 0 : i32
          %dma_wait3A_363 = tpu.memref_slice %arg10[%dma_wait3A_357, %dma_wait3A_358, %dma_wait3A_361, %dma_wait3A_362] : memref<2x4x25x16xf32, #tpu.memory_space<vmem>> -> memref<1x1x25x16xf32, #tpu.memory_space<vmem>>
          %dma_wait3A_364 = tpu.memref_squeeze %dma_wait3A_363 : memref<1x1x25x16xf32, #tpu.memory_space<vmem>> -> memref<25x16xf32, #tpu.memory_space<vmem>>
          %dma_wait3A_365 = arith.constant 0 : i32
          %dma_wait3A_366 = arith.constant 0 : i32
          %dma_wait3A_367 = tpu.memref_slice %arg4[%add3A, %dma_wait3A_359, %dma_wait3A_360, %dma_wait3A_365, %dma_wait3A_366] : memref<32x4x25x25x16xf32, #tpu.memory_space<hbm>> -> memref<1x1x1x25x16xf32, #tpu.memory_space<hbm>>
          %dma_wait3A_368 = tpu.memref_squeeze %dma_wait3A_367 : memref<1x1x1x25x16xf32, #tpu.memory_space<hbm>> -> memref<25x16xf32, #tpu.memory_space<hbm>>
          %dma_wait3A_369 = arith.constant 0 : i32
          %dma_wait3A_370 = arith.constant 0 : i32
          %dma_wait3A_371 = tpu.memref_slice %arg4[%add3A, %dma_wait3A_359, %dma_wait3A_360, %dma_wait3A_369, %dma_wait3A_370] : memref<32x4x25x25x16xf32, #tpu.memory_space<hbm>> -> memref<1x1x1x25x16xf32, #tpu.memory_space<hbm>>
          %dma_wait3A_372 = tpu.memref_squeeze %dma_wait3A_371 : memref<1x1x1x25x16xf32, #tpu.memory_space<hbm>> -> memref<25x16xf32, #tpu.memory_space<hbm>>
          %dma_wait3A_373 = arith.constant 0 : i32
          %dma_wait3A_374 = arith.constant 0 : i32
          %dma_wait3A_375 = tpu.memref_slice %arg10[%dma_wait3A_357, %dma_wait3A_358, %dma_wait3A_373, %dma_wait3A_374] : memref<2x4x25x16xf32, #tpu.memory_space<vmem>> -> memref<1x1x25x16xf32, #tpu.memory_space<vmem>>
          %dma_wait3A_376 = tpu.memref_squeeze %dma_wait3A_375 : memref<1x1x25x16xf32, #tpu.memory_space<vmem>> -> memref<25x16xf32, #tpu.memory_space<vmem>>
          tpu.wait_dma2 semaphore(%arg13 : memref<!tpu.dma_semaphore, #tpu.memory_space<semaphore_mem>>) src(%dma_wait3A_376 : memref<25x16xf32, #tpu.memory_space<vmem>>) dst(%dma_wait3A_372 : memref<25x16xf32, #tpu.memory_space<hbm>>)
          %dma_wait3A_377 = arith.constant 0 : i32
          %dma_wait3A_378 = arith.constant 2 : i32
          %dma_wait3A_379 = arith.constant 2 : i32
          %dma_wait3A_380 = arith.constant 0 : i32
          %dma_wait3A_381 = arith.constant 0 : i32
          %dma_wait3A_382 = arith.constant 0 : i32
          %dma_wait3A_383 = tpu.memref_slice %arg10[%dma_wait3A_377, %dma_wait3A_378, %dma_wait3A_381, %dma_wait3A_382] : memref<2x4x25x16xf32, #tpu.memory_space<vmem>> -> memref<1x1x25x16xf32, #tpu.memory_space<vmem>>
          %dma_wait3A_384 = tpu.memref_squeeze %dma_wait3A_383 : memref<1x1x25x16xf32, #tpu.memory_space<vmem>> -> memref<25x16xf32, #tpu.memory_space<vmem>>
          %dma_wait3A_385 = arith.constant 0 : i32
          %dma_wait3A_386 = arith.constant 0 : i32
          %dma_wait3A_387 = tpu.memref_slice %arg4[%add3A, %dma_wait3A_379, %dma_wait3A_380, %dma_wait3A_385, %dma_wait3A_386] : memref<32x4x25x25x16xf32, #tpu.memory_space<hbm>> -> memref<1x1x1x25x16xf32, #tpu.memory_space<hbm>>
          %dma_wait3A_388 = tpu.memref_squeeze %dma_wait3A_387 : memref<1x1x1x25x16xf32, #tpu.memory_space<hbm>> -> memref<25x16xf32, #tpu.memory_space<hbm>>
          %dma_wait3A_389 = arith.constant 0 : i32
          %dma_wait3A_390 = arith.constant 0 : i32
          %dma_wait3A_391 = tpu.memref_slice %arg4[%add3A, %dma_wait3A_379, %dma_wait3A_380, %dma_wait3A_389, %dma_wait3A_390] : memref<32x4x25x25x16xf32, #tpu.memory_space<hbm>> -> memref<1x1x1x25x16xf32, #tpu.memory_space<hbm>>
          %dma_wait3A_392 = tpu.memref_squeeze %dma_wait3A_391 : memref<1x1x1x25x16xf32, #tpu.memory_space<hbm>> -> memref<25x16xf32, #tpu.memory_space<hbm>>
          %dma_wait3A_393 = arith.constant 0 : i32
          %dma_wait3A_394 = arith.constant 0 : i32
          %dma_wait3A_395 = tpu.memref_slice %arg10[%dma_wait3A_377, %dma_wait3A_378, %dma_wait3A_393, %dma_wait3A_394] : memref<2x4x25x16xf32, #tpu.memory_space<vmem>> -> memref<1x1x25x16xf32, #tpu.memory_space<vmem>>
          %dma_wait3A_396 = tpu.memref_squeeze %dma_wait3A_395 : memref<1x1x25x16xf32, #tpu.memory_space<vmem>> -> memref<25x16xf32, #tpu.memory_space<vmem>>
          tpu.wait_dma2 semaphore(%arg13 : memref<!tpu.dma_semaphore, #tpu.memory_space<semaphore_mem>>) src(%dma_wait3A_396 : memref<25x16xf32, #tpu.memory_space<vmem>>) dst(%dma_wait3A_392 : memref<25x16xf32, #tpu.memory_space<hbm>>)
          %dma_wait3A_397 = arith.constant 0 : i32
          %dma_wait3A_398 = arith.constant 3 : i32
          %dma_wait3A_399 = arith.constant 3 : i32
          %dma_wait3A_400 = arith.constant 0 : i32
          %dma_wait3A_401 = arith.constant 0 : i32
          %dma_wait3A_402 = arith.constant 0 : i32
          %dma_wait3A_403 = tpu.memref_slice %arg10[%dma_wait3A_397, %dma_wait3A_398, %dma_wait3A_401, %dma_wait3A_402] : memref<2x4x25x16xf32, #tpu.memory_space<vmem>> -> memref<1x1x25x16xf32, #tpu.memory_space<vmem>>
          %dma_wait3A_404 = tpu.memref_squeeze %dma_wait3A_403 : memref<1x1x25x16xf32, #tpu.memory_space<vmem>> -> memref<25x16xf32, #tpu.memory_space<vmem>>
          %dma_wait3A_405 = arith.constant 0 : i32
          %dma_wait3A_406 = arith.constant 0 : i32
          %dma_wait3A_407 = tpu.memref_slice %arg4[%add3A, %dma_wait3A_399, %dma_wait3A_400, %dma_wait3A_405, %dma_wait3A_406] : memref<32x4x25x25x16xf32, #tpu.memory_space<hbm>> -> memref<1x1x1x25x16xf32, #tpu.memory_space<hbm>>
          %dma_wait3A_408 = tpu.memref_squeeze %dma_wait3A_407 : memref<1x1x1x25x16xf32, #tpu.memory_space<hbm>> -> memref<25x16xf32, #tpu.memory_space<hbm>>
          %dma_wait3A_409 = arith.constant 0 : i32
          %dma_wait3A_410 = arith.constant 0 : i32
          %dma_wait3A_411 = tpu.memref_slice %arg4[%add3A, %dma_wait3A_399, %dma_wait3A_400, %dma_wait3A_409, %dma_wait3A_410] : memref<32x4x25x25x16xf32, #tpu.memory_space<hbm>> -> memref<1x1x1x25x16xf32, #tpu.memory_space<hbm>>
          %dma_wait3A_412 = tpu.memref_squeeze %dma_wait3A_411 : memref<1x1x1x25x16xf32, #tpu.memory_space<hbm>> -> memref<25x16xf32, #tpu.memory_space<hbm>>
          %dma_wait3A_413 = arith.constant 0 : i32
          %dma_wait3A_414 = arith.constant 0 : i32
          %dma_wait3A_415 = tpu.memref_slice %arg10[%dma_wait3A_397, %dma_wait3A_398, %dma_wait3A_413, %dma_wait3A_414] : memref<2x4x25x16xf32, #tpu.memory_space<vmem>> -> memref<1x1x25x16xf32, #tpu.memory_space<vmem>>
          %dma_wait3A_416 = tpu.memref_squeeze %dma_wait3A_415 : memref<1x1x25x16xf32, #tpu.memory_space<vmem>> -> memref<25x16xf32, #tpu.memory_space<vmem>>
          tpu.wait_dma2 semaphore(%arg13 : memref<!tpu.dma_semaphore, #tpu.memory_space<semaphore_mem>>) src(%dma_wait3A_416 : memref<25x16xf32, #tpu.memory_space<vmem>>) dst(%dma_wait3A_412 : memref<25x16xf32, #tpu.memory_space<hbm>>)
        } else {
        }
        %scan3A_254 = arith.constant 0 : i32
        %scan3A_255 = arith.constant 0 : i32
        %scan3A_256 = arith.constant 25 : i32
        %scan3A_257 = arith.addi %scan3A_255, %scan3A_256 : i32
        %scan3A_258 = arith.constant 1 : i32
        %scan3A_259 = scf.for %scan3A_337 = %scan3A_255 to %scan3A_257 step %scan3A_258 iter_args(%scan3A_338 = %scan3A_254) -> (i32)  : i32 {
          %get3A = arith.constant 0 : i32
          %get3A_339 = arith.constant 0 : i32
          %get3A_340 = arith.index_cast %get3A : i32 to index
          %get3A_341 = arith.index_cast %scan3A_337 : i32 to index
          %get3A_342 = arith.index_cast %get3A_339 : i32 to index
          %get3A_343 = arith.constant 0 : index
          %get3A_344 = tpu.vector_load %arg9[%get3A_340, %get3A_341, %get3A_342, %get3A_343] {strides = array<i32>} : memref<2x25x32x16xi32, #tpu.memory_space<vmem>>, vector<16xi32>,
          %get3A_345 = arith.constant 0 : i32
          %get3A_346 = arith.constant 1 : i32
          %get3A_347 = arith.index_cast %get3A_345 : i32 to index
          %get3A_348 = arith.index_cast %scan3A_337 : i32 to index
          %get3A_349 = arith.index_cast %get3A_346 : i32 to index
          %get3A_350 = arith.constant 0 : index
          %get3A_351 = tpu.vector_load %arg9[%get3A_347, %get3A_348, %get3A_349, %get3A_350] {strides = array<i32>} : memref<2x25x32x16xi32, #tpu.memory_space<vmem>>, vector<16xi32>,
          %get3A_352 = arith.constant 0 : i32
          %get3A_353 = arith.constant 2 : i32
          %get3A_354 = arith.index_cast %get3A_352 : i32 to index
          %get3A_355 = arith.index_cast %scan3A_337 : i32 to index
          %get3A_356 = arith.index_cast %get3A_353 : i32 to index
          %get3A_357 = arith.constant 0 : index
          %get3A_358 = tpu.vector_load %arg9[%get3A_354, %get3A_355, %get3A_356, %get3A_357] {strides = array<i32>} : memref<2x25x32x16xi32, #tpu.memory_space<vmem>>, vector<16xi32>,
          %get3A_359 = arith.constant 0 : i32
          %get3A_360 = arith.constant 3 : i32
          %get3A_361 = arith.index_cast %get3A_359 : i32 to index
          %get3A_362 = arith.index_cast %scan3A_337 : i32 to index
          %get3A_363 = arith.index_cast %get3A_360 : i32 to index
          %get3A_364 = arith.constant 0 : index
          %get3A_365 = tpu.vector_load %arg9[%get3A_361, %get3A_362, %get3A_363, %get3A_364] {strides = array<i32>} : memref<2x25x32x16xi32, #tpu.memory_space<vmem>>, vector<16xi32>,
          %get3A_366 = arith.constant 0 : i32
          %get3A_367 = arith.constant 4 : i32
          %get3A_368 = arith.index_cast %get3A_366 : i32 to index
          %get3A_369 = arith.index_cast %scan3A_337 : i32 to index
          %get3A_370 = arith.index_cast %get3A_367 : i32 to index
          %get3A_371 = arith.constant 0 : index
          %get3A_372 = tpu.vector_load %arg9[%get3A_368, %get3A_369, %get3A_370, %get3A_371] {strides = array<i32>} : memref<2x25x32x16xi32, #tpu.memory_space<vmem>>, vector<16xi32>,
          %get3A_373 = arith.constant 0 : i32
          %get3A_374 = arith.constant 5 : i32
          %get3A_375 = arith.index_cast %get3A_373 : i32 to index
          %get3A_376 = arith.index_cast %scan3A_337 : i32 to index
          %get3A_377 = arith.index_cast %get3A_374 : i32 to index
          %get3A_378 = arith.constant 0 : index
          %get3A_379 = tpu.vector_load %arg9[%get3A_375, %get3A_376, %get3A_377, %get3A_378] {strides = array<i32>} : memref<2x25x32x16xi32, #tpu.memory_space<vmem>>, vector<16xi32>,
          %get3A_380 = arith.constant 0 : i32
          %get3A_381 = arith.constant 6 : i32
          %get3A_382 = arith.index_cast %get3A_380 : i32 to index
          %get3A_383 = arith.index_cast %scan3A_337 : i32 to index
          %get3A_384 = arith.index_cast %get3A_381 : i32 to index
          %get3A_385 = arith.constant 0 : index
          %get3A_386 = tpu.vector_load %arg9[%get3A_382, %get3A_383, %get3A_384, %get3A_385] {strides = array<i32>} : memref<2x25x32x16xi32, #tpu.memory_space<vmem>>, vector<16xi32>,
          %get3A_387 = arith.constant 0 : i32
          %get3A_388 = arith.constant 7 : i32
          %get3A_389 = arith.index_cast %get3A_387 : i32 to index
          %get3A_390 = arith.index_cast %scan3A_337 : i32 to index
          %get3A_391 = arith.index_cast %get3A_388 : i32 to index
          %get3A_392 = arith.constant 0 : index
          %get3A_393 = tpu.vector_load %arg9[%get3A_389, %get3A_390, %get3A_391, %get3A_392] {strides = array<i32>} : memref<2x25x32x16xi32, #tpu.memory_space<vmem>>, vector<16xi32>,
          %get3A_394 = arith.constant 0 : i32
          %get3A_395 = arith.constant 8 : i32
          %get3A_396 = arith.index_cast %get3A_394 : i32 to index
          %get3A_397 = arith.index_cast %scan3A_337 : i32 to index
          %get3A_398 = arith.index_cast %get3A_395 : i32 to index
          %get3A_399 = arith.constant 0 : index
          %get3A_400 = tpu.vector_load %arg9[%get3A_396, %get3A_397, %get3A_398, %get3A_399] {strides = array<i32>} : memref<2x25x32x16xi32, #tpu.memory_space<vmem>>, vector<16xi32>,
          %get3A_401 = arith.constant 0 : i32
          %get3A_402 = arith.constant 9 : i32
          %get3A_403 = arith.index_cast %get3A_401 : i32 to index
          %get3A_404 = arith.index_cast %scan3A_337 : i32 to index
          %get3A_405 = arith.index_cast %get3A_402 : i32 to index
          %get3A_406 = arith.constant 0 : index
          %get3A_407 = tpu.vector_load %arg9[%get3A_403, %get3A_404, %get3A_405, %get3A_406] {strides = array<i32>} : memref<2x25x32x16xi32, #tpu.memory_space<vmem>>, vector<16xi32>,
          %get3A_408 = arith.constant 0 : i32
          %get3A_409 = arith.constant 10 : i32
          %get3A_410 = arith.index_cast %get3A_408 : i32 to index
          %get3A_411 = arith.index_cast %scan3A_337 : i32 to index
          %get3A_412 = arith.index_cast %get3A_409 : i32 to index
          %get3A_413 = arith.constant 0 : index
          %get3A_414 = tpu.vector_load %arg9[%get3A_410, %get3A_411, %get3A_412, %get3A_413] {strides = array<i32>} : memref<2x25x32x16xi32, #tpu.memory_space<vmem>>, vector<16xi32>,
          %get3A_415 = arith.constant 0 : i32
          %get3A_416 = arith.constant 11 : i32
          %get3A_417 = arith.index_cast %get3A_415 : i32 to index
          %get3A_418 = arith.index_cast %scan3A_337 : i32 to index
          %get3A_419 = arith.index_cast %get3A_416 : i32 to index
          %get3A_420 = arith.constant 0 : index
          %get3A_421 = tpu.vector_load %arg9[%get3A_417, %get3A_418, %get3A_419, %get3A_420] {strides = array<i32>} : memref<2x25x32x16xi32, #tpu.memory_space<vmem>>, vector<16xi32>,
          %get3A_422 = arith.constant 0 : i32
          %get3A_423 = arith.constant 12 : i32
          %get3A_424 = arith.index_cast %get3A_422 : i32 to index
          %get3A_425 = arith.index_cast %scan3A_337 : i32 to index
          %get3A_426 = arith.index_cast %get3A_423 : i32 to index
          %get3A_427 = arith.constant 0 : index
          %get3A_428 = tpu.vector_load %arg9[%get3A_424, %get3A_425, %get3A_426, %get3A_427] {strides = array<i32>} : memref<2x25x32x16xi32, #tpu.memory_space<vmem>>, vector<16xi32>,
          %get3A_429 = arith.constant 0 : i32
          %get3A_430 = arith.constant 13 : i32
          %get3A_431 = arith.index_cast %get3A_429 : i32 to index
          %get3A_432 = arith.index_cast %scan3A_337 : i32 to index
          %get3A_433 = arith.index_cast %get3A_430 : i32 to index
          %get3A_434 = arith.constant 0 : index
          %get3A_435 = tpu.vector_load %arg9[%get3A_431, %get3A_432, %get3A_433, %get3A_434] {strides = array<i32>} : memref<2x25x32x16xi32, #tpu.memory_space<vmem>>, vector<16xi32>,
          %get3A_436 = arith.constant 0 : i32
          %get3A_437 = arith.constant 14 : i32
          %get3A_438 = arith.index_cast %get3A_436 : i32 to index
          %get3A_439 = arith.index_cast %scan3A_337 : i32 to index
          %get3A_440 = arith.index_cast %get3A_437 : i32 to index
          %get3A_441 = arith.constant 0 : index
          %get3A_442 = tpu.vector_load %arg9[%get3A_438, %get3A_439, %get3A_440, %get3A_441] {strides = array<i32>} : memref<2x25x32x16xi32, #tpu.memory_space<vmem>>, vector<16xi32>,
          %get3A_443 = arith.constant 0 : i32
          %get3A_444 = arith.constant 15 : i32
          %get3A_445 = arith.index_cast %get3A_443 : i32 to index
          %get3A_446 = arith.index_cast %scan3A_337 : i32 to index
          %get3A_447 = arith.index_cast %get3A_444 : i32 to index
          %get3A_448 = arith.constant 0 : index
          %get3A_449 = tpu.vector_load %arg9[%get3A_445, %get3A_446, %get3A_447, %get3A_448] {strides = array<i32>} : memref<2x25x32x16xi32, #tpu.memory_space<vmem>>, vector<16xi32>,
          %get3A_450 = arith.constant 0 : i32
          %get3A_451 = arith.constant 16 : i32
          %get3A_452 = arith.index_cast %get3A_450 : i32 to index
          %get3A_453 = arith.index_cast %scan3A_337 : i32 to index
          %get3A_454 = arith.index_cast %get3A_451 : i32 to index
          %get3A_455 = arith.constant 0 : index
          %get3A_456 = tpu.vector_load %arg9[%get3A_452, %get3A_453, %get3A_454, %get3A_455] {strides = array<i32>} : memref<2x25x32x16xi32, #tpu.memory_space<vmem>>, vector<16xi32>,
          %get3A_457 = arith.constant 0 : i32
          %get3A_458 = arith.constant 17 : i32
          %get3A_459 = arith.index_cast %get3A_457 : i32 to index
          %get3A_460 = arith.index_cast %scan3A_337 : i32 to index
          %get3A_461 = arith.index_cast %get3A_458 : i32 to index
          %get3A_462 = arith.constant 0 : index
          %get3A_463 = tpu.vector_load %arg9[%get3A_459, %get3A_460, %get3A_461, %get3A_462] {strides = array<i32>} : memref<2x25x32x16xi32, #tpu.memory_space<vmem>>, vector<16xi32>,
          %get3A_464 = arith.constant 0 : i32
          %get3A_465 = arith.constant 18 : i32
          %get3A_466 = arith.index_cast %get3A_464 : i32 to index
          %get3A_467 = arith.index_cast %scan3A_337 : i32 to index
          %get3A_468 = arith.index_cast %get3A_465 : i32 to index
          %get3A_469 = arith.constant 0 : index
          %get3A_470 = tpu.vector_load %arg9[%get3A_466, %get3A_467, %get3A_468, %get3A_469] {strides = array<i32>} : memref<2x25x32x16xi32, #tpu.memory_space<vmem>>, vector<16xi32>,
          %get3A_471 = arith.constant 0 : i32
          %get3A_472 = arith.constant 19 : i32
          %get3A_473 = arith.index_cast %get3A_471 : i32 to index
          %get3A_474 = arith.index_cast %scan3A_337 : i32 to index
          %get3A_475 = arith.index_cast %get3A_472 : i32 to index
          %get3A_476 = arith.constant 0 : index
          %get3A_477 = tpu.vector_load %arg9[%get3A_473, %get3A_474, %get3A_475, %get3A_476] {strides = array<i32>} : memref<2x25x32x16xi32, #tpu.memory_space<vmem>>, vector<16xi32>,
          %get3A_478 = arith.constant 0 : i32
          %get3A_479 = arith.constant 20 : i32
          %get3A_480 = arith.index_cast %get3A_478 : i32 to index
          %get3A_481 = arith.index_cast %scan3A_337 : i32 to index
          %get3A_482 = arith.index_cast %get3A_479 : i32 to index
          %get3A_483 = arith.constant 0 : index
          %get3A_484 = tpu.vector_load %arg9[%get3A_480, %get3A_481, %get3A_482, %get3A_483] {strides = array<i32>} : memref<2x25x32x16xi32, #tpu.memory_space<vmem>>, vector<16xi32>,
          %get3A_485 = arith.constant 0 : i32
          %get3A_486 = arith.constant 21 : i32
          %get3A_487 = arith.index_cast %get3A_485 : i32 to index
          %get3A_488 = arith.index_cast %scan3A_337 : i32 to index
          %get3A_489 = arith.index_cast %get3A_486 : i32 to index
          %get3A_490 = arith.constant 0 : index
          %get3A_491 = tpu.vector_load %arg9[%get3A_487, %get3A_488, %get3A_489, %get3A_490] {strides = array<i32>} : memref<2x25x32x16xi32, #tpu.memory_space<vmem>>, vector<16xi32>,
          %get3A_492 = arith.constant 0 : i32
          %get3A_493 = arith.constant 22 : i32
          %get3A_494 = arith.index_cast %get3A_492 : i32 to index
          %get3A_495 = arith.index_cast %scan3A_337 : i32 to index
          %get3A_496 = arith.index_cast %get3A_493 : i32 to index
          %get3A_497 = arith.constant 0 : index
          %get3A_498 = tpu.vector_load %arg9[%get3A_494, %get3A_495, %get3A_496, %get3A_497] {strides = array<i32>} : memref<2x25x32x16xi32, #tpu.memory_space<vmem>>, vector<16xi32>,
          %get3A_499 = arith.constant 0 : i32
          %get3A_500 = arith.constant 23 : i32
          %get3A_501 = arith.index_cast %get3A_499 : i32 to index
          %get3A_502 = arith.index_cast %scan3A_337 : i32 to index
          %get3A_503 = arith.index_cast %get3A_500 : i32 to index
          %get3A_504 = arith.constant 0 : index
          %get3A_505 = tpu.vector_load %arg9[%get3A_501, %get3A_502, %get3A_503, %get3A_504] {strides = array<i32>} : memref<2x25x32x16xi32, #tpu.memory_space<vmem>>, vector<16xi32>,
          %get3A_506 = arith.constant 0 : i32
          %get3A_507 = arith.constant 24 : i32
          %get3A_508 = arith.index_cast %get3A_506 : i32 to index
          %get3A_509 = arith.index_cast %scan3A_337 : i32 to index
          %get3A_510 = arith.index_cast %get3A_507 : i32 to index
          %get3A_511 = arith.constant 0 : index
          %get3A_512 = tpu.vector_load %arg9[%get3A_508, %get3A_509, %get3A_510, %get3A_511] {strides = array<i32>} : memref<2x25x32x16xi32, #tpu.memory_space<vmem>>, vector<16xi32>,
          %get3A_513 = arith.constant 0 : i32
          %get3A_514 = arith.constant 25 : i32
          %get3A_515 = arith.index_cast %get3A_513 : i32 to index
          %get3A_516 = arith.index_cast %scan3A_337 : i32 to index
          %get3A_517 = arith.index_cast %get3A_514 : i32 to index
          %get3A_518 = arith.constant 0 : index
          %get3A_519 = tpu.vector_load %arg9[%get3A_515, %get3A_516, %get3A_517, %get3A_518] {strides = array<i32>} : memref<2x25x32x16xi32, #tpu.memory_space<vmem>>, vector<16xi32>,
          %get3A_520 = arith.constant 0 : i32
          %get3A_521 = arith.constant 26 : i32
          %get3A_522 = arith.index_cast %get3A_520 : i32 to index
          %get3A_523 = arith.index_cast %scan3A_337 : i32 to index
          %get3A_524 = arith.index_cast %get3A_521 : i32 to index
          %get3A_525 = arith.constant 0 : index
          %get3A_526 = tpu.vector_load %arg9[%get3A_522, %get3A_523, %get3A_524, %get3A_525] {strides = array<i32>} : memref<2x25x32x16xi32, #tpu.memory_space<vmem>>, vector<16xi32>,
          %get3A_527 = arith.constant 0 : i32
          %get3A_528 = arith.constant 27 : i32
          %get3A_529 = arith.index_cast %get3A_527 : i32 to index
          %get3A_530 = arith.index_cast %scan3A_337 : i32 to index
          %get3A_531 = arith.index_cast %get3A_528 : i32 to index
          %get3A_532 = arith.constant 0 : index
          %get3A_533 = tpu.vector_load %arg9[%get3A_529, %get3A_530, %get3A_531, %get3A_532] {strides = array<i32>} : memref<2x25x32x16xi32, #tpu.memory_space<vmem>>, vector<16xi32>,
          %get3A_534 = arith.constant 0 : i32
          %get3A_535 = arith.constant 28 : i32
          %get3A_536 = arith.index_cast %get3A_534 : i32 to index
          %get3A_537 = arith.index_cast %scan3A_337 : i32 to index
          %get3A_538 = arith.index_cast %get3A_535 : i32 to index
          %get3A_539 = arith.constant 0 : index
          %get3A_540 = tpu.vector_load %arg9[%get3A_536, %get3A_537, %get3A_538, %get3A_539] {strides = array<i32>} : memref<2x25x32x16xi32, #tpu.memory_space<vmem>>, vector<16xi32>,
          %get3A_541 = arith.constant 0 : i32
          %get3A_542 = arith.constant 29 : i32
          %get3A_543 = arith.index_cast %get3A_541 : i32 to index
          %get3A_544 = arith.index_cast %scan3A_337 : i32 to index
          %get3A_545 = arith.index_cast %get3A_542 : i32 to index
          %get3A_546 = arith.constant 0 : index
          %get3A_547 = tpu.vector_load %arg9[%get3A_543, %get3A_544, %get3A_545, %get3A_546] {strides = array<i32>} : memref<2x25x32x16xi32, #tpu.memory_space<vmem>>, vector<16xi32>,
          %get3A_548 = arith.constant 0 : i32
          %get3A_549 = arith.constant 30 : i32
          %get3A_550 = arith.index_cast %get3A_548 : i32 to index
          %get3A_551 = arith.index_cast %scan3A_337 : i32 to index
          %get3A_552 = arith.index_cast %get3A_549 : i32 to index
          %get3A_553 = arith.constant 0 : index
          %get3A_554 = tpu.vector_load %arg9[%get3A_550, %get3A_551, %get3A_552, %get3A_553] {strides = array<i32>} : memref<2x25x32x16xi32, #tpu.memory_space<vmem>>, vector<16xi32>,
          %get3A_555 = arith.constant 0 : i32
          %get3A_556 = arith.constant 31 : i32
          %get3A_557 = arith.index_cast %get3A_555 : i32 to index
          %get3A_558 = arith.index_cast %scan3A_337 : i32 to index
          %get3A_559 = arith.index_cast %get3A_556 : i32 to index
          %get3A_560 = arith.constant 0 : index
          %get3A_561 = tpu.vector_load %arg9[%get3A_557, %get3A_558, %get3A_559, %get3A_560] {strides = array<i32>} : memref<2x25x32x16xi32, #tpu.memory_space<vmem>>, vector<16xi32>,
          %gather3A = tpu.vector_load_idx %arg5[%get3A_344] : memref<10000xf32, #tpu.memory_space<vmem>>[vector<16xi32>], vector<16xf32>,
          %gather3A_562 = tpu.vector_load_idx %arg5[%get3A_351] : memref<10000xf32, #tpu.memory_space<vmem>>[vector<16xi32>], vector<16xf32>,
          %max3A = arith.maximumf %gather3A, %gather3A_562 : vector<16xf32>
          %gather3A_563 = tpu.vector_load_idx %arg5[%get3A_358] : memref<10000xf32, #tpu.memory_space<vmem>>[vector<16xi32>], vector<16xf32>,
          %max3A_564 = arith.maximumf %max3A, %gather3A_563 : vector<16xf32>
          %gather3A_565 = tpu.vector_load_idx %arg5[%get3A_365] : memref<10000xf32, #tpu.memory_space<vmem>>[vector<16xi32>], vector<16xf32>,
          %max3A_566 = arith.maximumf %max3A_564, %gather3A_565 : vector<16xf32>
          %gather3A_567 = tpu.vector_load_idx %arg5[%get3A_372] : memref<10000xf32, #tpu.memory_space<vmem>>[vector<16xi32>], vector<16xf32>,
          %max3A_568 = arith.maximumf %max3A_566, %gather3A_567 : vector<16xf32>
          %gather3A_569 = tpu.vector_load_idx %arg5[%get3A_379] : memref<10000xf32, #tpu.memory_space<vmem>>[vector<16xi32>], vector<16xf32>,
          %max3A_570 = arith.maximumf %max3A_568, %gather3A_569 : vector<16xf32>
          %gather3A_571 = tpu.vector_load_idx %arg5[%get3A_386] : memref<10000xf32, #tpu.memory_space<vmem>>[vector<16xi32>], vector<16xf32>,
          %max3A_572 = arith.maximumf %max3A_570, %gather3A_571 : vector<16xf32>
          %gather3A_573 = tpu.vector_load_idx %arg5[%get3A_393] : memref<10000xf32, #tpu.memory_space<vmem>>[vector<16xi32>], vector<16xf32>,
          %max3A_574 = arith.maximumf %max3A_572, %gather3A_573 : vector<16xf32>
          %gather3A_575 = tpu.vector_load_idx %arg5[%get3A_400] : memref<10000xf32, #tpu.memory_space<vmem>>[vector<16xi32>], vector<16xf32>,
          %max3A_576 = arith.maximumf %max3A_574, %gather3A_575 : vector<16xf32>
          %gather3A_577 = tpu.vector_load_idx %arg5[%get3A_407] : memref<10000xf32, #tpu.memory_space<vmem>>[vector<16xi32>], vector<16xf32>,
          %max3A_578 = arith.maximumf %max3A_576, %gather3A_577 : vector<16xf32>
          %gather3A_579 = tpu.vector_load_idx %arg5[%get3A_414] : memref<10000xf32, #tpu.memory_space<vmem>>[vector<16xi32>], vector<16xf32>,
          %max3A_580 = arith.maximumf %max3A_578, %gather3A_579 : vector<16xf32>
          %gather3A_581 = tpu.vector_load_idx %arg5[%get3A_421] : memref<10000xf32, #tpu.memory_space<vmem>>[vector<16xi32>], vector<16xf32>,
          %max3A_582 = arith.maximumf %max3A_580, %gather3A_581 : vector<16xf32>
          %gather3A_583 = tpu.vector_load_idx %arg5[%get3A_428] : memref<10000xf32, #tpu.memory_space<vmem>>[vector<16xi32>], vector<16xf32>,
          %max3A_584 = arith.maximumf %max3A_582, %gather3A_583 : vector<16xf32>
          %gather3A_585 = tpu.vector_load_idx %arg5[%get3A_435] : memref<10000xf32, #tpu.memory_space<vmem>>[vector<16xi32>], vector<16xf32>,
          %max3A_586 = arith.maximumf %max3A_584, %gather3A_585 : vector<16xf32>
          %gather3A_587 = tpu.vector_load_idx %arg5[%get3A_442] : memref<10000xf32, #tpu.memory_space<vmem>>[vector<16xi32>], vector<16xf32>,
          %max3A_588 = arith.maximumf %max3A_586, %gather3A_587 : vector<16xf32>
          %gather3A_589 = tpu.vector_load_idx %arg5[%get3A_449] : memref<10000xf32, #tpu.memory_space<vmem>>[vector<16xi32>], vector<16xf32>,
          %max3A_590 = arith.maximumf %max3A_588, %gather3A_589 : vector<16xf32>
          %gather3A_591 = tpu.vector_load_idx %arg5[%get3A_456] : memref<10000xf32, #tpu.memory_space<vmem>>[vector<16xi32>], vector<16xf32>,
          %max3A_592 = arith.maximumf %max3A_590, %gather3A_591 : vector<16xf32>
          %gather3A_593 = tpu.vector_load_idx %arg5[%get3A_463] : memref<10000xf32, #tpu.memory_space<vmem>>[vector<16xi32>], vector<16xf32>,
          %max3A_594 = arith.maximumf %max3A_592, %gather3A_593 : vector<16xf32>
          %gather3A_595 = tpu.vector_load_idx %arg5[%get3A_470] : memref<10000xf32, #tpu.memory_space<vmem>>[vector<16xi32>], vector<16xf32>,
          %max3A_596 = arith.maximumf %max3A_594, %gather3A_595 : vector<16xf32>
          %gather3A_597 = tpu.vector_load_idx %arg5[%get3A_477] : memref<10000xf32, #tpu.memory_space<vmem>>[vector<16xi32>], vector<16xf32>,
          %max3A_598 = arith.maximumf %max3A_596, %gather3A_597 : vector<16xf32>
          %gather3A_599 = tpu.vector_load_idx %arg5[%get3A_484] : memref<10000xf32, #tpu.memory_space<vmem>>[vector<16xi32>], vector<16xf32>,
          %max3A_600 = arith.maximumf %max3A_598, %gather3A_599 : vector<16xf32>
          %gather3A_601 = tpu.vector_load_idx %arg5[%get3A_491] : memref<10000xf32, #tpu.memory_space<vmem>>[vector<16xi32>], vector<16xf32>,
          %max3A_602 = arith.maximumf %max3A_600, %gather3A_601 : vector<16xf32>
          %gather3A_603 = tpu.vector_load_idx %arg5[%get3A_498] : memref<10000xf32, #tpu.memory_space<vmem>>[vector<16xi32>], vector<16xf32>,
          %max3A_604 = arith.maximumf %max3A_602, %gather3A_603 : vector<16xf32>
          %gather3A_605 = tpu.vector_load_idx %arg5[%get3A_505] : memref<10000xf32, #tpu.memory_space<vmem>>[vector<16xi32>], vector<16xf32>,
          %max3A_606 = arith.maximumf %max3A_604, %gather3A_605 : vector<16xf32>
          %gather3A_607 = tpu.vector_load_idx %arg5[%get3A_512] : memref<10000xf32, #tpu.memory_space<vmem>>[vector<16xi32>], vector<16xf32>,
          %max3A_608 = arith.maximumf %max3A_606, %gather3A_607 : vector<16xf32>
          %gather3A_609 = tpu.vector_load_idx %arg5[%get3A_519] : memref<10000xf32, #tpu.memory_space<vmem>>[vector<16xi32>], vector<16xf32>,
          %max3A_610 = arith.maximumf %max3A_608, %gather3A_609 : vector<16xf32>
          %gather3A_611 = tpu.vector_load_idx %arg5[%get3A_526] : memref<10000xf32, #tpu.memory_space<vmem>>[vector<16xi32>], vector<16xf32>,
          %max3A_612 = arith.maximumf %max3A_610, %gather3A_611 : vector<16xf32>
          %gather3A_613 = tpu.vector_load_idx %arg5[%get3A_533] : memref<10000xf32, #tpu.memory_space<vmem>>[vector<16xi32>], vector<16xf32>,
          %max3A_614 = arith.maximumf %max3A_612, %gather3A_613 : vector<16xf32>
          %gather3A_615 = tpu.vector_load_idx %arg5[%get3A_540] : memref<10000xf32, #tpu.memory_space<vmem>>[vector<16xi32>], vector<16xf32>,
          %max3A_616 = arith.maximumf %max3A_614, %gather3A_615 : vector<16xf32>
          %gather3A_617 = tpu.vector_load_idx %arg5[%get3A_547] : memref<10000xf32, #tpu.memory_space<vmem>>[vector<16xi32>], vector<16xf32>,
          %max3A_618 = arith.maximumf %max3A_616, %gather3A_617 : vector<16xf32>
          %gather3A_619 = tpu.vector_load_idx %arg5[%get3A_554] : memref<10000xf32, #tpu.memory_space<vmem>>[vector<16xi32>], vector<16xf32>,
          %max3A_620 = arith.maximumf %max3A_618, %gather3A_619 : vector<16xf32>
          %gather3A_621 = tpu.vector_load_idx %arg5[%get3A_561] : memref<10000xf32, #tpu.memory_space<vmem>>[vector<16xi32>], vector<16xf32>,
          %max3A_622 = arith.maximumf %max3A_620, %gather3A_621 : vector<16xf32>
          %swap3A = arith.constant 0 : i32
          %swap3A_623 = arith.constant 0 : i32
          %swap3A_624 = arith.index_cast %swap3A : i32 to index
          %swap3A_625 = arith.index_cast %swap3A_623 : i32 to index
          %swap3A_626 = arith.index_cast %scan3A_337 : i32 to index
          %swap3A_627 = arith.constant 0 : index
          %swap3A_628 = tpu.vector_load %arg10[%swap3A_624, %swap3A_625, %swap3A_626, %swap3A_627] {strides = array<i32>} : memref<2x4x25x16xf32, #tpu.memory_space<vmem>>, vector<16xf32>,
          tpu.vector_store %arg10[%swap3A_624, %swap3A_625, %swap3A_626, %swap3A_627], %max3A_622 {strides = array<i32>} : memref<2x4x25x16xf32, #tpu.memory_space<vmem>>, vector<16xf32>,
          %gather3A_629 = tpu.vector_load_idx %arg6[%get3A_344] : memref<10000xf32, #tpu.memory_space<vmem>>[vector<16xi32>], vector<16xf32>,
          %gather3A_630 = tpu.vector_load_idx %arg6[%get3A_351] : memref<10000xf32, #tpu.memory_space<vmem>>[vector<16xi32>], vector<16xf32>,
          %max3A_631 = arith.maximumf %gather3A_629, %gather3A_630 : vector<16xf32>
          %gather3A_632 = tpu.vector_load_idx %arg6[%get3A_358] : memref<10000xf32, #tpu.memory_space<vmem>>[vector<16xi32>], vector<16xf32>,
          %max3A_633 = arith.maximumf %max3A_631, %gather3A_632 : vector<16xf32>
          %gather3A_634 = tpu.vector_load_idx %arg6[%get3A_365] : memref<10000xf32, #tpu.memory_space<vmem>>[vector<16xi32>], vector<16xf32>,
          %max3A_635 = arith.maximumf %max3A_633, %gather3A_634 : vector<16xf32>
          %gather3A_636 = tpu.vector_load_idx %arg6[%get3A_372] : memref<10000xf32, #tpu.memory_space<vmem>>[vector<16xi32>], vector<16xf32>,
          %max3A_637 = arith.maximumf %max3A_635, %gather3A_636 : vector<16xf32>
          %gather3A_638 = tpu.vector_load_idx %arg6[%get3A_379] : memref<10000xf32, #tpu.memory_space<vmem>>[vector<16xi32>], vector<16xf32>,
          %max3A_639 = arith.maximumf %max3A_637, %gather3A_638 : vector<16xf32>
          %gather3A_640 = tpu.vector_load_idx %arg6[%get3A_386] : memref<10000xf32, #tpu.memory_space<vmem>>[vector<16xi32>], vector<16xf32>,
          %max3A_641 = arith.maximumf %max3A_639, %gather3A_640 : vector<16xf32>
          %gather3A_642 = tpu.vector_load_idx %arg6[%get3A_393] : memref<10000xf32, #tpu.memory_space<vmem>>[vector<16xi32>], vector<16xf32>,
          %max3A_643 = arith.maximumf %max3A_641, %gather3A_642 : vector<16xf32>
          %gather3A_644 = tpu.vector_load_idx %arg6[%get3A_400] : memref<10000xf32, #tpu.memory_space<vmem>>[vector<16xi32>], vector<16xf32>,
          %max3A_645 = arith.maximumf %max3A_643, %gather3A_644 : vector<16xf32>
          %gather3A_646 = tpu.vector_load_idx %arg6[%get3A_407] : memref<10000xf32, #tpu.memory_space<vmem>>[vector<16xi32>], vector<16xf32>,
          %max3A_647 = arith.maximumf %max3A_645, %gather3A_646 : vector<16xf32>
          %gather3A_648 = tpu.vector_load_idx %arg6[%get3A_414] : memref<10000xf32, #tpu.memory_space<vmem>>[vector<16xi32>], vector<16xf32>,
          %max3A_649 = arith.maximumf %max3A_647, %gather3A_648 : vector<16xf32>
          %gather3A_650 = tpu.vector_load_idx %arg6[%get3A_421] : memref<10000xf32, #tpu.memory_space<vmem>>[vector<16xi32>], vector<16xf32>,
          %max3A_651 = arith.maximumf %max3A_649, %gather3A_650 : vector<16xf32>
          %gather3A_652 = tpu.vector_load_idx %arg6[%get3A_428] : memref<10000xf32, #tpu.memory_space<vmem>>[vector<16xi32>], vector<16xf32>,
          %max3A_653 = arith.maximumf %max3A_651, %gather3A_652 : vector<16xf32>
          %gather3A_654 = tpu.vector_load_idx %arg6[%get3A_435] : memref<10000xf32, #tpu.memory_space<vmem>>[vector<16xi32>], vector<16xf32>,
          %max3A_655 = arith.maximumf %max3A_653, %gather3A_654 : vector<16xf32>
          %gather3A_656 = tpu.vector_load_idx %arg6[%get3A_442] : memref<10000xf32, #tpu.memory_space<vmem>>[vector<16xi32>], vector<16xf32>,
          %max3A_657 = arith.maximumf %max3A_655, %gather3A_656 : vector<16xf32>
          %gather3A_658 = tpu.vector_load_idx %arg6[%get3A_449] : memref<10000xf32, #tpu.memory_space<vmem>>[vector<16xi32>], vector<16xf32>,
          %max3A_659 = arith.maximumf %max3A_657, %gather3A_658 : vector<16xf32>
          %gather3A_660 = tpu.vector_load_idx %arg6[%get3A_456] : memref<10000xf32, #tpu.memory_space<vmem>>[vector<16xi32>], vector<16xf32>,
          %max3A_661 = arith.maximumf %max3A_659, %gather3A_660 : vector<16xf32>
          %gather3A_662 = tpu.vector_load_idx %arg6[%get3A_463] : memref<10000xf32, #tpu.memory_space<vmem>>[vector<16xi32>], vector<16xf32>,
          %max3A_663 = arith.maximumf %max3A_661, %gather3A_662 : vector<16xf32>
          %gather3A_664 = tpu.vector_load_idx %arg6[%get3A_470] : memref<10000xf32, #tpu.memory_space<vmem>>[vector<16xi32>], vector<16xf32>,
          %max3A_665 = arith.maximumf %max3A_663, %gather3A_664 : vector<16xf32>
          %gather3A_666 = tpu.vector_load_idx %arg6[%get3A_477] : memref<10000xf32, #tpu.memory_space<vmem>>[vector<16xi32>], vector<16xf32>,
          %max3A_667 = arith.maximumf %max3A_665, %gather3A_666 : vector<16xf32>
          %gather3A_668 = tpu.vector_load_idx %arg6[%get3A_484] : memref<10000xf32, #tpu.memory_space<vmem>>[vector<16xi32>], vector<16xf32>,
          %max3A_669 = arith.maximumf %max3A_667, %gather3A_668 : vector<16xf32>
          %gather3A_670 = tpu.vector_load_idx %arg6[%get3A_491] : memref<10000xf32, #tpu.memory_space<vmem>>[vector<16xi32>], vector<16xf32>,
          %max3A_671 = arith.maximumf %max3A_669, %gather3A_670 : vector<16xf32>
          %gather3A_672 = tpu.vector_load_idx %arg6[%get3A_498] : memref<10000xf32, #tpu.memory_space<vmem>>[vector<16xi32>], vector<16xf32>,
          %max3A_673 = arith.maximumf %max3A_671, %gather3A_672 : vector<16xf32>
          %gather3A_674 = tpu.vector_load_idx %arg6[%get3A_505] : memref<10000xf32, #tpu.memory_space<vmem>>[vector<16xi32>], vector<16xf32>,
          %max3A_675 = arith.maximumf %max3A_673, %gather3A_674 : vector<16xf32>
          %gather3A_676 = tpu.vector_load_idx %arg6[%get3A_512] : memref<10000xf32, #tpu.memory_space<vmem>>[vector<16xi32>], vector<16xf32>,
          %max3A_677 = arith.maximumf %max3A_675, %gather3A_676 : vector<16xf32>
          %gather3A_678 = tpu.vector_load_idx %arg6[%get3A_519] : memref<10000xf32, #tpu.memory_space<vmem>>[vector<16xi32>], vector<16xf32>,
          %max3A_679 = arith.maximumf %max3A_677, %gather3A_678 : vector<16xf32>
          %gather3A_680 = tpu.vector_load_idx %arg6[%get3A_526] : memref<10000xf32, #tpu.memory_space<vmem>>[vector<16xi32>], vector<16xf32>,
          %max3A_681 = arith.maximumf %max3A_679, %gather3A_680 : vector<16xf32>
          %gather3A_682 = tpu.vector_load_idx %arg6[%get3A_533] : memref<10000xf32, #tpu.memory_space<vmem>>[vector<16xi32>], vector<16xf32>,
          %max3A_683 = arith.maximumf %max3A_681, %gather3A_682 : vector<16xf32>
          %gather3A_684 = tpu.vector_load_idx %arg6[%get3A_540] : memref<10000xf32, #tpu.memory_space<vmem>>[vector<16xi32>], vector<16xf32>,
          %max3A_685 = arith.maximumf %max3A_683, %gather3A_684 : vector<16xf32>
          %gather3A_686 = tpu.vector_load_idx %arg6[%get3A_547] : memref<10000xf32, #tpu.memory_space<vmem>>[vector<16xi32>], vector<16xf32>,
          %max3A_687 = arith.maximumf %max3A_685, %gather3A_686 : vector<16xf32>
          %gather3A_688 = tpu.vector_load_idx %arg6[%get3A_554] : memref<10000xf32, #tpu.memory_space<vmem>>[vector<16xi32>], vector<16xf32>,
          %max3A_689 = arith.maximumf %max3A_687, %gather3A_688 : vector<16xf32>
          %gather3A_690 = tpu.vector_load_idx %arg6[%get3A_561] : memref<10000xf32, #tpu.memory_space<vmem>>[vector<16xi32>], vector<16xf32>,
          %max3A_691 = arith.maximumf %max3A_689, %gather3A_690 : vector<16xf32>
          %swap3A_692 = arith.constant 0 : i32
          %swap3A_693 = arith.constant 1 : i32
          %swap3A_694 = arith.index_cast %swap3A_692 : i32 to index
          %swap3A_695 = arith.index_cast %swap3A_693 : i32 to index
          %swap3A_696 = arith.index_cast %scan3A_337 : i32 to index
          %swap3A_697 = arith.constant 0 : index
          %swap3A_698 = tpu.vector_load %arg10[%swap3A_694, %swap3A_695, %swap3A_696, %swap3A_697] {strides = array<i32>} : memref<2x4x25x16xf32, #tpu.memory_space<vmem>>, vector<16xf32>,
          tpu.vector_store %arg10[%swap3A_694, %swap3A_695, %swap3A_696, %swap3A_697], %max3A_691 {strides = array<i32>} : memref<2x4x25x16xf32, #tpu.memory_space<vmem>>, vector<16xf32>,
          %gather3A_699 = tpu.vector_load_idx %arg7[%get3A_344] : memref<10000xf32, #tpu.memory_space<vmem>>[vector<16xi32>], vector<16xf32>,
          %gather3A_700 = tpu.vector_load_idx %arg7[%get3A_351] : memref<10000xf32, #tpu.memory_space<vmem>>[vector<16xi32>], vector<16xf32>,
          %max3A_701 = arith.maximumf %gather3A_699, %gather3A_700 : vector<16xf32>
          %gather3A_702 = tpu.vector_load_idx %arg7[%get3A_358] : memref<10000xf32, #tpu.memory_space<vmem>>[vector<16xi32>], vector<16xf32>,
          %max3A_703 = arith.maximumf %max3A_701, %gather3A_702 : vector<16xf32>
          %gather3A_704 = tpu.vector_load_idx %arg7[%get3A_365] : memref<10000xf32, #tpu.memory_space<vmem>>[vector<16xi32>], vector<16xf32>,
          %max3A_705 = arith.maximumf %max3A_703, %gather3A_704 : vector<16xf32>
          %gather3A_706 = tpu.vector_load_idx %arg7[%get3A_372] : memref<10000xf32, #tpu.memory_space<vmem>>[vector<16xi32>], vector<16xf32>,
          %max3A_707 = arith.maximumf %max3A_705, %gather3A_706 : vector<16xf32>
          %gather3A_708 = tpu.vector_load_idx %arg7[%get3A_379] : memref<10000xf32, #tpu.memory_space<vmem>>[vector<16xi32>], vector<16xf32>,
          %max3A_709 = arith.maximumf %max3A_707, %gather3A_708 : vector<16xf32>
          %gather3A_710 = tpu.vector_load_idx %arg7[%get3A_386] : memref<10000xf32, #tpu.memory_space<vmem>>[vector<16xi32>], vector<16xf32>,
          %max3A_711 = arith.maximumf %max3A_709, %gather3A_710 : vector<16xf32>
          %gather3A_712 = tpu.vector_load_idx %arg7[%get3A_393] : memref<10000xf32, #tpu.memory_space<vmem>>[vector<16xi32>], vector<16xf32>,
          %max3A_713 = arith.maximumf %max3A_711, %gather3A_712 : vector<16xf32>
          %gather3A_714 = tpu.vector_load_idx %arg7[%get3A_400] : memref<10000xf32, #tpu.memory_space<vmem>>[vector<16xi32>], vector<16xf32>,
          %max3A_715 = arith.maximumf %max3A_713, %gather3A_714 : vector<16xf32>
          %gather3A_716 = tpu.vector_load_idx %arg7[%get3A_407] : memref<10000xf32, #tpu.memory_space<vmem>>[vector<16xi32>], vector<16xf32>,
          %max3A_717 = arith.maximumf %max3A_715, %gather3A_716 : vector<16xf32>
          %gather3A_718 = tpu.vector_load_idx %arg7[%get3A_414] : memref<10000xf32, #tpu.memory_space<vmem>>[vector<16xi32>], vector<16xf32>,
          %max3A_719 = arith.maximumf %max3A_717, %gather3A_718 : vector<16xf32>
          %gather3A_720 = tpu.vector_load_idx %arg7[%get3A_421] : memref<10000xf32, #tpu.memory_space<vmem>>[vector<16xi32>], vector<16xf32>,
          %max3A_721 = arith.maximumf %max3A_719, %gather3A_720 : vector<16xf32>
          %gather3A_722 = tpu.vector_load_idx %arg7[%get3A_428] : memref<10000xf32, #tpu.memory_space<vmem>>[vector<16xi32>], vector<16xf32>,
          %max3A_723 = arith.maximumf %max3A_721, %gather3A_722 : vector<16xf32>
          %gather3A_724 = tpu.vector_load_idx %arg7[%get3A_435] : memref<10000xf32, #tpu.memory_space<vmem>>[vector<16xi32>], vector<16xf32>,
          %max3A_725 = arith.maximumf %max3A_723, %gather3A_724 : vector<16xf32>
          %gather3A_726 = tpu.vector_load_idx %arg7[%get3A_442] : memref<10000xf32, #tpu.memory_space<vmem>>[vector<16xi32>], vector<16xf32>,
          %max3A_727 = arith.maximumf %max3A_725, %gather3A_726 : vector<16xf32>
          %gather3A_728 = tpu.vector_load_idx %arg7[%get3A_449] : memref<10000xf32, #tpu.memory_space<vmem>>[vector<16xi32>], vector<16xf32>,
          %max3A_729 = arith.maximumf %max3A_727, %gather3A_728 : vector<16xf32>
          %gather3A_730 = tpu.vector_load_idx %arg7[%get3A_456] : memref<10000xf32, #tpu.memory_space<vmem>>[vector<16xi32>], vector<16xf32>,
          %max3A_731 = arith.maximumf %max3A_729, %gather3A_730 : vector<16xf32>
          %gather3A_732 = tpu.vector_load_idx %arg7[%get3A_463] : memref<10000xf32, #tpu.memory_space<vmem>>[vector<16xi32>], vector<16xf32>,
          %max3A_733 = arith.maximumf %max3A_731, %gather3A_732 : vector<16xf32>
          %gather3A_734 = tpu.vector_load_idx %arg7[%get3A_470] : memref<10000xf32, #tpu.memory_space<vmem>>[vector<16xi32>], vector<16xf32>,
          %max3A_735 = arith.maximumf %max3A_733, %gather3A_734 : vector<16xf32>
          %gather3A_736 = tpu.vector_load_idx %arg7[%get3A_477] : memref<10000xf32, #tpu.memory_space<vmem>>[vector<16xi32>], vector<16xf32>,
          %max3A_737 = arith.maximumf %max3A_735, %gather3A_736 : vector<16xf32>
          %gather3A_738 = tpu.vector_load_idx %arg7[%get3A_484] : memref<10000xf32, #tpu.memory_space<vmem>>[vector<16xi32>], vector<16xf32>,
          %max3A_739 = arith.maximumf %max3A_737, %gather3A_738 : vector<16xf32>
          %gather3A_740 = tpu.vector_load_idx %arg7[%get3A_491] : memref<10000xf32, #tpu.memory_space<vmem>>[vector<16xi32>], vector<16xf32>,
          %max3A_741 = arith.maximumf %max3A_739, %gather3A_740 : vector<16xf32>
          %gather3A_742 = tpu.vector_load_idx %arg7[%get3A_498] : memref<10000xf32, #tpu.memory_space<vmem>>[vector<16xi32>], vector<16xf32>,
          %max3A_743 = arith.maximumf %max3A_741, %gather3A_742 : vector<16xf32>
          %gather3A_744 = tpu.vector_load_idx %arg7[%get3A_505] : memref<10000xf32, #tpu.memory_space<vmem>>[vector<16xi32>], vector<16xf32>,
          %max3A_745 = arith.maximumf %max3A_743, %gather3A_744 : vector<16xf32>
          %gather3A_746 = tpu.vector_load_idx %arg7[%get3A_512] : memref<10000xf32, #tpu.memory_space<vmem>>[vector<16xi32>], vector<16xf32>,
          %max3A_747 = arith.maximumf %max3A_745, %gather3A_746 : vector<16xf32>
          %gather3A_748 = tpu.vector_load_idx %arg7[%get3A_519] : memref<10000xf32, #tpu.memory_space<vmem>>[vector<16xi32>], vector<16xf32>,
          %max3A_749 = arith.maximumf %max3A_747, %gather3A_748 : vector<16xf32>
          %gather3A_750 = tpu.vector_load_idx %arg7[%get3A_526] : memref<10000xf32, #tpu.memory_space<vmem>>[vector<16xi32>], vector<16xf32>,
          %max3A_751 = arith.maximumf %max3A_749, %gather3A_750 : vector<16xf32>
          %gather3A_752 = tpu.vector_load_idx %arg7[%get3A_533] : memref<10000xf32, #tpu.memory_space<vmem>>[vector<16xi32>], vector<16xf32>,
          %max3A_753 = arith.maximumf %max3A_751, %gather3A_752 : vector<16xf32>
          %gather3A_754 = tpu.vector_load_idx %arg7[%get3A_540] : memref<10000xf32, #tpu.memory_space<vmem>>[vector<16xi32>], vector<16xf32>,
          %max3A_755 = arith.maximumf %max3A_753, %gather3A_754 : vector<16xf32>
          %gather3A_756 = tpu.vector_load_idx %arg7[%get3A_547] : memref<10000xf32, #tpu.memory_space<vmem>>[vector<16xi32>], vector<16xf32>,
          %max3A_757 = arith.maximumf %max3A_755, %gather3A_756 : vector<16xf32>
          %gather3A_758 = tpu.vector_load_idx %arg7[%get3A_554] : memref<10000xf32, #tpu.memory_space<vmem>>[vector<16xi32>], vector<16xf32>,
          %max3A_759 = arith.maximumf %max3A_757, %gather3A_758 : vector<16xf32>
          %gather3A_760 = tpu.vector_load_idx %arg7[%get3A_561] : memref<10000xf32, #tpu.memory_space<vmem>>[vector<16xi32>], vector<16xf32>,
          %max3A_761 = arith.maximumf %max3A_759, %gather3A_760 : vector<16xf32>
          %swap3A_762 = arith.constant 0 : i32
          %swap3A_763 = arith.constant 2 : i32
          %swap3A_764 = arith.index_cast %swap3A_762 : i32 to index
          %swap3A_765 = arith.index_cast %swap3A_763 : i32 to index
          %swap3A_766 = arith.index_cast %scan3A_337 : i32 to index
          %swap3A_767 = arith.constant 0 : index
          %swap3A_768 = tpu.vector_load %arg10[%swap3A_764, %swap3A_765, %swap3A_766, %swap3A_767] {strides = array<i32>} : memref<2x4x25x16xf32, #tpu.memory_space<vmem>>, vector<16xf32>,
          tpu.vector_store %arg10[%swap3A_764, %swap3A_765, %swap3A_766, %swap3A_767], %max3A_761 {strides = array<i32>} : memref<2x4x25x16xf32, #tpu.memory_space<vmem>>, vector<16xf32>,
          %gather3A_769 = tpu.vector_load_idx %arg8[%get3A_344] : memref<10000xf32, #tpu.memory_space<vmem>>[vector<16xi32>], vector<16xf32>,
          %gather3A_770 = tpu.vector_load_idx %arg8[%get3A_351] : memref<10000xf32, #tpu.memory_space<vmem>>[vector<16xi32>], vector<16xf32>,
          %max3A_771 = arith.maximumf %gather3A_769, %gather3A_770 : vector<16xf32>
          %gather3A_772 = tpu.vector_load_idx %arg8[%get3A_358] : memref<10000xf32, #tpu.memory_space<vmem>>[vector<16xi32>], vector<16xf32>,
          %max3A_773 = arith.maximumf %max3A_771, %gather3A_772 : vector<16xf32>
          %gather3A_774 = tpu.vector_load_idx %arg8[%get3A_365] : memref<10000xf32, #tpu.memory_space<vmem>>[vector<16xi32>], vector<16xf32>,
          %max3A_775 = arith.maximumf %max3A_773, %gather3A_774 : vector<16xf32>
          %gather3A_776 = tpu.vector_load_idx %arg8[%get3A_372] : memref<10000xf32, #tpu.memory_space<vmem>>[vector<16xi32>], vector<16xf32>,
          %max3A_777 = arith.maximumf %max3A_775, %gather3A_776 : vector<16xf32>
          %gather3A_778 = tpu.vector_load_idx %arg8[%get3A_379] : memref<10000xf32, #tpu.memory_space<vmem>>[vector<16xi32>], vector<16xf32>,
          %max3A_779 = arith.maximumf %max3A_777, %gather3A_778 : vector<16xf32>
          %gather3A_780 = tpu.vector_load_idx %arg8[%get3A_386] : memref<10000xf32, #tpu.memory_space<vmem>>[vector<16xi32>], vector<16xf32>,
          %max3A_781 = arith.maximumf %max3A_779, %gather3A_780 : vector<16xf32>
          %gather3A_782 = tpu.vector_load_idx %arg8[%get3A_393] : memref<10000xf32, #tpu.memory_space<vmem>>[vector<16xi32>], vector<16xf32>,
          %max3A_783 = arith.maximumf %max3A_781, %gather3A_782 : vector<16xf32>
          %gather3A_784 = tpu.vector_load_idx %arg8[%get3A_400] : memref<10000xf32, #tpu.memory_space<vmem>>[vector<16xi32>], vector<16xf32>,
          %max3A_785 = arith.maximumf %max3A_783, %gather3A_784 : vector<16xf32>
          %gather3A_786 = tpu.vector_load_idx %arg8[%get3A_407] : memref<10000xf32, #tpu.memory_space<vmem>>[vector<16xi32>], vector<16xf32>,
          %max3A_787 = arith.maximumf %max3A_785, %gather3A_786 : vector<16xf32>
          %gather3A_788 = tpu.vector_load_idx %arg8[%get3A_414] : memref<10000xf32, #tpu.memory_space<vmem>>[vector<16xi32>], vector<16xf32>,
          %max3A_789 = arith.maximumf %max3A_787, %gather3A_788 : vector<16xf32>
          %gather3A_790 = tpu.vector_load_idx %arg8[%get3A_421] : memref<10000xf32, #tpu.memory_space<vmem>>[vector<16xi32>], vector<16xf32>,
          %max3A_791 = arith.maximumf %max3A_789, %gather3A_790 : vector<16xf32>
          %gather3A_792 = tpu.vector_load_idx %arg8[%get3A_428] : memref<10000xf32, #tpu.memory_space<vmem>>[vector<16xi32>], vector<16xf32>,
          %max3A_793 = arith.maximumf %max3A_791, %gather3A_792 : vector<16xf32>
          %gather3A_794 = tpu.vector_load_idx %arg8[%get3A_435] : memref<10000xf32, #tpu.memory_space<vmem>>[vector<16xi32>], vector<16xf32>,
          %max3A_795 = arith.maximumf %max3A_793, %gather3A_794 : vector<16xf32>
          %gather3A_796 = tpu.vector_load_idx %arg8[%get3A_442] : memref<10000xf32, #tpu.memory_space<vmem>>[vector<16xi32>], vector<16xf32>,
          %max3A_797 = arith.maximumf %max3A_795, %gather3A_796 : vector<16xf32>
          %gather3A_798 = tpu.vector_load_idx %arg8[%get3A_449] : memref<10000xf32, #tpu.memory_space<vmem>>[vector<16xi32>], vector<16xf32>,
          %max3A_799 = arith.maximumf %max3A_797, %gather3A_798 : vector<16xf32>
          %gather3A_800 = tpu.vector_load_idx %arg8[%get3A_456] : memref<10000xf32, #tpu.memory_space<vmem>>[vector<16xi32>], vector<16xf32>,
          %max3A_801 = arith.maximumf %max3A_799, %gather3A_800 : vector<16xf32>
          %gather3A_802 = tpu.vector_load_idx %arg8[%get3A_463] : memref<10000xf32, #tpu.memory_space<vmem>>[vector<16xi32>], vector<16xf32>,
          %max3A_803 = arith.maximumf %max3A_801, %gather3A_802 : vector<16xf32>
          %gather3A_804 = tpu.vector_load_idx %arg8[%get3A_470] : memref<10000xf32, #tpu.memory_space<vmem>>[vector<16xi32>], vector<16xf32>,
          %max3A_805 = arith.maximumf %max3A_803, %gather3A_804 : vector<16xf32>
          %gather3A_806 = tpu.vector_load_idx %arg8[%get3A_477] : memref<10000xf32, #tpu.memory_space<vmem>>[vector<16xi32>], vector<16xf32>,
          %max3A_807 = arith.maximumf %max3A_805, %gather3A_806 : vector<16xf32>
          %gather3A_808 = tpu.vector_load_idx %arg8[%get3A_484] : memref<10000xf32, #tpu.memory_space<vmem>>[vector<16xi32>], vector<16xf32>,
          %max3A_809 = arith.maximumf %max3A_807, %gather3A_808 : vector<16xf32>
          %gather3A_810 = tpu.vector_load_idx %arg8[%get3A_491] : memref<10000xf32, #tpu.memory_space<vmem>>[vector<16xi32>], vector<16xf32>,
          %max3A_811 = arith.maximumf %max3A_809, %gather3A_810 : vector<16xf32>
          %gather3A_812 = tpu.vector_load_idx %arg8[%get3A_498] : memref<10000xf32, #tpu.memory_space<vmem>>[vector<16xi32>], vector<16xf32>,
          %max3A_813 = arith.maximumf %max3A_811, %gather3A_812 : vector<16xf32>
          %gather3A_814 = tpu.vector_load_idx %arg8[%get3A_505] : memref<10000xf32, #tpu.memory_space<vmem>>[vector<16xi32>], vector<16xf32>,
          %max3A_815 = arith.maximumf %max3A_813, %gather3A_814 : vector<16xf32>
          %gather3A_816 = tpu.vector_load_idx %arg8[%get3A_512] : memref<10000xf32, #tpu.memory_space<vmem>>[vector<16xi32>], vector<16xf32>,
          %max3A_817 = arith.maximumf %max3A_815, %gather3A_816 : vector<16xf32>
          %gather3A_818 = tpu.vector_load_idx %arg8[%get3A_519] : memref<10000xf32, #tpu.memory_space<vmem>>[vector<16xi32>], vector<16xf32>,
          %max3A_819 = arith.maximumf %max3A_817, %gather3A_818 : vector<16xf32>
          %gather3A_820 = tpu.vector_load_idx %arg8[%get3A_526] : memref<10000xf32, #tpu.memory_space<vmem>>[vector<16xi32>], vector<16xf32>,
          %max3A_821 = arith.maximumf %max3A_819, %gather3A_820 : vector<16xf32>
          %gather3A_822 = tpu.vector_load_idx %arg8[%get3A_533] : memref<10000xf32, #tpu.memory_space<vmem>>[vector<16xi32>], vector<16xf32>,
          %max3A_823 = arith.maximumf %max3A_821, %gather3A_822 : vector<16xf32>
          %gather3A_824 = tpu.vector_load_idx %arg8[%get3A_540] : memref<10000xf32, #tpu.memory_space<vmem>>[vector<16xi32>], vector<16xf32>,
          %max3A_825 = arith.maximumf %max3A_823, %gather3A_824 : vector<16xf32>
          %gather3A_826 = tpu.vector_load_idx %arg8[%get3A_547] : memref<10000xf32, #tpu.memory_space<vmem>>[vector<16xi32>], vector<16xf32>,
          %max3A_827 = arith.maximumf %max3A_825, %gather3A_826 : vector<16xf32>
          %gather3A_828 = tpu.vector_load_idx %arg8[%get3A_554] : memref<10000xf32, #tpu.memory_space<vmem>>[vector<16xi32>], vector<16xf32>,
          %max3A_829 = arith.maximumf %max3A_827, %gather3A_828 : vector<16xf32>
          %gather3A_830 = tpu.vector_load_idx %arg8[%get3A_561] : memref<10000xf32, #tpu.memory_space<vmem>>[vector<16xi32>], vector<16xf32>,
          %max3A_831 = arith.maximumf %max3A_829, %gather3A_830 : vector<16xf32>
          %swap3A_832 = arith.constant 0 : i32
          %swap3A_833 = arith.constant 3 : i32
          %swap3A_834 = arith.index_cast %swap3A_832 : i32 to index
          %swap3A_835 = arith.index_cast %swap3A_833 : i32 to index
          %swap3A_836 = arith.index_cast %scan3A_337 : i32 to index
          %swap3A_837 = arith.constant 0 : index
          %swap3A_838 = tpu.vector_load %arg10[%swap3A_834, %swap3A_835, %swap3A_836, %swap3A_837] {strides = array<i32>} : memref<2x4x25x16xf32, #tpu.memory_space<vmem>>, vector<16xf32>,
          tpu.vector_store %arg10[%swap3A_834, %swap3A_835, %swap3A_836, %swap3A_837], %max3A_831 {strides = array<i32>} : memref<2x4x25x16xf32, #tpu.memory_space<vmem>>, vector<16xf32>,
          %scan3A_839 = arith.constant 0 : i32
          scf.yield %scan3A_839 : i32
        }
        %scan3A_260 = arith.constant 25 : i32
        %dma_start3A_261 = arith.constant 0 : i32
        %dma_start3A_262 = arith.constant 0 : i32
        %dma_start3A_263 = arith.constant 0 : i32
        %dma_start3A_264 = arith.constant 0 : i32
        %dma_start3A_265 = arith.constant 0 : i32
        %dma_start3A_266 = tpu.memref_slice %arg10[%dma_start3A_261, %dma_start3A_262, %dma_start3A_264, %dma_start3A_265] : memref<2x4x25x16xf32, #tpu.memory_space<vmem>> -> memref<1x1x25x16xf32, #tpu.memory_space<vmem>>
        %dma_start3A_267 = tpu.memref_squeeze %dma_start3A_266 : memref<1x1x25x16xf32, #tpu.memory_space<vmem>> -> memref<25x16xf32, #tpu.memory_space<vmem>>
        %dma_start3A_268 = arith.constant 0 : i32
        %dma_start3A_269 = arith.constant 0 : i32
        %dma_start3A_270 = tpu.memref_slice %arg4[%add3A, %dma_start3A_263, %add3A_208, %dma_start3A_268, %dma_start3A_269] : memref<32x4x25x25x16xf32, #tpu.memory_space<hbm>> -> memref<1x1x1x25x16xf32, #tpu.memory_space<hbm>>
        %dma_start3A_271 = tpu.memref_squeeze %dma_start3A_270 : memref<1x1x1x25x16xf32, #tpu.memory_space<hbm>> -> memref<25x16xf32, #tpu.memory_space<hbm>>
        %dma_start3A_272 = arith.constant 0 : i32
        %dma_start3A_273 = arith.constant 0 : i32
        %dma_start3A_274 = tpu.memref_slice %arg4[%add3A, %dma_start3A_263, %add3A_208, %dma_start3A_272, %dma_start3A_273] : memref<32x4x25x25x16xf32, #tpu.memory_space<hbm>> -> memref<1x1x1x25x16xf32, #tpu.memory_space<hbm>>
        %dma_start3A_275 = tpu.memref_squeeze %dma_start3A_274 : memref<1x1x1x25x16xf32, #tpu.memory_space<hbm>> -> memref<25x16xf32, #tpu.memory_space<hbm>>
        %dma_start3A_276 = arith.constant 0 : i32
        %dma_start3A_277 = arith.constant 0 : i32
        %dma_start3A_278 = tpu.memref_slice %arg10[%dma_start3A_261, %dma_start3A_262, %dma_start3A_276, %dma_start3A_277] : memref<2x4x25x16xf32, #tpu.memory_space<vmem>> -> memref<1x1x25x16xf32, #tpu.memory_space<vmem>>
        %dma_start3A_279 = tpu.memref_squeeze %dma_start3A_278 : memref<1x1x25x16xf32, #tpu.memory_space<vmem>> -> memref<25x16xf32, #tpu.memory_space<vmem>>
        tpu.enqueue_dma source(%dma_start3A_279 : memref<25x16xf32, #tpu.memory_space<vmem>>) target(%dma_start3A_275 : memref<25x16xf32, #tpu.memory_space<hbm>>) target_semaphore(%arg13 : memref<!tpu.dma_semaphore, #tpu.memory_space<semaphore_mem>>)
        %dma_start3A_280 = arith.constant 0 : i32
        %dma_start3A_281 = arith.constant 1 : i32
        %dma_start3A_282 = arith.constant 1 : i32
        %dma_start3A_283 = arith.constant 0 : i32
        %dma_start3A_284 = arith.constant 0 : i32
        %dma_start3A_285 = tpu.memref_slice %arg10[%dma_start3A_280, %dma_start3A_281, %dma_start3A_283, %dma_start3A_284] : memref<2x4x25x16xf32, #tpu.memory_space<vmem>> -> memref<1x1x25x16xf32, #tpu.memory_space<vmem>>
        %dma_start3A_286 = tpu.memref_squeeze %dma_start3A_285 : memref<1x1x25x16xf32, #tpu.memory_space<vmem>> -> memref<25x16xf32, #tpu.memory_space<vmem>>
        %dma_start3A_287 = arith.constant 0 : i32
        %dma_start3A_288 = arith.constant 0 : i32
        %dma_start3A_289 = tpu.memref_slice %arg4[%add3A, %dma_start3A_282, %add3A_208, %dma_start3A_287, %dma_start3A_288] : memref<32x4x25x25x16xf32, #tpu.memory_space<hbm>> -> memref<1x1x1x25x16xf32, #tpu.memory_space<hbm>>
        %dma_start3A_290 = tpu.memref_squeeze %dma_start3A_289 : memref<1x1x1x25x16xf32, #tpu.memory_space<hbm>> -> memref<25x16xf32, #tpu.memory_space<hbm>>
        %dma_start3A_291 = arith.constant 0 : i32
        %dma_start3A_292 = arith.constant 0 : i32
        %dma_start3A_293 = tpu.memref_slice %arg4[%add3A, %dma_start3A_282, %add3A_208, %dma_start3A_291, %dma_start3A_292] : memref<32x4x25x25x16xf32, #tpu.memory_space<hbm>> -> memref<1x1x1x25x16xf32, #tpu.memory_space<hbm>>
        %dma_start3A_294 = tpu.memref_squeeze %dma_start3A_293 : memref<1x1x1x25x16xf32, #tpu.memory_space<hbm>> -> memref<25x16xf32, #tpu.memory_space<hbm>>
        %dma_start3A_295 = arith.constant 0 : i32
        %dma_start3A_296 = arith.constant 0 : i32
        %dma_start3A_297 = tpu.memref_slice %arg10[%dma_start3A_280, %dma_start3A_281, %dma_start3A_295, %dma_start3A_296] : memref<2x4x25x16xf32, #tpu.memory_space<vmem>> -> memref<1x1x25x16xf32, #tpu.memory_space<vmem>>
        %dma_start3A_298 = tpu.memref_squeeze %dma_start3A_297 : memref<1x1x25x16xf32, #tpu.memory_space<vmem>> -> memref<25x16xf32, #tpu.memory_space<vmem>>
        tpu.enqueue_dma source(%dma_start3A_298 : memref<25x16xf32, #tpu.memory_space<vmem>>) target(%dma_start3A_294 : memref<25x16xf32, #tpu.memory_space<hbm>>) target_semaphore(%arg13 : memref<!tpu.dma_semaphore, #tpu.memory_space<semaphore_mem>>)
        %dma_start3A_299 = arith.constant 0 : i32
        %dma_start3A_300 = arith.constant 2 : i32
        %dma_start3A_301 = arith.constant 2 : i32
        %dma_start3A_302 = arith.constant 0 : i32
        %dma_start3A_303 = arith.constant 0 : i32
        %dma_start3A_304 = tpu.memref_slice %arg10[%dma_start3A_299, %dma_start3A_300, %dma_start3A_302, %dma_start3A_303] : memref<2x4x25x16xf32, #tpu.memory_space<vmem>> -> memref<1x1x25x16xf32, #tpu.memory_space<vmem>>
        %dma_start3A_305 = tpu.memref_squeeze %dma_start3A_304 : memref<1x1x25x16xf32, #tpu.memory_space<vmem>> -> memref<25x16xf32, #tpu.memory_space<vmem>>
        %dma_start3A_306 = arith.constant 0 : i32
        %dma_start3A_307 = arith.constant 0 : i32
        %dma_start3A_308 = tpu.memref_slice %arg4[%add3A, %dma_start3A_301, %add3A_208, %dma_start3A_306, %dma_start3A_307] : memref<32x4x25x25x16xf32, #tpu.memory_space<hbm>> -> memref<1x1x1x25x16xf32, #tpu.memory_space<hbm>>
        %dma_start3A_309 = tpu.memref_squeeze %dma_start3A_308 : memref<1x1x1x25x16xf32, #tpu.memory_space<hbm>> -> memref<25x16xf32, #tpu.memory_space<hbm>>
        %dma_start3A_310 = arith.constant 0 : i32
        %dma_start3A_311 = arith.constant 0 : i32
        %dma_start3A_312 = tpu.memref_slice %arg4[%add3A, %dma_start3A_301, %add3A_208, %dma_start3A_310, %dma_start3A_311] : memref<32x4x25x25x16xf32, #tpu.memory_space<hbm>> -> memref<1x1x1x25x16xf32, #tpu.memory_space<hbm>>
        %dma_start3A_313 = tpu.memref_squeeze %dma_start3A_312 : memref<1x1x1x25x16xf32, #tpu.memory_space<hbm>> -> memref<25x16xf32, #tpu.memory_space<hbm>>
        %dma_start3A_314 = arith.constant 0 : i32
        %dma_start3A_315 = arith.constant 0 : i32
        %dma_start3A_316 = tpu.memref_slice %arg10[%dma_start3A_299, %dma_start3A_300, %dma_start3A_314, %dma_start3A_315] : memref<2x4x25x16xf32, #tpu.memory_space<vmem>> -> memref<1x1x25x16xf32, #tpu.memory_space<vmem>>
        %dma_start3A_317 = tpu.memref_squeeze %dma_start3A_316 : memref<1x1x25x16xf32, #tpu.memory_space<vmem>> -> memref<25x16xf32, #tpu.memory_space<vmem>>
        tpu.enqueue_dma source(%dma_start3A_317 : memref<25x16xf32, #tpu.memory_space<vmem>>) target(%dma_start3A_313 : memref<25x16xf32, #tpu.memory_space<hbm>>) target_semaphore(%arg13 : memref<!tpu.dma_semaphore, #tpu.memory_space<semaphore_mem>>)
        %dma_start3A_318 = arith.constant 0 : i32
        %dma_start3A_319 = arith.constant 3 : i32
        %dma_start3A_320 = arith.constant 3 : i32
        %dma_start3A_321 = arith.constant 0 : i32
        %dma_start3A_322 = arith.constant 0 : i32
        %dma_start3A_323 = tpu.memref_slice %arg10[%dma_start3A_318, %dma_start3A_319, %dma_start3A_321, %dma_start3A_322] : memref<2x4x25x16xf32, #tpu.memory_space<vmem>> -> memref<1x1x25x16xf32, #tpu.memory_space<vmem>>
        %dma_start3A_324 = tpu.memref_squeeze %dma_start3A_323 : memref<1x1x25x16xf32, #tpu.memory_space<vmem>> -> memref<25x16xf32, #tpu.memory_space<vmem>>
        %dma_start3A_325 = arith.constant 0 : i32
        %dma_start3A_326 = arith.constant 0 : i32
        %dma_start3A_327 = tpu.memref_slice %arg4[%add3A, %dma_start3A_320, %add3A_208, %dma_start3A_325, %dma_start3A_326] : memref<32x4x25x25x16xf32, #tpu.memory_space<hbm>> -> memref<1x1x1x25x16xf32, #tpu.memory_space<hbm>>
        %dma_start3A_328 = tpu.memref_squeeze %dma_start3A_327 : memref<1x1x1x25x16xf32, #tpu.memory_space<hbm>> -> memref<25x16xf32, #tpu.memory_space<hbm>>
        %dma_start3A_329 = arith.constant 0 : i32
        %dma_start3A_330 = arith.constant 0 : i32
        %dma_start3A_331 = tpu.memref_slice %arg4[%add3A, %dma_start3A_320, %add3A_208, %dma_start3A_329, %dma_start3A_330] : memref<32x4x25x25x16xf32, #tpu.memory_space<hbm>> -> memref<1x1x1x25x16xf32, #tpu.memory_space<hbm>>
        %dma_start3A_332 = tpu.memref_squeeze %dma_start3A_331 : memref<1x1x1x25x16xf32, #tpu.memory_space<hbm>> -> memref<25x16xf32, #tpu.memory_space<hbm>>
        %dma_start3A_333 = arith.constant 0 : i32
        %dma_start3A_334 = arith.constant 0 : i32
        %dma_start3A_335 = tpu.memref_slice %arg10[%dma_start3A_318, %dma_start3A_319, %dma_start3A_333, %dma_start3A_334] : memref<2x4x25x16xf32, #tpu.memory_space<vmem>> -> memref<1x1x25x16xf32, #tpu.memory_space<vmem>>
        %dma_start3A_336 = tpu.memref_squeeze %dma_start3A_335 : memref<1x1x25x16xf32, #tpu.memory_space<vmem>> -> memref<25x16xf32, #tpu.memory_space<vmem>>
        tpu.enqueue_dma source(%dma_start3A_336 : memref<25x16xf32, #tpu.memory_space<vmem>>) target(%dma_start3A_332 : memref<25x16xf32, #tpu.memory_space<hbm>>) target_semaphore(%arg13 : memref<!tpu.dma_semaphore, #tpu.memory_space<semaphore_mem>>)
      } else {
      }
      %mul3A_211 = arith.constant 2 : i32
      %mul3A_212 = arith.muli %mul3A_211, %scan3A_203 : i32
      %add3A_213 = arith.constant 1 : i32
      %add3A_214 = arith.addi %mul3A_212, %add3A_213 : i32
      %lt3A_215 = arith.constant 25 : i32
      %lt3A_216 = arith.cmpi slt, %add3A_214, %lt3A_215 : i32
      %convert_element_type3A_217 = arith.extui %lt3A_216 : i1 to i32
      %cond3A_218 = arith.constant 0 : i32
      %cond3A_219 = arith.cmpi ne, %convert_element_type3A_217, %cond3A_218 : i32
      scf.if %cond3A_219 {
        %add3A_221 = arith.constant 1 : i32
        %add3A_222 = arith.addi %add3A_214, %add3A_221 : i32
        %lt3A_223 = arith.constant 25 : i32
        %lt3A_224 = arith.cmpi slt, %add3A_222, %lt3A_223 : i32
        %convert_element_type3A_225 = arith.extui %lt3A_224 : i1 to i32
        %cond3A_226 = arith.constant 0 : i32
        %cond3A_227 = arith.cmpi ne, %convert_element_type3A_225, %cond3A_226 : i32
        scf.if %cond3A_227 {
          %add3A_337 = arith.constant 1 : i32
          %add3A_338 = arith.addi %add3A_214, %add3A_337 : i32
          %dma_start3A_339 = arith.constant 0 : i32
          %dma_start3A_340 = arith.constant 0 : i32
          %dma_start3A_341 = arith.constant 0 : i32
          %dma_start3A_342 = arith.constant 0 : i32
          %dma_start3A_343 = tpu.memref_slice %arg9[%dma_start3A_339, %dma_start3A_340, %dma_start3A_341, %dma_start3A_342] : memref<2x25x32x16xi32, #tpu.memory_space<vmem>> -> memref<1x25x32x16xi32, #tpu.memory_space<vmem>>
          %dma_start3A_344 = tpu.memref_squeeze %dma_start3A_343 : memref<1x25x32x16xi32, #tpu.memory_space<vmem>> -> memref<25x32x16xi32, #tpu.memory_space<vmem>>
          %dma_start3A_345 = arith.constant 0 : i32
          %dma_start3A_346 = arith.constant 0 : i32
          %dma_start3A_347 = arith.constant 0 : i32
          %dma_start3A_348 = tpu.memref_slice %arg3[%add3A_338, %dma_start3A_345, %dma_start3A_346, %dma_start3A_347] : memref<25x25x32x16xi32, #tpu.memory_space<hbm>> -> memref<1x25x32x16xi32, #tpu.memory_space<hbm>>
          %dma_start3A_349 = tpu.memref_squeeze %dma_start3A_348 : memref<1x25x32x16xi32, #tpu.memory_space<hbm>> -> memref<25x32x16xi32, #tpu.memory_space<hbm>>
          %dma_start3A_350 = arith.constant 0 : i32
          %dma_start3A_351 = arith.constant 0 : i32
          %dma_start3A_352 = arith.constant 0 : i32
          %dma_start3A_353 = tpu.memref_slice %arg9[%dma_start3A_339, %dma_start3A_350, %dma_start3A_351, %dma_start3A_352] : memref<2x25x32x16xi32, #tpu.memory_space<vmem>> -> memref<1x25x32x16xi32, #tpu.memory_space<vmem>>
          %dma_start3A_354 = tpu.memref_squeeze %dma_start3A_353 : memref<1x25x32x16xi32, #tpu.memory_space<vmem>> -> memref<25x32x16xi32, #tpu.memory_space<vmem>>
          %dma_start3A_355 = arith.constant 0 : i32
          %dma_start3A_356 = arith.constant 0 : i32
          %dma_start3A_357 = arith.constant 0 : i32
          %dma_start3A_358 = tpu.memref_slice %arg3[%add3A_338, %dma_start3A_355, %dma_start3A_356, %dma_start3A_357] : memref<25x25x32x16xi32, #tpu.memory_space<hbm>> -> memref<1x25x32x16xi32, #tpu.memory_space<hbm>>
          %dma_start3A_359 = tpu.memref_squeeze %dma_start3A_358 : memref<1x25x32x16xi32, #tpu.memory_space<hbm>> -> memref<25x32x16xi32, #tpu.memory_space<hbm>>
          tpu.enqueue_dma source(%dma_start3A_359 : memref<25x32x16xi32, #tpu.memory_space<hbm>>) target(%dma_start3A_354 : memref<25x32x16xi32, #tpu.memory_space<vmem>>) target_semaphore(%arg11 : memref<!tpu.dma_semaphore, #tpu.memory_space<semaphore_mem>>)
        } else {
        }
        %dma_wait3A_228 = arith.constant 0 : i32
        %dma_wait3A_229 = arith.constant 1 : i32
        %dma_wait3A_230 = arith.constant 0 : i32
        %dma_wait3A_231 = arith.constant 0 : i32
        %dma_wait3A_232 = arith.constant 0 : i32
        %dma_wait3A_233 = tpu.memref_slice %arg9[%dma_wait3A_229, %dma_wait3A_230, %dma_wait3A_231, %dma_wait3A_232] : memref<2x25x32x16xi32, #tpu.memory_space<vmem>> -> memref<1x25x32x16xi32, #tpu.memory_space<vmem>>
        %dma_wait3A_234 = tpu.memref_squeeze %dma_wait3A_233 : memref<1x25x32x16xi32, #tpu.memory_space<vmem>> -> memref<25x32x16xi32, #tpu.memory_space<vmem>>
        %dma_wait3A_235 = arith.constant 0 : i32
        %dma_wait3A_236 = arith.constant 0 : i32
        %dma_wait3A_237 = arith.constant 0 : i32
        %dma_wait3A_238 = tpu.memref_slice %arg3[%dma_wait3A_228, %dma_wait3A_235, %dma_wait3A_236, %dma_wait3A_237] : memref<25x25x32x16xi32, #tpu.memory_space<hbm>> -> memref<1x25x32x16xi32, #tpu.memory_space<hbm>>
        %dma_wait3A_239 = tpu.memref_squeeze %dma_wait3A_238 : memref<1x25x32x16xi32, #tpu.memory_space<hbm>> -> memref<25x32x16xi32, #tpu.memory_space<hbm>>
        %dma_wait3A_240 = arith.constant 0 : i32
        %dma_wait3A_241 = arith.constant 0 : i32
        %dma_wait3A_242 = arith.constant 0 : i32
        %dma_wait3A_243 = tpu.memref_slice %arg9[%dma_wait3A_229, %dma_wait3A_240, %dma_wait3A_241, %dma_wait3A_242] : memref<2x25x32x16xi32, #tpu.memory_space<vmem>> -> memref<1x25x32x16xi32, #tpu.memory_space<vmem>>
        %dma_wait3A_244 = tpu.memref_squeeze %dma_wait3A_243 : memref<1x25x32x16xi32, #tpu.memory_space<vmem>> -> memref<25x32x16xi32, #tpu.memory_space<vmem>>
        %dma_wait3A_245 = arith.constant 0 : i32
        %dma_wait3A_246 = arith.constant 0 : i32
        %dma_wait3A_247 = arith.constant 0 : i32
        %dma_wait3A_248 = tpu.memref_slice %arg3[%dma_wait3A_228, %dma_wait3A_245, %dma_wait3A_246, %dma_wait3A_247] : memref<25x25x32x16xi32, #tpu.memory_space<hbm>> -> memref<1x25x32x16xi32, #tpu.memory_space<hbm>>
        %dma_wait3A_249 = tpu.memref_squeeze %dma_wait3A_248 : memref<1x25x32x16xi32, #tpu.memory_space<hbm>> -> memref<25x32x16xi32, #tpu.memory_space<hbm>>
        tpu.wait_dma2 semaphore(%arg12 : memref<!tpu.dma_semaphore, #tpu.memory_space<semaphore_mem>>) src(%dma_wait3A_249 : memref<25x32x16xi32, #tpu.memory_space<hbm>>) dst(%dma_wait3A_244 : memref<25x32x16xi32, #tpu.memory_space<vmem>>)
        %ge3A = arith.constant 2 : i32
        %ge3A_250 = arith.cmpi sge, %add3A_214, %ge3A : i32
        %convert_element_type3A_251 = arith.extui %ge3A_250 : i1 to i32
        %cond3A_252 = arith.constant 0 : i32
        %cond3A_253 = arith.cmpi ne, %convert_element_type3A_251, %cond3A_252 : i32
        scf.if %cond3A_253 {
          %dma_wait3A_337 = arith.constant 1 : i32
          %dma_wait3A_338 = arith.constant 0 : i32
          %dma_wait3A_339 = arith.constant 0 : i32
          %dma_wait3A_340 = arith.constant 0 : i32
          %dma_wait3A_341 = arith.constant 0 : i32
          %dma_wait3A_342 = arith.constant 0 : i32
          %dma_wait3A_343 = tpu.memref_slice %arg10[%dma_wait3A_337, %dma_wait3A_338, %dma_wait3A_341, %dma_wait3A_342] : memref<2x4x25x16xf32, #tpu.memory_space<vmem>> -> memref<1x1x25x16xf32, #tpu.memory_space<vmem>>
          %dma_wait3A_344 = tpu.memref_squeeze %dma_wait3A_343 : memref<1x1x25x16xf32, #tpu.memory_space<vmem>> -> memref<25x16xf32, #tpu.memory_space<vmem>>
          %dma_wait3A_345 = arith.constant 0 : i32
          %dma_wait3A_346 = arith.constant 0 : i32
          %dma_wait3A_347 = tpu.memref_slice %arg4[%add3A, %dma_wait3A_339, %dma_wait3A_340, %dma_wait3A_345, %dma_wait3A_346] : memref<32x4x25x25x16xf32, #tpu.memory_space<hbm>> -> memref<1x1x1x25x16xf32, #tpu.memory_space<hbm>>
          %dma_wait3A_348 = tpu.memref_squeeze %dma_wait3A_347 : memref<1x1x1x25x16xf32, #tpu.memory_space<hbm>> -> memref<25x16xf32, #tpu.memory_space<hbm>>
          %dma_wait3A_349 = arith.constant 0 : i32
          %dma_wait3A_350 = arith.constant 0 : i32
          %dma_wait3A_351 = tpu.memref_slice %arg4[%add3A, %dma_wait3A_339, %dma_wait3A_340, %dma_wait3A_349, %dma_wait3A_350] : memref<32x4x25x25x16xf32, #tpu.memory_space<hbm>> -> memref<1x1x1x25x16xf32, #tpu.memory_space<hbm>>
          %dma_wait3A_352 = tpu.memref_squeeze %dma_wait3A_351 : memref<1x1x1x25x16xf32, #tpu.memory_space<hbm>> -> memref<25x16xf32, #tpu.memory_space<hbm>>
          %dma_wait3A_353 = arith.constant 0 : i32
          %dma_wait3A_354 = arith.constant 0 : i32
          %dma_wait3A_355 = tpu.memref_slice %arg10[%dma_wait3A_337, %dma_wait3A_338, %dma_wait3A_353, %dma_wait3A_354] : memref<2x4x25x16xf32, #tpu.memory_space<vmem>> -> memref<1x1x25x16xf32, #tpu.memory_space<vmem>>
          %dma_wait3A_356 = tpu.memref_squeeze %dma_wait3A_355 : memref<1x1x25x16xf32, #tpu.memory_space<vmem>> -> memref<25x16xf32, #tpu.memory_space<vmem>>
          tpu.wait_dma2 semaphore(%arg14 : memref<!tpu.dma_semaphore, #tpu.memory_space<semaphore_mem>>) src(%dma_wait3A_356 : memref<25x16xf32, #tpu.memory_space<vmem>>) dst(%dma_wait3A_352 : memref<25x16xf32, #tpu.memory_space<hbm>>)
          %dma_wait3A_357 = arith.constant 1 : i32
          %dma_wait3A_358 = arith.constant 1 : i32
          %dma_wait3A_359 = arith.constant 1 : i32
          %dma_wait3A_360 = arith.constant 0 : i32
          %dma_wait3A_361 = arith.constant 0 : i32
          %dma_wait3A_362 = arith.constant 0 : i32
          %dma_wait3A_363 = tpu.memref_slice %arg10[%dma_wait3A_357, %dma_wait3A_358, %dma_wait3A_361, %dma_wait3A_362] : memref<2x4x25x16xf32, #tpu.memory_space<vmem>> -> memref<1x1x25x16xf32, #tpu.memory_space<vmem>>
          %dma_wait3A_364 = tpu.memref_squeeze %dma_wait3A_363 : memref<1x1x25x16xf32, #tpu.memory_space<vmem>> -> memref<25x16xf32, #tpu.memory_space<vmem>>
          %dma_wait3A_365 = arith.constant 0 : i32
          %dma_wait3A_366 = arith.constant 0 : i32
          %dma_wait3A_367 = tpu.memref_slice %arg4[%add3A, %dma_wait3A_359, %dma_wait3A_360, %dma_wait3A_365, %dma_wait3A_366] : memref<32x4x25x25x16xf32, #tpu.memory_space<hbm>> -> memref<1x1x1x25x16xf32, #tpu.memory_space<hbm>>
          %dma_wait3A_368 = tpu.memref_squeeze %dma_wait3A_367 : memref<1x1x1x25x16xf32, #tpu.memory_space<hbm>> -> memref<25x16xf32, #tpu.memory_space<hbm>>
          %dma_wait3A_369 = arith.constant 0 : i32
          %dma_wait3A_370 = arith.constant 0 : i32
          %dma_wait3A_371 = tpu.memref_slice %arg4[%add3A, %dma_wait3A_359, %dma_wait3A_360, %dma_wait3A_369, %dma_wait3A_370] : memref<32x4x25x25x16xf32, #tpu.memory_space<hbm>> -> memref<1x1x1x25x16xf32, #tpu.memory_space<hbm>>
          %dma_wait3A_372 = tpu.memref_squeeze %dma_wait3A_371 : memref<1x1x1x25x16xf32, #tpu.memory_space<hbm>> -> memref<25x16xf32, #tpu.memory_space<hbm>>
          %dma_wait3A_373 = arith.constant 0 : i32
          %dma_wait3A_374 = arith.constant 0 : i32
          %dma_wait3A_375 = tpu.memref_slice %arg10[%dma_wait3A_357, %dma_wait3A_358, %dma_wait3A_373, %dma_wait3A_374] : memref<2x4x25x16xf32, #tpu.memory_space<vmem>> -> memref<1x1x25x16xf32, #tpu.memory_space<vmem>>
          %dma_wait3A_376 = tpu.memref_squeeze %dma_wait3A_375 : memref<1x1x25x16xf32, #tpu.memory_space<vmem>> -> memref<25x16xf32, #tpu.memory_space<vmem>>
          tpu.wait_dma2 semaphore(%arg14 : memref<!tpu.dma_semaphore, #tpu.memory_space<semaphore_mem>>) src(%dma_wait3A_376 : memref<25x16xf32, #tpu.memory_space<vmem>>) dst(%dma_wait3A_372 : memref<25x16xf32, #tpu.memory_space<hbm>>)
          %dma_wait3A_377 = arith.constant 1 : i32
          %dma_wait3A_378 = arith.constant 2 : i32
          %dma_wait3A_379 = arith.constant 2 : i32
          %dma_wait3A_380 = arith.constant 0 : i32
          %dma_wait3A_381 = arith.constant 0 : i32
          %dma_wait3A_382 = arith.constant 0 : i32
          %dma_wait3A_383 = tpu.memref_slice %arg10[%dma_wait3A_377, %dma_wait3A_378, %dma_wait3A_381, %dma_wait3A_382] : memref<2x4x25x16xf32, #tpu.memory_space<vmem>> -> memref<1x1x25x16xf32, #tpu.memory_space<vmem>>
          %dma_wait3A_384 = tpu.memref_squeeze %dma_wait3A_383 : memref<1x1x25x16xf32, #tpu.memory_space<vmem>> -> memref<25x16xf32, #tpu.memory_space<vmem>>
          %dma_wait3A_385 = arith.constant 0 : i32
          %dma_wait3A_386 = arith.constant 0 : i32
          %dma_wait3A_387 = tpu.memref_slice %arg4[%add3A, %dma_wait3A_379, %dma_wait3A_380, %dma_wait3A_385, %dma_wait3A_386] : memref<32x4x25x25x16xf32, #tpu.memory_space<hbm>> -> memref<1x1x1x25x16xf32, #tpu.memory_space<hbm>>
          %dma_wait3A_388 = tpu.memref_squeeze %dma_wait3A_387 : memref<1x1x1x25x16xf32, #tpu.memory_space<hbm>> -> memref<25x16xf32, #tpu.memory_space<hbm>>
          %dma_wait3A_389 = arith.constant 0 : i32
          %dma_wait3A_390 = arith.constant 0 : i32
          %dma_wait3A_391 = tpu.memref_slice %arg4[%add3A, %dma_wait3A_379, %dma_wait3A_380, %dma_wait3A_389, %dma_wait3A_390] : memref<32x4x25x25x16xf32, #tpu.memory_space<hbm>> -> memref<1x1x1x25x16xf32, #tpu.memory_space<hbm>>
          %dma_wait3A_392 = tpu.memref_squeeze %dma_wait3A_391 : memref<1x1x1x25x16xf32, #tpu.memory_space<hbm>> -> memref<25x16xf32, #tpu.memory_space<hbm>>
          %dma_wait3A_393 = arith.constant 0 : i32
          %dma_wait3A_394 = arith.constant 0 : i32
          %dma_wait3A_395 = tpu.memref_slice %arg10[%dma_wait3A_377, %dma_wait3A_378, %dma_wait3A_393, %dma_wait3A_394] : memref<2x4x25x16xf32, #tpu.memory_space<vmem>> -> memref<1x1x25x16xf32, #tpu.memory_space<vmem>>
          %dma_wait3A_396 = tpu.memref_squeeze %dma_wait3A_395 : memref<1x1x25x16xf32, #tpu.memory_space<vmem>> -> memref<25x16xf32, #tpu.memory_space<vmem>>
          tpu.wait_dma2 semaphore(%arg14 : memref<!tpu.dma_semaphore, #tpu.memory_space<semaphore_mem>>) src(%dma_wait3A_396 : memref<25x16xf32, #tpu.memory_space<vmem>>) dst(%dma_wait3A_392 : memref<25x16xf32, #tpu.memory_space<hbm>>)
          %dma_wait3A_397 = arith.constant 1 : i32
          %dma_wait3A_398 = arith.constant 3 : i32
          %dma_wait3A_399 = arith.constant 3 : i32
          %dma_wait3A_400 = arith.constant 0 : i32
          %dma_wait3A_401 = arith.constant 0 : i32
          %dma_wait3A_402 = arith.constant 0 : i32
          %dma_wait3A_403 = tpu.memref_slice %arg10[%dma_wait3A_397, %dma_wait3A_398, %dma_wait3A_401, %dma_wait3A_402] : memref<2x4x25x16xf32, #tpu.memory_space<vmem>> -> memref<1x1x25x16xf32, #tpu.memory_space<vmem>>
          %dma_wait3A_404 = tpu.memref_squeeze %dma_wait3A_403 : memref<1x1x25x16xf32, #tpu.memory_space<vmem>> -> memref<25x16xf32, #tpu.memory_space<vmem>>
          %dma_wait3A_405 = arith.constant 0 : i32
          %dma_wait3A_406 = arith.constant 0 : i32
          %dma_wait3A_407 = tpu.memref_slice %arg4[%add3A, %dma_wait3A_399, %dma_wait3A_400, %dma_wait3A_405, %dma_wait3A_406] : memref<32x4x25x25x16xf32, #tpu.memory_space<hbm>> -> memref<1x1x1x25x16xf32, #tpu.memory_space<hbm>>
          %dma_wait3A_408 = tpu.memref_squeeze %dma_wait3A_407 : memref<1x1x1x25x16xf32, #tpu.memory_space<hbm>> -> memref<25x16xf32, #tpu.memory_space<hbm>>
          %dma_wait3A_409 = arith.constant 0 : i32
          %dma_wait3A_410 = arith.constant 0 : i32
          %dma_wait3A_411 = tpu.memref_slice %arg4[%add3A, %dma_wait3A_399, %dma_wait3A_400, %dma_wait3A_409, %dma_wait3A_410] : memref<32x4x25x25x16xf32, #tpu.memory_space<hbm>> -> memref<1x1x1x25x16xf32, #tpu.memory_space<hbm>>
          %dma_wait3A_412 = tpu.memref_squeeze %dma_wait3A_411 : memref<1x1x1x25x16xf32, #tpu.memory_space<hbm>> -> memref<25x16xf32, #tpu.memory_space<hbm>>
          %dma_wait3A_413 = arith.constant 0 : i32
          %dma_wait3A_414 = arith.constant 0 : i32
          %dma_wait3A_415 = tpu.memref_slice %arg10[%dma_wait3A_397, %dma_wait3A_398, %dma_wait3A_413, %dma_wait3A_414] : memref<2x4x25x16xf32, #tpu.memory_space<vmem>> -> memref<1x1x25x16xf32, #tpu.memory_space<vmem>>
          %dma_wait3A_416 = tpu.memref_squeeze %dma_wait3A_415 : memref<1x1x25x16xf32, #tpu.memory_space<vmem>> -> memref<25x16xf32, #tpu.memory_space<vmem>>
          tpu.wait_dma2 semaphore(%arg14 : memref<!tpu.dma_semaphore, #tpu.memory_space<semaphore_mem>>) src(%dma_wait3A_416 : memref<25x16xf32, #tpu.memory_space<vmem>>) dst(%dma_wait3A_412 : memref<25x16xf32, #tpu.memory_space<hbm>>)
        } else {
        }
        %scan3A_254 = arith.constant 0 : i32
        %scan3A_255 = arith.constant 0 : i32
        %scan3A_256 = arith.constant 25 : i32
        %scan3A_257 = arith.addi %scan3A_255, %scan3A_256 : i32
        %scan3A_258 = arith.constant 1 : i32
        %scan3A_259 = scf.for %scan3A_337 = %scan3A_255 to %scan3A_257 step %scan3A_258 iter_args(%scan3A_338 = %scan3A_254) -> (i32)  : i32 {
          %get3A = arith.constant 1 : i32
          %get3A_339 = arith.constant 0 : i32
          %get3A_340 = arith.index_cast %get3A : i32 to index
          %get3A_341 = arith.index_cast %scan3A_337 : i32 to index
          %get3A_342 = arith.index_cast %get3A_339 : i32 to index
          %get3A_343 = arith.constant 0 : index
          %get3A_344 = tpu.vector_load %arg9[%get3A_340, %get3A_341, %get3A_342, %get3A_343] {strides = array<i32>} : memref<2x25x32x16xi32, #tpu.memory_space<vmem>>, vector<16xi32>,
          %get3A_345 = arith.constant 1 : i32
          %get3A_346 = arith.constant 1 : i32
          %get3A_347 = arith.index_cast %get3A_345 : i32 to index
          %get3A_348 = arith.index_cast %scan3A_337 : i32 to index
          %get3A_349 = arith.index_cast %get3A_346 : i32 to index
          %get3A_350 = arith.constant 0 : index
          %get3A_351 = tpu.vector_load %arg9[%get3A_347, %get3A_348, %get3A_349, %get3A_350] {strides = array<i32>} : memref<2x25x32x16xi32, #tpu.memory_space<vmem>>, vector<16xi32>,
          %get3A_352 = arith.constant 1 : i32
          %get3A_353 = arith.constant 2 : i32
          %get3A_354 = arith.index_cast %get3A_352 : i32 to index
          %get3A_355 = arith.index_cast %scan3A_337 : i32 to index
          %get3A_356 = arith.index_cast %get3A_353 : i32 to index
          %get3A_357 = arith.constant 0 : index
          %get3A_358 = tpu.vector_load %arg9[%get3A_354, %get3A_355, %get3A_356, %get3A_357] {strides = array<i32>} : memref<2x25x32x16xi32, #tpu.memory_space<vmem>>, vector<16xi32>,
          %get3A_359 = arith.constant 1 : i32
          %get3A_360 = arith.constant 3 : i32
          %get3A_361 = arith.index_cast %get3A_359 : i32 to index
          %get3A_362 = arith.index_cast %scan3A_337 : i32 to index
          %get3A_363 = arith.index_cast %get3A_360 : i32 to index
          %get3A_364 = arith.constant 0 : index
          %get3A_365 = tpu.vector_load %arg9[%get3A_361, %get3A_362, %get3A_363, %get3A_364] {strides = array<i32>} : memref<2x25x32x16xi32, #tpu.memory_space<vmem>>, vector<16xi32>,
          %get3A_366 = arith.constant 1 : i32
          %get3A_367 = arith.constant 4 : i32
          %get3A_368 = arith.index_cast %get3A_366 : i32 to index
          %get3A_369 = arith.index_cast %scan3A_337 : i32 to index
          %get3A_370 = arith.index_cast %get3A_367 : i32 to index
          %get3A_371 = arith.constant 0 : index
          %get3A_372 = tpu.vector_load %arg9[%get3A_368, %get3A_369, %get3A_370, %get3A_371] {strides = array<i32>} : memref<2x25x32x16xi32, #tpu.memory_space<vmem>>, vector<16xi32>,
          %get3A_373 = arith.constant 1 : i32
          %get3A_374 = arith.constant 5 : i32
          %get3A_375 = arith.index_cast %get3A_373 : i32 to index
          %get3A_376 = arith.index_cast %scan3A_337 : i32 to index
          %get3A_377 = arith.index_cast %get3A_374 : i32 to index
          %get3A_378 = arith.constant 0 : index
          %get3A_379 = tpu.vector_load %arg9[%get3A_375, %get3A_376, %get3A_377, %get3A_378] {strides = array<i32>} : memref<2x25x32x16xi32, #tpu.memory_space<vmem>>, vector<16xi32>,
          %get3A_380 = arith.constant 1 : i32
          %get3A_381 = arith.constant 6 : i32
          %get3A_382 = arith.index_cast %get3A_380 : i32 to index
          %get3A_383 = arith.index_cast %scan3A_337 : i32 to index
          %get3A_384 = arith.index_cast %get3A_381 : i32 to index
          %get3A_385 = arith.constant 0 : index
          %get3A_386 = tpu.vector_load %arg9[%get3A_382, %get3A_383, %get3A_384, %get3A_385] {strides = array<i32>} : memref<2x25x32x16xi32, #tpu.memory_space<vmem>>, vector<16xi32>,
          %get3A_387 = arith.constant 1 : i32
          %get3A_388 = arith.constant 7 : i32
          %get3A_389 = arith.index_cast %get3A_387 : i32 to index
          %get3A_390 = arith.index_cast %scan3A_337 : i32 to index
          %get3A_391 = arith.index_cast %get3A_388 : i32 to index
          %get3A_392 = arith.constant 0 : index
          %get3A_393 = tpu.vector_load %arg9[%get3A_389, %get3A_390, %get3A_391, %get3A_392] {strides = array<i32>} : memref<2x25x32x16xi32, #tpu.memory_space<vmem>>, vector<16xi32>,
          %get3A_394 = arith.constant 1 : i32
          %get3A_395 = arith.constant 8 : i32
          %get3A_396 = arith.index_cast %get3A_394 : i32 to index
          %get3A_397 = arith.index_cast %scan3A_337 : i32 to index
          %get3A_398 = arith.index_cast %get3A_395 : i32 to index
          %get3A_399 = arith.constant 0 : index
          %get3A_400 = tpu.vector_load %arg9[%get3A_396, %get3A_397, %get3A_398, %get3A_399] {strides = array<i32>} : memref<2x25x32x16xi32, #tpu.memory_space<vmem>>, vector<16xi32>,
          %get3A_401 = arith.constant 1 : i32
          %get3A_402 = arith.constant 9 : i32
          %get3A_403 = arith.index_cast %get3A_401 : i32 to index
          %get3A_404 = arith.index_cast %scan3A_337 : i32 to index
          %get3A_405 = arith.index_cast %get3A_402 : i32 to index
          %get3A_406 = arith.constant 0 : index
          %get3A_407 = tpu.vector_load %arg9[%get3A_403, %get3A_404, %get3A_405, %get3A_406] {strides = array<i32>} : memref<2x25x32x16xi32, #tpu.memory_space<vmem>>, vector<16xi32>,
          %get3A_408 = arith.constant 1 : i32
          %get3A_409 = arith.constant 10 : i32
          %get3A_410 = arith.index_cast %get3A_408 : i32 to index
          %get3A_411 = arith.index_cast %scan3A_337 : i32 to index
          %get3A_412 = arith.index_cast %get3A_409 : i32 to index
          %get3A_413 = arith.constant 0 : index
          %get3A_414 = tpu.vector_load %arg9[%get3A_410, %get3A_411, %get3A_412, %get3A_413] {strides = array<i32>} : memref<2x25x32x16xi32, #tpu.memory_space<vmem>>, vector<16xi32>,
          %get3A_415 = arith.constant 1 : i32
          %get3A_416 = arith.constant 11 : i32
          %get3A_417 = arith.index_cast %get3A_415 : i32 to index
          %get3A_418 = arith.index_cast %scan3A_337 : i32 to index
          %get3A_419 = arith.index_cast %get3A_416 : i32 to index
          %get3A_420 = arith.constant 0 : index
          %get3A_421 = tpu.vector_load %arg9[%get3A_417, %get3A_418, %get3A_419, %get3A_420] {strides = array<i32>} : memref<2x25x32x16xi32, #tpu.memory_space<vmem>>, vector<16xi32>,
          %get3A_422 = arith.constant 1 : i32
          %get3A_423 = arith.constant 12 : i32
          %get3A_424 = arith.index_cast %get3A_422 : i32 to index
          %get3A_425 = arith.index_cast %scan3A_337 : i32 to index
          %get3A_426 = arith.index_cast %get3A_423 : i32 to index
          %get3A_427 = arith.constant 0 : index
          %get3A_428 = tpu.vector_load %arg9[%get3A_424, %get3A_425, %get3A_426, %get3A_427] {strides = array<i32>} : memref<2x25x32x16xi32, #tpu.memory_space<vmem>>, vector<16xi32>,
          %get3A_429 = arith.constant 1 : i32
          %get3A_430 = arith.constant 13 : i32
          %get3A_431 = arith.index_cast %get3A_429 : i32 to index
          %get3A_432 = arith.index_cast %scan3A_337 : i32 to index
          %get3A_433 = arith.index_cast %get3A_430 : i32 to index
          %get3A_434 = arith.constant 0 : index
          %get3A_435 = tpu.vector_load %arg9[%get3A_431, %get3A_432, %get3A_433, %get3A_434] {strides = array<i32>} : memref<2x25x32x16xi32, #tpu.memory_space<vmem>>, vector<16xi32>,
          %get3A_436 = arith.constant 1 : i32
          %get3A_437 = arith.constant 14 : i32
          %get3A_438 = arith.index_cast %get3A_436 : i32 to index
          %get3A_439 = arith.index_cast %scan3A_337 : i32 to index
          %get3A_440 = arith.index_cast %get3A_437 : i32 to index
          %get3A_441 = arith.constant 0 : index
          %get3A_442 = tpu.vector_load %arg9[%get3A_438, %get3A_439, %get3A_440, %get3A_441] {strides = array<i32>} : memref<2x25x32x16xi32, #tpu.memory_space<vmem>>, vector<16xi32>,
          %get3A_443 = arith.constant 1 : i32
          %get3A_444 = arith.constant 15 : i32
          %get3A_445 = arith.index_cast %get3A_443 : i32 to index
          %get3A_446 = arith.index_cast %scan3A_337 : i32 to index
          %get3A_447 = arith.index_cast %get3A_444 : i32 to index
          %get3A_448 = arith.constant 0 : index
          %get3A_449 = tpu.vector_load %arg9[%get3A_445, %get3A_446, %get3A_447, %get3A_448] {strides = array<i32>} : memref<2x25x32x16xi32, #tpu.memory_space<vmem>>, vector<16xi32>,
          %get3A_450 = arith.constant 1 : i32
          %get3A_451 = arith.constant 16 : i32
          %get3A_452 = arith.index_cast %get3A_450 : i32 to index
          %get3A_453 = arith.index_cast %scan3A_337 : i32 to index
          %get3A_454 = arith.index_cast %get3A_451 : i32 to index
          %get3A_455 = arith.constant 0 : index
          %get3A_456 = tpu.vector_load %arg9[%get3A_452, %get3A_453, %get3A_454, %get3A_455] {strides = array<i32>} : memref<2x25x32x16xi32, #tpu.memory_space<vmem>>, vector<16xi32>,
          %get3A_457 = arith.constant 1 : i32
          %get3A_458 = arith.constant 17 : i32
          %get3A_459 = arith.index_cast %get3A_457 : i32 to index
          %get3A_460 = arith.index_cast %scan3A_337 : i32 to index
          %get3A_461 = arith.index_cast %get3A_458 : i32 to index
          %get3A_462 = arith.constant 0 : index
          %get3A_463 = tpu.vector_load %arg9[%get3A_459, %get3A_460, %get3A_461, %get3A_462] {strides = array<i32>} : memref<2x25x32x16xi32, #tpu.memory_space<vmem>>, vector<16xi32>,
          %get3A_464 = arith.constant 1 : i32
          %get3A_465 = arith.constant 18 : i32
          %get3A_466 = arith.index_cast %get3A_464 : i32 to index
          %get3A_467 = arith.index_cast %scan3A_337 : i32 to index
          %get3A_468 = arith.index_cast %get3A_465 : i32 to index
          %get3A_469 = arith.constant 0 : index
          %get3A_470 = tpu.vector_load %arg9[%get3A_466, %get3A_467, %get3A_468, %get3A_469] {strides = array<i32>} : memref<2x25x32x16xi32, #tpu.memory_space<vmem>>, vector<16xi32>,
          %get3A_471 = arith.constant 1 : i32
          %get3A_472 = arith.constant 19 : i32
          %get3A_473 = arith.index_cast %get3A_471 : i32 to index
          %get3A_474 = arith.index_cast %scan3A_337 : i32 to index
          %get3A_475 = arith.index_cast %get3A_472 : i32 to index
          %get3A_476 = arith.constant 0 : index
          %get3A_477 = tpu.vector_load %arg9[%get3A_473, %get3A_474, %get3A_475, %get3A_476] {strides = array<i32>} : memref<2x25x32x16xi32, #tpu.memory_space<vmem>>, vector<16xi32>,
          %get3A_478 = arith.constant 1 : i32
          %get3A_479 = arith.constant 20 : i32
          %get3A_480 = arith.index_cast %get3A_478 : i32 to index
          %get3A_481 = arith.index_cast %scan3A_337 : i32 to index
          %get3A_482 = arith.index_cast %get3A_479 : i32 to index
          %get3A_483 = arith.constant 0 : index
          %get3A_484 = tpu.vector_load %arg9[%get3A_480, %get3A_481, %get3A_482, %get3A_483] {strides = array<i32>} : memref<2x25x32x16xi32, #tpu.memory_space<vmem>>, vector<16xi32>,
          %get3A_485 = arith.constant 1 : i32
          %get3A_486 = arith.constant 21 : i32
          %get3A_487 = arith.index_cast %get3A_485 : i32 to index
          %get3A_488 = arith.index_cast %scan3A_337 : i32 to index
          %get3A_489 = arith.index_cast %get3A_486 : i32 to index
          %get3A_490 = arith.constant 0 : index
          %get3A_491 = tpu.vector_load %arg9[%get3A_487, %get3A_488, %get3A_489, %get3A_490] {strides = array<i32>} : memref<2x25x32x16xi32, #tpu.memory_space<vmem>>, vector<16xi32>,
          %get3A_492 = arith.constant 1 : i32
          %get3A_493 = arith.constant 22 : i32
          %get3A_494 = arith.index_cast %get3A_492 : i32 to index
          %get3A_495 = arith.index_cast %scan3A_337 : i32 to index
          %get3A_496 = arith.index_cast %get3A_493 : i32 to index
          %get3A_497 = arith.constant 0 : index
          %get3A_498 = tpu.vector_load %arg9[%get3A_494, %get3A_495, %get3A_496, %get3A_497] {strides = array<i32>} : memref<2x25x32x16xi32, #tpu.memory_space<vmem>>, vector<16xi32>,
          %get3A_499 = arith.constant 1 : i32
          %get3A_500 = arith.constant 23 : i32
          %get3A_501 = arith.index_cast %get3A_499 : i32 to index
          %get3A_502 = arith.index_cast %scan3A_337 : i32 to index
          %get3A_503 = arith.index_cast %get3A_500 : i32 to index
          %get3A_504 = arith.constant 0 : index
          %get3A_505 = tpu.vector_load %arg9[%get3A_501, %get3A_502, %get3A_503, %get3A_504] {strides = array<i32>} : memref<2x25x32x16xi32, #tpu.memory_space<vmem>>, vector<16xi32>,
          %get3A_506 = arith.constant 1 : i32
          %get3A_507 = arith.constant 24 : i32
          %get3A_508 = arith.index_cast %get3A_506 : i32 to index
          %get3A_509 = arith.index_cast %scan3A_337 : i32 to index
          %get3A_510 = arith.index_cast %get3A_507 : i32 to index
          %get3A_511 = arith.constant 0 : index
          %get3A_512 = tpu.vector_load %arg9[%get3A_508, %get3A_509, %get3A_510, %get3A_511] {strides = array<i32>} : memref<2x25x32x16xi32, #tpu.memory_space<vmem>>, vector<16xi32>,
          %get3A_513 = arith.constant 1 : i32
          %get3A_514 = arith.constant 25 : i32
          %get3A_515 = arith.index_cast %get3A_513 : i32 to index
          %get3A_516 = arith.index_cast %scan3A_337 : i32 to index
          %get3A_517 = arith.index_cast %get3A_514 : i32 to index
          %get3A_518 = arith.constant 0 : index
          %get3A_519 = tpu.vector_load %arg9[%get3A_515, %get3A_516, %get3A_517, %get3A_518] {strides = array<i32>} : memref<2x25x32x16xi32, #tpu.memory_space<vmem>>, vector<16xi32>,
          %get3A_520 = arith.constant 1 : i32
          %get3A_521 = arith.constant 26 : i32
          %get3A_522 = arith.index_cast %get3A_520 : i32 to index
          %get3A_523 = arith.index_cast %scan3A_337 : i32 to index
          %get3A_524 = arith.index_cast %get3A_521 : i32 to index
          %get3A_525 = arith.constant 0 : index
          %get3A_526 = tpu.vector_load %arg9[%get3A_522, %get3A_523, %get3A_524, %get3A_525] {strides = array<i32>} : memref<2x25x32x16xi32, #tpu.memory_space<vmem>>, vector<16xi32>,
          %get3A_527 = arith.constant 1 : i32
          %get3A_528 = arith.constant 27 : i32
          %get3A_529 = arith.index_cast %get3A_527 : i32 to index
          %get3A_530 = arith.index_cast %scan3A_337 : i32 to index
          %get3A_531 = arith.index_cast %get3A_528 : i32 to index
          %get3A_532 = arith.constant 0 : index
          %get3A_533 = tpu.vector_load %arg9[%get3A_529, %get3A_530, %get3A_531, %get3A_532] {strides = array<i32>} : memref<2x25x32x16xi32, #tpu.memory_space<vmem>>, vector<16xi32>,
          %get3A_534 = arith.constant 1 : i32
          %get3A_535 = arith.constant 28 : i32
          %get3A_536 = arith.index_cast %get3A_534 : i32 to index
          %get3A_537 = arith.index_cast %scan3A_337 : i32 to index
          %get3A_538 = arith.index_cast %get3A_535 : i32 to index
          %get3A_539 = arith.constant 0 : index
          %get3A_540 = tpu.vector_load %arg9[%get3A_536, %get3A_537, %get3A_538, %get3A_539] {strides = array<i32>} : memref<2x25x32x16xi32, #tpu.memory_space<vmem>>, vector<16xi32>,
          %get3A_541 = arith.constant 1 : i32
          %get3A_542 = arith.constant 29 : i32
          %get3A_543 = arith.index_cast %get3A_541 : i32 to index
          %get3A_544 = arith.index_cast %scan3A_337 : i32 to index
          %get3A_545 = arith.index_cast %get3A_542 : i32 to index
          %get3A_546 = arith.constant 0 : index
          %get3A_547 = tpu.vector_load %arg9[%get3A_543, %get3A_544, %get3A_545, %get3A_546] {strides = array<i32>} : memref<2x25x32x16xi32, #tpu.memory_space<vmem>>, vector<16xi32>,
          %get3A_548 = arith.constant 1 : i32
          %get3A_549 = arith.constant 30 : i32
          %get3A_550 = arith.index_cast %get3A_548 : i32 to index
          %get3A_551 = arith.index_cast %scan3A_337 : i32 to index
          %get3A_552 = arith.index_cast %get3A_549 : i32 to index
          %get3A_553 = arith.constant 0 : index
          %get3A_554 = tpu.vector_load %arg9[%get3A_550, %get3A_551, %get3A_552, %get3A_553] {strides = array<i32>} : memref<2x25x32x16xi32, #tpu.memory_space<vmem>>, vector<16xi32>,
          %get3A_555 = arith.constant 1 : i32
          %get3A_556 = arith.constant 31 : i32
          %get3A_557 = arith.index_cast %get3A_555 : i32 to index
          %get3A_558 = arith.index_cast %scan3A_337 : i32 to index
          %get3A_559 = arith.index_cast %get3A_556 : i32 to index
          %get3A_560 = arith.constant 0 : index
          %get3A_561 = tpu.vector_load %arg9[%get3A_557, %get3A_558, %get3A_559, %get3A_560] {strides = array<i32>} : memref<2x25x32x16xi32, #tpu.memory_space<vmem>>, vector<16xi32>,
          %gather3A = tpu.vector_load_idx %arg5[%get3A_344] : memref<10000xf32, #tpu.memory_space<vmem>>[vector<16xi32>], vector<16xf32>,
          %gather3A_562 = tpu.vector_load_idx %arg5[%get3A_351] : memref<10000xf32, #tpu.memory_space<vmem>>[vector<16xi32>], vector<16xf32>,
          %max3A = arith.maximumf %gather3A, %gather3A_562 : vector<16xf32>
          %gather3A_563 = tpu.vector_load_idx %arg5[%get3A_358] : memref<10000xf32, #tpu.memory_space<vmem>>[vector<16xi32>], vector<16xf32>,
          %max3A_564 = arith.maximumf %max3A, %gather3A_563 : vector<16xf32>
          %gather3A_565 = tpu.vector_load_idx %arg5[%get3A_365] : memref<10000xf32, #tpu.memory_space<vmem>>[vector<16xi32>], vector<16xf32>,
          %max3A_566 = arith.maximumf %max3A_564, %gather3A_565 : vector<16xf32>
          %gather3A_567 = tpu.vector_load_idx %arg5[%get3A_372] : memref<10000xf32, #tpu.memory_space<vmem>>[vector<16xi32>], vector<16xf32>,
          %max3A_568 = arith.maximumf %max3A_566, %gather3A_567 : vector<16xf32>
          %gather3A_569 = tpu.vector_load_idx %arg5[%get3A_379] : memref<10000xf32, #tpu.memory_space<vmem>>[vector<16xi32>], vector<16xf32>,
          %max3A_570 = arith.maximumf %max3A_568, %gather3A_569 : vector<16xf32>
          %gather3A_571 = tpu.vector_load_idx %arg5[%get3A_386] : memref<10000xf32, #tpu.memory_space<vmem>>[vector<16xi32>], vector<16xf32>,
          %max3A_572 = arith.maximumf %max3A_570, %gather3A_571 : vector<16xf32>
          %gather3A_573 = tpu.vector_load_idx %arg5[%get3A_393] : memref<10000xf32, #tpu.memory_space<vmem>>[vector<16xi32>], vector<16xf32>,
          %max3A_574 = arith.maximumf %max3A_572, %gather3A_573 : vector<16xf32>
          %gather3A_575 = tpu.vector_load_idx %arg5[%get3A_400] : memref<10000xf32, #tpu.memory_space<vmem>>[vector<16xi32>], vector<16xf32>,
          %max3A_576 = arith.maximumf %max3A_574, %gather3A_575 : vector<16xf32>
          %gather3A_577 = tpu.vector_load_idx %arg5[%get3A_407] : memref<10000xf32, #tpu.memory_space<vmem>>[vector<16xi32>], vector<16xf32>,
          %max3A_578 = arith.maximumf %max3A_576, %gather3A_577 : vector<16xf32>
          %gather3A_579 = tpu.vector_load_idx %arg5[%get3A_414] : memref<10000xf32, #tpu.memory_space<vmem>>[vector<16xi32>], vector<16xf32>,
          %max3A_580 = arith.maximumf %max3A_578, %gather3A_579 : vector<16xf32>
          %gather3A_581 = tpu.vector_load_idx %arg5[%get3A_421] : memref<10000xf32, #tpu.memory_space<vmem>>[vector<16xi32>], vector<16xf32>,
          %max3A_582 = arith.maximumf %max3A_580, %gather3A_581 : vector<16xf32>
          %gather3A_583 = tpu.vector_load_idx %arg5[%get3A_428] : memref<10000xf32, #tpu.memory_space<vmem>>[vector<16xi32>], vector<16xf32>,
          %max3A_584 = arith.maximumf %max3A_582, %gather3A_583 : vector<16xf32>
          %gather3A_585 = tpu.vector_load_idx %arg5[%get3A_435] : memref<10000xf32, #tpu.memory_space<vmem>>[vector<16xi32>], vector<16xf32>,
          %max3A_586 = arith.maximumf %max3A_584, %gather3A_585 : vector<16xf32>
          %gather3A_587 = tpu.vector_load_idx %arg5[%get3A_442] : memref<10000xf32, #tpu.memory_space<vmem>>[vector<16xi32>], vector<16xf32>,
          %max3A_588 = arith.maximumf %max3A_586, %gather3A_587 : vector<16xf32>
          %gather3A_589 = tpu.vector_load_idx %arg5[%get3A_449] : memref<10000xf32, #tpu.memory_space<vmem>>[vector<16xi32>], vector<16xf32>,
          %max3A_590 = arith.maximumf %max3A_588, %gather3A_589 : vector<16xf32>
          %gather3A_591 = tpu.vector_load_idx %arg5[%get3A_456] : memref<10000xf32, #tpu.memory_space<vmem>>[vector<16xi32>], vector<16xf32>,
          %max3A_592 = arith.maximumf %max3A_590, %gather3A_591 : vector<16xf32>
          %gather3A_593 = tpu.vector_load_idx %arg5[%get3A_463] : memref<10000xf32, #tpu.memory_space<vmem>>[vector<16xi32>], vector<16xf32>,
          %max3A_594 = arith.maximumf %max3A_592, %gather3A_593 : vector<16xf32>
          %gather3A_595 = tpu.vector_load_idx %arg5[%get3A_470] : memref<10000xf32, #tpu.memory_space<vmem>>[vector<16xi32>], vector<16xf32>,
          %max3A_596 = arith.maximumf %max3A_594, %gather3A_595 : vector<16xf32>
          %gather3A_597 = tpu.vector_load_idx %arg5[%get3A_477] : memref<10000xf32, #tpu.memory_space<vmem>>[vector<16xi32>], vector<16xf32>,
          %max3A_598 = arith.maximumf %max3A_596, %gather3A_597 : vector<16xf32>
          %gather3A_599 = tpu.vector_load_idx %arg5[%get3A_484] : memref<10000xf32, #tpu.memory_space<vmem>>[vector<16xi32>], vector<16xf32>,
          %max3A_600 = arith.maximumf %max3A_598, %gather3A_599 : vector<16xf32>
          %gather3A_601 = tpu.vector_load_idx %arg5[%get3A_491] : memref<10000xf32, #tpu.memory_space<vmem>>[vector<16xi32>], vector<16xf32>,
          %max3A_602 = arith.maximumf %max3A_600, %gather3A_601 : vector<16xf32>
          %gather3A_603 = tpu.vector_load_idx %arg5[%get3A_498] : memref<10000xf32, #tpu.memory_space<vmem>>[vector<16xi32>], vector<16xf32>,
          %max3A_604 = arith.maximumf %max3A_602, %gather3A_603 : vector<16xf32>
          %gather3A_605 = tpu.vector_load_idx %arg5[%get3A_505] : memref<10000xf32, #tpu.memory_space<vmem>>[vector<16xi32>], vector<16xf32>,
          %max3A_606 = arith.maximumf %max3A_604, %gather3A_605 : vector<16xf32>
          %gather3A_607 = tpu.vector_load_idx %arg5[%get3A_512] : memref<10000xf32, #tpu.memory_space<vmem>>[vector<16xi32>], vector<16xf32>,
          %max3A_608 = arith.maximumf %max3A_606, %gather3A_607 : vector<16xf32>
          %gather3A_609 = tpu.vector_load_idx %arg5[%get3A_519] : memref<10000xf32, #tpu.memory_space<vmem>>[vector<16xi32>], vector<16xf32>,
          %max3A_610 = arith.maximumf %max3A_608, %gather3A_609 : vector<16xf32>
          %gather3A_611 = tpu.vector_load_idx %arg5[%get3A_526] : memref<10000xf32, #tpu.memory_space<vmem>>[vector<16xi32>], vector<16xf32>,
          %max3A_612 = arith.maximumf %max3A_610, %gather3A_611 : vector<16xf32>
          %gather3A_613 = tpu.vector_load_idx %arg5[%get3A_533] : memref<10000xf32, #tpu.memory_space<vmem>>[vector<16xi32>], vector<16xf32>,
          %max3A_614 = arith.maximumf %max3A_612, %gather3A_613 : vector<16xf32>
          %gather3A_615 = tpu.vector_load_idx %arg5[%get3A_540] : memref<10000xf32, #tpu.memory_space<vmem>>[vector<16xi32>], vector<16xf32>,
          %max3A_616 = arith.maximumf %max3A_614, %gather3A_615 : vector<16xf32>
          %gather3A_617 = tpu.vector_load_idx %arg5[%get3A_547] : memref<10000xf32, #tpu.memory_space<vmem>>[vector<16xi32>], vector<16xf32>,
          %max3A_618 = arith.maximumf %max3A_616, %gather3A_617 : vector<16xf32>
          %gather3A_619 = tpu.vector_load_idx %arg5[%get3A_554] : memref<10000xf32, #tpu.memory_space<vmem>>[vector<16xi32>], vector<16xf32>,
          %max3A_620 = arith.maximumf %max3A_618, %gather3A_619 : vector<16xf32>
          %gather3A_621 = tpu.vector_load_idx %arg5[%get3A_561] : memref<10000xf32, #tpu.memory_space<vmem>>[vector<16xi32>], vector<16xf32>,
          %max3A_622 = arith.maximumf %max3A_620, %gather3A_621 : vector<16xf32>
          %swap3A = arith.constant 1 : i32
          %swap3A_623 = arith.constant 0 : i32
          %swap3A_624 = arith.index_cast %swap3A : i32 to index
          %swap3A_625 = arith.index_cast %swap3A_623 : i32 to index
          %swap3A_626 = arith.index_cast %scan3A_337 : i32 to index
          %swap3A_627 = arith.constant 0 : index
          %swap3A_628 = tpu.vector_load %arg10[%swap3A_624, %swap3A_625, %swap3A_626, %swap3A_627] {strides = array<i32>} : memref<2x4x25x16xf32, #tpu.memory_space<vmem>>, vector<16xf32>,
          tpu.vector_store %arg10[%swap3A_624, %swap3A_625, %swap3A_626, %swap3A_627], %max3A_622 {strides = array<i32>} : memref<2x4x25x16xf32, #tpu.memory_space<vmem>>, vector<16xf32>,
          %gather3A_629 = tpu.vector_load_idx %arg6[%get3A_344] : memref<10000xf32, #tpu.memory_space<vmem>>[vector<16xi32>], vector<16xf32>,
          %gather3A_630 = tpu.vector_load_idx %arg6[%get3A_351] : memref<10000xf32, #tpu.memory_space<vmem>>[vector<16xi32>], vector<16xf32>,
          %max3A_631 = arith.maximumf %gather3A_629, %gather3A_630 : vector<16xf32>
          %gather3A_632 = tpu.vector_load_idx %arg6[%get3A_358] : memref<10000xf32, #tpu.memory_space<vmem>>[vector<16xi32>], vector<16xf32>,
          %max3A_633 = arith.maximumf %max3A_631, %gather3A_632 : vector<16xf32>
          %gather3A_634 = tpu.vector_load_idx %arg6[%get3A_365] : memref<10000xf32, #tpu.memory_space<vmem>>[vector<16xi32>], vector<16xf32>,
          %max3A_635 = arith.maximumf %max3A_633, %gather3A_634 : vector<16xf32>
          %gather3A_636 = tpu.vector_load_idx %arg6[%get3A_372] : memref<10000xf32, #tpu.memory_space<vmem>>[vector<16xi32>], vector<16xf32>,
          %max3A_637 = arith.maximumf %max3A_635, %gather3A_636 : vector<16xf32>
          %gather3A_638 = tpu.vector_load_idx %arg6[%get3A_379] : memref<10000xf32, #tpu.memory_space<vmem>>[vector<16xi32>], vector<16xf32>,
          %max3A_639 = arith.maximumf %max3A_637, %gather3A_638 : vector<16xf32>
          %gather3A_640 = tpu.vector_load_idx %arg6[%get3A_386] : memref<10000xf32, #tpu.memory_space<vmem>>[vector<16xi32>], vector<16xf32>,
          %max3A_641 = arith.maximumf %max3A_639, %gather3A_640 : vector<16xf32>
          %gather3A_642 = tpu.vector_load_idx %arg6[%get3A_393] : memref<10000xf32, #tpu.memory_space<vmem>>[vector<16xi32>], vector<16xf32>,
          %max3A_643 = arith.maximumf %max3A_641, %gather3A_642 : vector<16xf32>
          %gather3A_644 = tpu.vector_load_idx %arg6[%get3A_400] : memref<10000xf32, #tpu.memory_space<vmem>>[vector<16xi32>], vector<16xf32>,
          %max3A_645 = arith.maximumf %max3A_643, %gather3A_644 : vector<16xf32>
          %gather3A_646 = tpu.vector_load_idx %arg6[%get3A_407] : memref<10000xf32, #tpu.memory_space<vmem>>[vector<16xi32>], vector<16xf32>,
          %max3A_647 = arith.maximumf %max3A_645, %gather3A_646 : vector<16xf32>
          %gather3A_648 = tpu.vector_load_idx %arg6[%get3A_414] : memref<10000xf32, #tpu.memory_space<vmem>>[vector<16xi32>], vector<16xf32>,
          %max3A_649 = arith.maximumf %max3A_647, %gather3A_648 : vector<16xf32>
          %gather3A_650 = tpu.vector_load_idx %arg6[%get3A_421] : memref<10000xf32, #tpu.memory_space<vmem>>[vector<16xi32>], vector<16xf32>,
          %max3A_651 = arith.maximumf %max3A_649, %gather3A_650 : vector<16xf32>
          %gather3A_652 = tpu.vector_load_idx %arg6[%get3A_428] : memref<10000xf32, #tpu.memory_space<vmem>>[vector<16xi32>], vector<16xf32>,
          %max3A_653 = arith.maximumf %max3A_651, %gather3A_652 : vector<16xf32>
          %gather3A_654 = tpu.vector_load_idx %arg6[%get3A_435] : memref<10000xf32, #tpu.memory_space<vmem>>[vector<16xi32>], vector<16xf32>,
          %max3A_655 = arith.maximumf %max3A_653, %gather3A_654 : vector<16xf32>
          %gather3A_656 = tpu.vector_load_idx %arg6[%get3A_442] : memref<10000xf32, #tpu.memory_space<vmem>>[vector<16xi32>], vector<16xf32>,
          %max3A_657 = arith.maximumf %max3A_655, %gather3A_656 : vector<16xf32>
          %gather3A_658 = tpu.vector_load_idx %arg6[%get3A_449] : memref<10000xf32, #tpu.memory_space<vmem>>[vector<16xi32>], vector<16xf32>,
          %max3A_659 = arith.maximumf %max3A_657, %gather3A_658 : vector<16xf32>
          %gather3A_660 = tpu.vector_load_idx %arg6[%get3A_456] : memref<10000xf32, #tpu.memory_space<vmem>>[vector<16xi32>], vector<16xf32>,
          %max3A_661 = arith.maximumf %max3A_659, %gather3A_660 : vector<16xf32>
          %gather3A_662 = tpu.vector_load_idx %arg6[%get3A_463] : memref<10000xf32, #tpu.memory_space<vmem>>[vector<16xi32>], vector<16xf32>,
          %max3A_663 = arith.maximumf %max3A_661, %gather3A_662 : vector<16xf32>
          %gather3A_664 = tpu.vector_load_idx %arg6[%get3A_470] : memref<10000xf32, #tpu.memory_space<vmem>>[vector<16xi32>], vector<16xf32>,
          %max3A_665 = arith.maximumf %max3A_663, %gather3A_664 : vector<16xf32>
          %gather3A_666 = tpu.vector_load_idx %arg6[%get3A_477] : memref<10000xf32, #tpu.memory_space<vmem>>[vector<16xi32>], vector<16xf32>,
          %max3A_667 = arith.maximumf %max3A_665, %gather3A_666 : vector<16xf32>
          %gather3A_668 = tpu.vector_load_idx %arg6[%get3A_484] : memref<10000xf32, #tpu.memory_space<vmem>>[vector<16xi32>], vector<16xf32>,
          %max3A_669 = arith.maximumf %max3A_667, %gather3A_668 : vector<16xf32>
          %gather3A_670 = tpu.vector_load_idx %arg6[%get3A_491] : memref<10000xf32, #tpu.memory_space<vmem>>[vector<16xi32>], vector<16xf32>,
          %max3A_671 = arith.maximumf %max3A_669, %gather3A_670 : vector<16xf32>
          %gather3A_672 = tpu.vector_load_idx %arg6[%get3A_498] : memref<10000xf32, #tpu.memory_space<vmem>>[vector<16xi32>], vector<16xf32>,
          %max3A_673 = arith.maximumf %max3A_671, %gather3A_672 : vector<16xf32>
          %gather3A_674 = tpu.vector_load_idx %arg6[%get3A_505] : memref<10000xf32, #tpu.memory_space<vmem>>[vector<16xi32>], vector<16xf32>,
          %max3A_675 = arith.maximumf %max3A_673, %gather3A_674 : vector<16xf32>
          %gather3A_676 = tpu.vector_load_idx %arg6[%get3A_512] : memref<10000xf32, #tpu.memory_space<vmem>>[vector<16xi32>], vector<16xf32>,
          %max3A_677 = arith.maximumf %max3A_675, %gather3A_676 : vector<16xf32>
          %gather3A_678 = tpu.vector_load_idx %arg6[%get3A_519] : memref<10000xf32, #tpu.memory_space<vmem>>[vector<16xi32>], vector<16xf32>,
          %max3A_679 = arith.maximumf %max3A_677, %gather3A_678 : vector<16xf32>
          %gather3A_680 = tpu.vector_load_idx %arg6[%get3A_526] : memref<10000xf32, #tpu.memory_space<vmem>>[vector<16xi32>], vector<16xf32>,
          %max3A_681 = arith.maximumf %max3A_679, %gather3A_680 : vector<16xf32>
          %gather3A_682 = tpu.vector_load_idx %arg6[%get3A_533] : memref<10000xf32, #tpu.memory_space<vmem>>[vector<16xi32>], vector<16xf32>,
          %max3A_683 = arith.maximumf %max3A_681, %gather3A_682 : vector<16xf32>
          %gather3A_684 = tpu.vector_load_idx %arg6[%get3A_540] : memref<10000xf32, #tpu.memory_space<vmem>>[vector<16xi32>], vector<16xf32>,
          %max3A_685 = arith.maximumf %max3A_683, %gather3A_684 : vector<16xf32>
          %gather3A_686 = tpu.vector_load_idx %arg6[%get3A_547] : memref<10000xf32, #tpu.memory_space<vmem>>[vector<16xi32>], vector<16xf32>,
          %max3A_687 = arith.maximumf %max3A_685, %gather3A_686 : vector<16xf32>
          %gather3A_688 = tpu.vector_load_idx %arg6[%get3A_554] : memref<10000xf32, #tpu.memory_space<vmem>>[vector<16xi32>], vector<16xf32>,
          %max3A_689 = arith.maximumf %max3A_687, %gather3A_688 : vector<16xf32>
          %gather3A_690 = tpu.vector_load_idx %arg6[%get3A_561] : memref<10000xf32, #tpu.memory_space<vmem>>[vector<16xi32>], vector<16xf32>,
          %max3A_691 = arith.maximumf %max3A_689, %gather3A_690 : vector<16xf32>
          %swap3A_692 = arith.constant 1 : i32
          %swap3A_693 = arith.constant 1 : i32
          %swap3A_694 = arith.index_cast %swap3A_692 : i32 to index
          %swap3A_695 = arith.index_cast %swap3A_693 : i32 to index
          %swap3A_696 = arith.index_cast %scan3A_337 : i32 to index
          %swap3A_697 = arith.constant 0 : index
          %swap3A_698 = tpu.vector_load %arg10[%swap3A_694, %swap3A_695, %swap3A_696, %swap3A_697] {strides = array<i32>} : memref<2x4x25x16xf32, #tpu.memory_space<vmem>>, vector<16xf32>,
          tpu.vector_store %arg10[%swap3A_694, %swap3A_695, %swap3A_696, %swap3A_697], %max3A_691 {strides = array<i32>} : memref<2x4x25x16xf32, #tpu.memory_space<vmem>>, vector<16xf32>,
          %gather3A_699 = tpu.vector_load_idx %arg7[%get3A_344] : memref<10000xf32, #tpu.memory_space<vmem>>[vector<16xi32>], vector<16xf32>,
          %gather3A_700 = tpu.vector_load_idx %arg7[%get3A_351] : memref<10000xf32, #tpu.memory_space<vmem>>[vector<16xi32>], vector<16xf32>,
          %max3A_701 = arith.maximumf %gather3A_699, %gather3A_700 : vector<16xf32>
          %gather3A_702 = tpu.vector_load_idx %arg7[%get3A_358] : memref<10000xf32, #tpu.memory_space<vmem>>[vector<16xi32>], vector<16xf32>,
          %max3A_703 = arith.maximumf %max3A_701, %gather3A_702 : vector<16xf32>
          %gather3A_704 = tpu.vector_load_idx %arg7[%get3A_365] : memref<10000xf32, #tpu.memory_space<vmem>>[vector<16xi32>], vector<16xf32>,
          %max3A_705 = arith.maximumf %max3A_703, %gather3A_704 : vector<16xf32>
          %gather3A_706 = tpu.vector_load_idx %arg7[%get3A_372] : memref<10000xf32, #tpu.memory_space<vmem>>[vector<16xi32>], vector<16xf32>,
          %max3A_707 = arith.maximumf %max3A_705, %gather3A_706 : vector<16xf32>
          %gather3A_708 = tpu.vector_load_idx %arg7[%get3A_379] : memref<10000xf32, #tpu.memory_space<vmem>>[vector<16xi32>], vector<16xf32>,
          %max3A_709 = arith.maximumf %max3A_707, %gather3A_708 : vector<16xf32>
          %gather3A_710 = tpu.vector_load_idx %arg7[%get3A_386] : memref<10000xf32, #tpu.memory_space<vmem>>[vector<16xi32>], vector<16xf32>,
          %max3A_711 = arith.maximumf %max3A_709, %gather3A_710 : vector<16xf32>
          %gather3A_712 = tpu.vector_load_idx %arg7[%get3A_393] : memref<10000xf32, #tpu.memory_space<vmem>>[vector<16xi32>], vector<16xf32>,
          %max3A_713 = arith.maximumf %max3A_711, %gather3A_712 : vector<16xf32>
          %gather3A_714 = tpu.vector_load_idx %arg7[%get3A_400] : memref<10000xf32, #tpu.memory_space<vmem>>[vector<16xi32>], vector<16xf32>,
          %max3A_715 = arith.maximumf %max3A_713, %gather3A_714 : vector<16xf32>
          %gather3A_716 = tpu.vector_load_idx %arg7[%get3A_407] : memref<10000xf32, #tpu.memory_space<vmem>>[vector<16xi32>], vector<16xf32>,
          %max3A_717 = arith.maximumf %max3A_715, %gather3A_716 : vector<16xf32>
          %gather3A_718 = tpu.vector_load_idx %arg7[%get3A_414] : memref<10000xf32, #tpu.memory_space<vmem>>[vector<16xi32>], vector<16xf32>,
          %max3A_719 = arith.maximumf %max3A_717, %gather3A_718 : vector<16xf32>
          %gather3A_720 = tpu.vector_load_idx %arg7[%get3A_421] : memref<10000xf32, #tpu.memory_space<vmem>>[vector<16xi32>], vector<16xf32>,
          %max3A_721 = arith.maximumf %max3A_719, %gather3A_720 : vector<16xf32>
          %gather3A_722 = tpu.vector_load_idx %arg7[%get3A_428] : memref<10000xf32, #tpu.memory_space<vmem>>[vector<16xi32>], vector<16xf32>,
          %max3A_723 = arith.maximumf %max3A_721, %gather3A_722 : vector<16xf32>
          %gather3A_724 = tpu.vector_load_idx %arg7[%get3A_435] : memref<10000xf32, #tpu.memory_space<vmem>>[vector<16xi32>], vector<16xf32>,
          %max3A_725 = arith.maximumf %max3A_723, %gather3A_724 : vector<16xf32>
          %gather3A_726 = tpu.vector_load_idx %arg7[%get3A_442] : memref<10000xf32, #tpu.memory_space<vmem>>[vector<16xi32>], vector<16xf32>,
          %max3A_727 = arith.maximumf %max3A_725, %gather3A_726 : vector<16xf32>
          %gather3A_728 = tpu.vector_load_idx %arg7[%get3A_449] : memref<10000xf32, #tpu.memory_space<vmem>>[vector<16xi32>], vector<16xf32>,
          %max3A_729 = arith.maximumf %max3A_727, %gather3A_728 : vector<16xf32>
          %gather3A_730 = tpu.vector_load_idx %arg7[%get3A_456] : memref<10000xf32, #tpu.memory_space<vmem>>[vector<16xi32>], vector<16xf32>,
          %max3A_731 = arith.maximumf %max3A_729, %gather3A_730 : vector<16xf32>
          %gather3A_732 = tpu.vector_load_idx %arg7[%get3A_463] : memref<10000xf32, #tpu.memory_space<vmem>>[vector<16xi32>], vector<16xf32>,
          %max3A_733 = arith.maximumf %max3A_731, %gather3A_732 : vector<16xf32>
          %gather3A_734 = tpu.vector_load_idx %arg7[%get3A_470] : memref<10000xf32, #tpu.memory_space<vmem>>[vector<16xi32>], vector<16xf32>,
          %max3A_735 = arith.maximumf %max3A_733, %gather3A_734 : vector<16xf32>
          %gather3A_736 = tpu.vector_load_idx %arg7[%get3A_477] : memref<10000xf32, #tpu.memory_space<vmem>>[vector<16xi32>], vector<16xf32>,
          %max3A_737 = arith.maximumf %max3A_735, %gather3A_736 : vector<16xf32>
          %gather3A_738 = tpu.vector_load_idx %arg7[%get3A_484] : memref<10000xf32, #tpu.memory_space<vmem>>[vector<16xi32>], vector<16xf32>,
          %max3A_739 = arith.maximumf %max3A_737, %gather3A_738 : vector<16xf32>
          %gather3A_740 = tpu.vector_load_idx %arg7[%get3A_491] : memref<10000xf32, #tpu.memory_space<vmem>>[vector<16xi32>], vector<16xf32>,
          %max3A_741 = arith.maximumf %max3A_739, %gather3A_740 : vector<16xf32>
          %gather3A_742 = tpu.vector_load_idx %arg7[%get3A_498] : memref<10000xf32, #tpu.memory_space<vmem>>[vector<16xi32>], vector<16xf32>,
          %max3A_743 = arith.maximumf %max3A_741, %gather3A_742 : vector<16xf32>
          %gather3A_744 = tpu.vector_load_idx %arg7[%get3A_505] : memref<10000xf32, #tpu.memory_space<vmem>>[vector<16xi32>], vector<16xf32>,
          %max3A_745 = arith.maximumf %max3A_743, %gather3A_744 : vector<16xf32>
          %gather3A_746 = tpu.vector_load_idx %arg7[%get3A_512] : memref<10000xf32, #tpu.memory_space<vmem>>[vector<16xi32>], vector<16xf32>,
          %max3A_747 = arith.maximumf %max3A_745, %gather3A_746 : vector<16xf32>
          %gather3A_748 = tpu.vector_load_idx %arg7[%get3A_519] : memref<10000xf32, #tpu.memory_space<vmem>>[vector<16xi32>], vector<16xf32>,
          %max3A_749 = arith.maximumf %max3A_747, %gather3A_748 : vector<16xf32>
          %gather3A_750 = tpu.vector_load_idx %arg7[%get3A_526] : memref<10000xf32, #tpu.memory_space<vmem>>[vector<16xi32>], vector<16xf32>,
          %max3A_751 = arith.maximumf %max3A_749, %gather3A_750 : vector<16xf32>
          %gather3A_752 = tpu.vector_load_idx %arg7[%get3A_533] : memref<10000xf32, #tpu.memory_space<vmem>>[vector<16xi32>], vector<16xf32>,
          %max3A_753 = arith.maximumf %max3A_751, %gather3A_752 : vector<16xf32>
          %gather3A_754 = tpu.vector_load_idx %arg7[%get3A_540] : memref<10000xf32, #tpu.memory_space<vmem>>[vector<16xi32>], vector<16xf32>,
          %max3A_755 = arith.maximumf %max3A_753, %gather3A_754 : vector<16xf32>
          %gather3A_756 = tpu.vector_load_idx %arg7[%get3A_547] : memref<10000xf32, #tpu.memory_space<vmem>>[vector<16xi32>], vector<16xf32>,
          %max3A_757 = arith.maximumf %max3A_755, %gather3A_756 : vector<16xf32>
          %gather3A_758 = tpu.vector_load_idx %arg7[%get3A_554] : memref<10000xf32, #tpu.memory_space<vmem>>[vector<16xi32>], vector<16xf32>,
          %max3A_759 = arith.maximumf %max3A_757, %gather3A_758 : vector<16xf32>
          %gather3A_760 = tpu.vector_load_idx %arg7[%get3A_561] : memref<10000xf32, #tpu.memory_space<vmem>>[vector<16xi32>], vector<16xf32>,
          %max3A_761 = arith.maximumf %max3A_759, %gather3A_760 : vector<16xf32>
          %swap3A_762 = arith.constant 1 : i32
          %swap3A_763 = arith.constant 2 : i32
          %swap3A_764 = arith.index_cast %swap3A_762 : i32 to index
          %swap3A_765 = arith.index_cast %swap3A_763 : i32 to index
          %swap3A_766 = arith.index_cast %scan3A_337 : i32 to index
          %swap3A_767 = arith.constant 0 : index
          %swap3A_768 = tpu.vector_load %arg10[%swap3A_764, %swap3A_765, %swap3A_766, %swap3A_767] {strides = array<i32>} : memref<2x4x25x16xf32, #tpu.memory_space<vmem>>, vector<16xf32>,
          tpu.vector_store %arg10[%swap3A_764, %swap3A_765, %swap3A_766, %swap3A_767], %max3A_761 {strides = array<i32>} : memref<2x4x25x16xf32, #tpu.memory_space<vmem>>, vector<16xf32>,
          %gather3A_769 = tpu.vector_load_idx %arg8[%get3A_344] : memref<10000xf32, #tpu.memory_space<vmem>>[vector<16xi32>], vector<16xf32>,
          %gather3A_770 = tpu.vector_load_idx %arg8[%get3A_351] : memref<10000xf32, #tpu.memory_space<vmem>>[vector<16xi32>], vector<16xf32>,
          %max3A_771 = arith.maximumf %gather3A_769, %gather3A_770 : vector<16xf32>
          %gather3A_772 = tpu.vector_load_idx %arg8[%get3A_358] : memref<10000xf32, #tpu.memory_space<vmem>>[vector<16xi32>], vector<16xf32>,
          %max3A_773 = arith.maximumf %max3A_771, %gather3A_772 : vector<16xf32>
          %gather3A_774 = tpu.vector_load_idx %arg8[%get3A_365] : memref<10000xf32, #tpu.memory_space<vmem>>[vector<16xi32>], vector<16xf32>,
          %max3A_775 = arith.maximumf %max3A_773, %gather3A_774 : vector<16xf32>
          %gather3A_776 = tpu.vector_load_idx %arg8[%get3A_372] : memref<10000xf32, #tpu.memory_space<vmem>>[vector<16xi32>], vector<16xf32>,
          %max3A_777 = arith.maximumf %max3A_775, %gather3A_776 : vector<16xf32>
          %gather3A_778 = tpu.vector_load_idx %arg8[%get3A_379] : memref<10000xf32, #tpu.memory_space<vmem>>[vector<16xi32>], vector<16xf32>,
          %max3A_779 = arith.maximumf %max3A_777, %gather3A_778 : vector<16xf32>
          %gather3A_780 = tpu.vector_load_idx %arg8[%get3A_386] : memref<10000xf32, #tpu.memory_space<vmem>>[vector<16xi32>], vector<16xf32>,
          %max3A_781 = arith.maximumf %max3A_779, %gather3A_780 : vector<16xf32>
          %gather3A_782 = tpu.vector_load_idx %arg8[%get3A_393] : memref<10000xf32, #tpu.memory_space<vmem>>[vector<16xi32>], vector<16xf32>,
          %max3A_783 = arith.maximumf %max3A_781, %gather3A_782 : vector<16xf32>
          %gather3A_784 = tpu.vector_load_idx %arg8[%get3A_400] : memref<10000xf32, #tpu.memory_space<vmem>>[vector<16xi32>], vector<16xf32>,
          %max3A_785 = arith.maximumf %max3A_783, %gather3A_784 : vector<16xf32>
          %gather3A_786 = tpu.vector_load_idx %arg8[%get3A_407] : memref<10000xf32, #tpu.memory_space<vmem>>[vector<16xi32>], vector<16xf32>,
          %max3A_787 = arith.maximumf %max3A_785, %gather3A_786 : vector<16xf32>
          %gather3A_788 = tpu.vector_load_idx %arg8[%get3A_414] : memref<10000xf32, #tpu.memory_space<vmem>>[vector<16xi32>], vector<16xf32>,
          %max3A_789 = arith.maximumf %max3A_787, %gather3A_788 : vector<16xf32>
          %gather3A_790 = tpu.vector_load_idx %arg8[%get3A_421] : memref<10000xf32, #tpu.memory_space<vmem>>[vector<16xi32>], vector<16xf32>,
          %max3A_791 = arith.maximumf %max3A_789, %gather3A_790 : vector<16xf32>
          %gather3A_792 = tpu.vector_load_idx %arg8[%get3A_428] : memref<10000xf32, #tpu.memory_space<vmem>>[vector<16xi32>], vector<16xf32>,
          %max3A_793 = arith.maximumf %max3A_791, %gather3A_792 : vector<16xf32>
          %gather3A_794 = tpu.vector_load_idx %arg8[%get3A_435] : memref<10000xf32, #tpu.memory_space<vmem>>[vector<16xi32>], vector<16xf32>,
          %max3A_795 = arith.maximumf %max3A_793, %gather3A_794 : vector<16xf32>
          %gather3A_796 = tpu.vector_load_idx %arg8[%get3A_442] : memref<10000xf32, #tpu.memory_space<vmem>>[vector<16xi32>], vector<16xf32>,
          %max3A_797 = arith.maximumf %max3A_795, %gather3A_796 : vector<16xf32>
          %gather3A_798 = tpu.vector_load_idx %arg8[%get3A_449] : memref<10000xf32, #tpu.memory_space<vmem>>[vector<16xi32>], vector<16xf32>,
          %max3A_799 = arith.maximumf %max3A_797, %gather3A_798 : vector<16xf32>
          %gather3A_800 = tpu.vector_load_idx %arg8[%get3A_456] : memref<10000xf32, #tpu.memory_space<vmem>>[vector<16xi32>], vector<16xf32>,
          %max3A_801 = arith.maximumf %max3A_799, %gather3A_800 : vector<16xf32>
          %gather3A_802 = tpu.vector_load_idx %arg8[%get3A_463] : memref<10000xf32, #tpu.memory_space<vmem>>[vector<16xi32>], vector<16xf32>,
          %max3A_803 = arith.maximumf %max3A_801, %gather3A_802 : vector<16xf32>
          %gather3A_804 = tpu.vector_load_idx %arg8[%get3A_470] : memref<10000xf32, #tpu.memory_space<vmem>>[vector<16xi32>], vector<16xf32>,
          %max3A_805 = arith.maximumf %max3A_803, %gather3A_804 : vector<16xf32>
          %gather3A_806 = tpu.vector_load_idx %arg8[%get3A_477] : memref<10000xf32, #tpu.memory_space<vmem>>[vector<16xi32>], vector<16xf32>,
          %max3A_807 = arith.maximumf %max3A_805, %gather3A_806 : vector<16xf32>
          %gather3A_808 = tpu.vector_load_idx %arg8[%get3A_484] : memref<10000xf32, #tpu.memory_space<vmem>>[vector<16xi32>], vector<16xf32>,
          %max3A_809 = arith.maximumf %max3A_807, %gather3A_808 : vector<16xf32>
          %gather3A_810 = tpu.vector_load_idx %arg8[%get3A_491] : memref<10000xf32, #tpu.memory_space<vmem>>[vector<16xi32>], vector<16xf32>,
          %max3A_811 = arith.maximumf %max3A_809, %gather3A_810 : vector<16xf32>
          %gather3A_812 = tpu.vector_load_idx %arg8[%get3A_498] : memref<10000xf32, #tpu.memory_space<vmem>>[vector<16xi32>], vector<16xf32>,
          %max3A_813 = arith.maximumf %max3A_811, %gather3A_812 : vector<16xf32>
          %gather3A_814 = tpu.vector_load_idx %arg8[%get3A_505] : memref<10000xf32, #tpu.memory_space<vmem>>[vector<16xi32>], vector<16xf32>,
          %max3A_815 = arith.maximumf %max3A_813, %gather3A_814 : vector<16xf32>
          %gather3A_816 = tpu.vector_load_idx %arg8[%get3A_512] : memref<10000xf32, #tpu.memory_space<vmem>>[vector<16xi32>], vector<16xf32>,
          %max3A_817 = arith.maximumf %max3A_815, %gather3A_816 : vector<16xf32>
          %gather3A_818 = tpu.vector_load_idx %arg8[%get3A_519] : memref<10000xf32, #tpu.memory_space<vmem>>[vector<16xi32>], vector<16xf32>,
          %max3A_819 = arith.maximumf %max3A_817, %gather3A_818 : vector<16xf32>
          %gather3A_820 = tpu.vector_load_idx %arg8[%get3A_526] : memref<10000xf32, #tpu.memory_space<vmem>>[vector<16xi32>], vector<16xf32>,
          %max3A_821 = arith.maximumf %max3A_819, %gather3A_820 : vector<16xf32>
          %gather3A_822 = tpu.vector_load_idx %arg8[%get3A_533] : memref<10000xf32, #tpu.memory_space<vmem>>[vector<16xi32>], vector<16xf32>,
          %max3A_823 = arith.maximumf %max3A_821, %gather3A_822 : vector<16xf32>
          %gather3A_824 = tpu.vector_load_idx %arg8[%get3A_540] : memref<10000xf32, #tpu.memory_space<vmem>>[vector<16xi32>], vector<16xf32>,
          %max3A_825 = arith.maximumf %max3A_823, %gather3A_824 : vector<16xf32>
          %gather3A_826 = tpu.vector_load_idx %arg8[%get3A_547] : memref<10000xf32, #tpu.memory_space<vmem>>[vector<16xi32>], vector<16xf32>,
          %max3A_827 = arith.maximumf %max3A_825, %gather3A_826 : vector<16xf32>
          %gather3A_828 = tpu.vector_load_idx %arg8[%get3A_554] : memref<10000xf32, #tpu.memory_space<vmem>>[vector<16xi32>], vector<16xf32>,
          %max3A_829 = arith.maximumf %max3A_827, %gather3A_828 : vector<16xf32>
          %gather3A_830 = tpu.vector_load_idx %arg8[%get3A_561] : memref<10000xf32, #tpu.memory_space<vmem>>[vector<16xi32>], vector<16xf32>,
          %max3A_831 = arith.maximumf %max3A_829, %gather3A_830 : vector<16xf32>
          %swap3A_832 = arith.constant 1 : i32
          %swap3A_833 = arith.constant 3 : i32
          %swap3A_834 = arith.index_cast %swap3A_832 : i32 to index
          %swap3A_835 = arith.index_cast %swap3A_833 : i32 to index
          %swap3A_836 = arith.index_cast %scan3A_337 : i32 to index
          %swap3A_837 = arith.constant 0 : index
          %swap3A_838 = tpu.vector_load %arg10[%swap3A_834, %swap3A_835, %swap3A_836, %swap3A_837] {strides = array<i32>} : memref<2x4x25x16xf32, #tpu.memory_space<vmem>>, vector<16xf32>,
          tpu.vector_store %arg10[%swap3A_834, %swap3A_835, %swap3A_836, %swap3A_837], %max3A_831 {strides = array<i32>} : memref<2x4x25x16xf32, #tpu.memory_space<vmem>>, vector<16xf32>,
          %scan3A_839 = arith.constant 0 : i32
          scf.yield %scan3A_839 : i32
        }
        %scan3A_260 = arith.constant 25 : i32
        %dma_start3A_261 = arith.constant 1 : i32
        %dma_start3A_262 = arith.constant 0 : i32
        %dma_start3A_263 = arith.constant 0 : i32
        %dma_start3A_264 = arith.constant 0 : i32
        %dma_start3A_265 = arith.constant 0 : i32
        %dma_start3A_266 = tpu.memref_slice %arg10[%dma_start3A_261, %dma_start3A_262, %dma_start3A_264, %dma_start3A_265] : memref<2x4x25x16xf32, #tpu.memory_space<vmem>> -> memref<1x1x25x16xf32, #tpu.memory_space<vmem>>
        %dma_start3A_267 = tpu.memref_squeeze %dma_start3A_266 : memref<1x1x25x16xf32, #tpu.memory_space<vmem>> -> memref<25x16xf32, #tpu.memory_space<vmem>>
        %dma_start3A_268 = arith.constant 0 : i32
        %dma_start3A_269 = arith.constant 0 : i32
        %dma_start3A_270 = tpu.memref_slice %arg4[%add3A, %dma_start3A_263, %add3A_214, %dma_start3A_268, %dma_start3A_269] : memref<32x4x25x25x16xf32, #tpu.memory_space<hbm>> -> memref<1x1x1x25x16xf32, #tpu.memory_space<hbm>>
        %dma_start3A_271 = tpu.memref_squeeze %dma_start3A_270 : memref<1x1x1x25x16xf32, #tpu.memory_space<hbm>> -> memref<25x16xf32, #tpu.memory_space<hbm>>
        %dma_start3A_272 = arith.constant 0 : i32
        %dma_start3A_273 = arith.constant 0 : i32
        %dma_start3A_274 = tpu.memref_slice %arg4[%add3A, %dma_start3A_263, %add3A_214, %dma_start3A_272, %dma_start3A_273] : memref<32x4x25x25x16xf32, #tpu.memory_space<hbm>> -> memref<1x1x1x25x16xf32, #tpu.memory_space<hbm>>
        %dma_start3A_275 = tpu.memref_squeeze %dma_start3A_274 : memref<1x1x1x25x16xf32, #tpu.memory_space<hbm>> -> memref<25x16xf32, #tpu.memory_space<hbm>>
        %dma_start3A_276 = arith.constant 0 : i32
        %dma_start3A_277 = arith.constant 0 : i32
        %dma_start3A_278 = tpu.memref_slice %arg10[%dma_start3A_261, %dma_start3A_262, %dma_start3A_276, %dma_start3A_277] : memref<2x4x25x16xf32, #tpu.memory_space<vmem>> -> memref<1x1x25x16xf32, #tpu.memory_space<vmem>>
        %dma_start3A_279 = tpu.memref_squeeze %dma_start3A_278 : memref<1x1x25x16xf32, #tpu.memory_space<vmem>> -> memref<25x16xf32, #tpu.memory_space<vmem>>
        tpu.enqueue_dma source(%dma_start3A_279 : memref<25x16xf32, #tpu.memory_space<vmem>>) target(%dma_start3A_275 : memref<25x16xf32, #tpu.memory_space<hbm>>) target_semaphore(%arg14 : memref<!tpu.dma_semaphore, #tpu.memory_space<semaphore_mem>>)
        %dma_start3A_280 = arith.constant 1 : i32
        %dma_start3A_281 = arith.constant 1 : i32
        %dma_start3A_282 = arith.constant 1 : i32
        %dma_start3A_283 = arith.constant 0 : i32
        %dma_start3A_284 = arith.constant 0 : i32
        %dma_start3A_285 = tpu.memref_slice %arg10[%dma_start3A_280, %dma_start3A_281, %dma_start3A_283, %dma_start3A_284] : memref<2x4x25x16xf32, #tpu.memory_space<vmem>> -> memref<1x1x25x16xf32, #tpu.memory_space<vmem>>
        %dma_start3A_286 = tpu.memref_squeeze %dma_start3A_285 : memref<1x1x25x16xf32, #tpu.memory_space<vmem>> -> memref<25x16xf32, #tpu.memory_space<vmem>>
        %dma_start3A_287 = arith.constant 0 : i32
        %dma_start3A_288 = arith.constant 0 : i32
        %dma_start3A_289 = tpu.memref_slice %arg4[%add3A, %dma_start3A_282, %add3A_214, %dma_start3A_287, %dma_start3A_288] : memref<32x4x25x25x16xf32, #tpu.memory_space<hbm>> -> memref<1x1x1x25x16xf32, #tpu.memory_space<hbm>>
        %dma_start3A_290 = tpu.memref_squeeze %dma_start3A_289 : memref<1x1x1x25x16xf32, #tpu.memory_space<hbm>> -> memref<25x16xf32, #tpu.memory_space<hbm>>
        %dma_start3A_291 = arith.constant 0 : i32
        %dma_start3A_292 = arith.constant 0 : i32
        %dma_start3A_293 = tpu.memref_slice %arg4[%add3A, %dma_start3A_282, %add3A_214, %dma_start3A_291, %dma_start3A_292] : memref<32x4x25x25x16xf32, #tpu.memory_space<hbm>> -> memref<1x1x1x25x16xf32, #tpu.memory_space<hbm>>
        %dma_start3A_294 = tpu.memref_squeeze %dma_start3A_293 : memref<1x1x1x25x16xf32, #tpu.memory_space<hbm>> -> memref<25x16xf32, #tpu.memory_space<hbm>>
        %dma_start3A_295 = arith.constant 0 : i32
        %dma_start3A_296 = arith.constant 0 : i32
        %dma_start3A_297 = tpu.memref_slice %arg10[%dma_start3A_280, %dma_start3A_281, %dma_start3A_295, %dma_start3A_296] : memref<2x4x25x16xf32, #tpu.memory_space<vmem>> -> memref<1x1x25x16xf32, #tpu.memory_space<vmem>>
        %dma_start3A_298 = tpu.memref_squeeze %dma_start3A_297 : memref<1x1x25x16xf32, #tpu.memory_space<vmem>> -> memref<25x16xf32, #tpu.memory_space<vmem>>
        tpu.enqueue_dma source(%dma_start3A_298 : memref<25x16xf32, #tpu.memory_space<vmem>>) target(%dma_start3A_294 : memref<25x16xf32, #tpu.memory_space<hbm>>) target_semaphore(%arg14 : memref<!tpu.dma_semaphore, #tpu.memory_space<semaphore_mem>>)
        %dma_start3A_299 = arith.constant 1 : i32
        %dma_start3A_300 = arith.constant 2 : i32
        %dma_start3A_301 = arith.constant 2 : i32
        %dma_start3A_302 = arith.constant 0 : i32
        %dma_start3A_303 = arith.constant 0 : i32
        %dma_start3A_304 = tpu.memref_slice %arg10[%dma_start3A_299, %dma_start3A_300, %dma_start3A_302, %dma_start3A_303] : memref<2x4x25x16xf32, #tpu.memory_space<vmem>> -> memref<1x1x25x16xf32, #tpu.memory_space<vmem>>
        %dma_start3A_305 = tpu.memref_squeeze %dma_start3A_304 : memref<1x1x25x16xf32, #tpu.memory_space<vmem>> -> memref<25x16xf32, #tpu.memory_space<vmem>>
        %dma_start3A_306 = arith.constant 0 : i32
        %dma_start3A_307 = arith.constant 0 : i32
        %dma_start3A_308 = tpu.memref_slice %arg4[%add3A, %dma_start3A_301, %add3A_214, %dma_start3A_306, %dma_start3A_307] : memref<32x4x25x25x16xf32, #tpu.memory_space<hbm>> -> memref<1x1x1x25x16xf32, #tpu.memory_space<hbm>>
        %dma_start3A_309 = tpu.memref_squeeze %dma_start3A_308 : memref<1x1x1x25x16xf32, #tpu.memory_space<hbm>> -> memref<25x16xf32, #tpu.memory_space<hbm>>
        %dma_start3A_310 = arith.constant 0 : i32
        %dma_start3A_311 = arith.constant 0 : i32
        %dma_start3A_312 = tpu.memref_slice %arg4[%add3A, %dma_start3A_301, %add3A_214, %dma_start3A_310, %dma_start3A_311] : memref<32x4x25x25x16xf32, #tpu.memory_space<hbm>> -> memref<1x1x1x25x16xf32, #tpu.memory_space<hbm>>
        %dma_start3A_313 = tpu.memref_squeeze %dma_start3A_312 : memref<1x1x1x25x16xf32, #tpu.memory_space<hbm>> -> memref<25x16xf32, #tpu.memory_space<hbm>>
        %dma_start3A_314 = arith.constant 0 : i32
        %dma_start3A_315 = arith.constant 0 : i32
        %dma_start3A_316 = tpu.memref_slice %arg10[%dma_start3A_299, %dma_start3A_300, %dma_start3A_314, %dma_start3A_315] : memref<2x4x25x16xf32, #tpu.memory_space<vmem>> -> memref<1x1x25x16xf32, #tpu.memory_space<vmem>>
        %dma_start3A_317 = tpu.memref_squeeze %dma_start3A_316 : memref<1x1x25x16xf32, #tpu.memory_space<vmem>> -> memref<25x16xf32, #tpu.memory_space<vmem>>
        tpu.enqueue_dma source(%dma_start3A_317 : memref<25x16xf32, #tpu.memory_space<vmem>>) target(%dma_start3A_313 : memref<25x16xf32, #tpu.memory_space<hbm>>) target_semaphore(%arg14 : memref<!tpu.dma_semaphore, #tpu.memory_space<semaphore_mem>>)
        %dma_start3A_318 = arith.constant 1 : i32
        %dma_start3A_319 = arith.constant 3 : i32
        %dma_start3A_320 = arith.constant 3 : i32
        %dma_start3A_321 = arith.constant 0 : i32
        %dma_start3A_322 = arith.constant 0 : i32
        %dma_start3A_323 = tpu.memref_slice %arg10[%dma_start3A_318, %dma_start3A_319, %dma_start3A_321, %dma_start3A_322] : memref<2x4x25x16xf32, #tpu.memory_space<vmem>> -> memref<1x1x25x16xf32, #tpu.memory_space<vmem>>
        %dma_start3A_324 = tpu.memref_squeeze %dma_start3A_323 : memref<1x1x25x16xf32, #tpu.memory_space<vmem>> -> memref<25x16xf32, #tpu.memory_space<vmem>>
        %dma_start3A_325 = arith.constant 0 : i32
        %dma_start3A_326 = arith.constant 0 : i32
        %dma_start3A_327 = tpu.memref_slice %arg4[%add3A, %dma_start3A_320, %add3A_214, %dma_start3A_325, %dma_start3A_326] : memref<32x4x25x25x16xf32, #tpu.memory_space<hbm>> -> memref<1x1x1x25x16xf32, #tpu.memory_space<hbm>>
        %dma_start3A_328 = tpu.memref_squeeze %dma_start3A_327 : memref<1x1x1x25x16xf32, #tpu.memory_space<hbm>> -> memref<25x16xf32, #tpu.memory_space<hbm>>
        %dma_start3A_329 = arith.constant 0 : i32
        %dma_start3A_330 = arith.constant 0 : i32
        %dma_start3A_331 = tpu.memref_slice %arg4[%add3A, %dma_start3A_320, %add3A_214, %dma_start3A_329, %dma_start3A_330] : memref<32x4x25x25x16xf32, #tpu.memory_space<hbm>> -> memref<1x1x1x25x16xf32, #tpu.memory_space<hbm>>
        %dma_start3A_332 = tpu.memref_squeeze %dma_start3A_331 : memref<1x1x1x25x16xf32, #tpu.memory_space<hbm>> -> memref<25x16xf32, #tpu.memory_space<hbm>>
        %dma_start3A_333 = arith.constant 0 : i32
        %dma_start3A_334 = arith.constant 0 : i32
        %dma_start3A_335 = tpu.memref_slice %arg10[%dma_start3A_318, %dma_start3A_319, %dma_start3A_333, %dma_start3A_334] : memref<2x4x25x16xf32, #tpu.memory_space<vmem>> -> memref<1x1x25x16xf32, #tpu.memory_space<vmem>>
        %dma_start3A_336 = tpu.memref_squeeze %dma_start3A_335 : memref<1x1x25x16xf32, #tpu.memory_space<vmem>> -> memref<25x16xf32, #tpu.memory_space<vmem>>
        tpu.enqueue_dma source(%dma_start3A_336 : memref<25x16xf32, #tpu.memory_space<vmem>>) target(%dma_start3A_332 : memref<25x16xf32, #tpu.memory_space<hbm>>) target_semaphore(%arg14 : memref<!tpu.dma_semaphore, #tpu.memory_space<semaphore_mem>>)
      } else {
      }
      %scan3A_220 = arith.constant 0 : i32
      scf.yield %scan3A_220 : i32
    }
    %scan3A_43 = arith.constant 13 : i32
    %dma_wait3A = arith.constant 0 : i32
    %dma_wait3A_44 = arith.constant 0 : i32
    %dma_wait3A_45 = arith.constant 0 : i32
    %dma_wait3A_46 = arith.constant 0 : i32
    %dma_wait3A_47 = arith.constant 0 : i32
    %dma_wait3A_48 = arith.constant 0 : i32
    %dma_wait3A_49 = tpu.memref_slice %arg10[%dma_wait3A, %dma_wait3A_44, %dma_wait3A_47, %dma_wait3A_48] : memref<2x4x25x16xf32, #tpu.memory_space<vmem>> -> memref<1x1x25x16xf32, #tpu.memory_space<vmem>>
    %dma_wait3A_50 = tpu.memref_squeeze %dma_wait3A_49 : memref<1x1x25x16xf32, #tpu.memory_space<vmem>> -> memref<25x16xf32, #tpu.memory_space<vmem>>
    %dma_wait3A_51 = arith.constant 0 : i32
    %dma_wait3A_52 = arith.constant 0 : i32
    %dma_wait3A_53 = tpu.memref_slice %arg4[%add3A, %dma_wait3A_45, %dma_wait3A_46, %dma_wait3A_51, %dma_wait3A_52] : memref<32x4x25x25x16xf32, #tpu.memory_space<hbm>> -> memref<1x1x1x25x16xf32, #tpu.memory_space<hbm>>
    %dma_wait3A_54 = tpu.memref_squeeze %dma_wait3A_53 : memref<1x1x1x25x16xf32, #tpu.memory_space<hbm>> -> memref<25x16xf32, #tpu.memory_space<hbm>>
    %dma_wait3A_55 = arith.constant 0 : i32
    %dma_wait3A_56 = arith.constant 0 : i32
    %dma_wait3A_57 = tpu.memref_slice %arg4[%add3A, %dma_wait3A_45, %dma_wait3A_46, %dma_wait3A_55, %dma_wait3A_56] : memref<32x4x25x25x16xf32, #tpu.memory_space<hbm>> -> memref<1x1x1x25x16xf32, #tpu.memory_space<hbm>>
    %dma_wait3A_58 = tpu.memref_squeeze %dma_wait3A_57 : memref<1x1x1x25x16xf32, #tpu.memory_space<hbm>> -> memref<25x16xf32, #tpu.memory_space<hbm>>
    %dma_wait3A_59 = arith.constant 0 : i32
    %dma_wait3A_60 = arith.constant 0 : i32
    %dma_wait3A_61 = tpu.memref_slice %arg10[%dma_wait3A, %dma_wait3A_44, %dma_wait3A_59, %dma_wait3A_60] : memref<2x4x25x16xf32, #tpu.memory_space<vmem>> -> memref<1x1x25x16xf32, #tpu.memory_space<vmem>>
    %dma_wait3A_62 = tpu.memref_squeeze %dma_wait3A_61 : memref<1x1x25x16xf32, #tpu.memory_space<vmem>> -> memref<25x16xf32, #tpu.memory_space<vmem>>
    tpu.wait_dma2 semaphore(%arg13 : memref<!tpu.dma_semaphore, #tpu.memory_space<semaphore_mem>>) src(%dma_wait3A_62 : memref<25x16xf32, #tpu.memory_space<vmem>>) dst(%dma_wait3A_58 : memref<25x16xf32, #tpu.memory_space<hbm>>)
    %dma_wait3A_63 = arith.constant 0 : i32
    %dma_wait3A_64 = arith.constant 1 : i32
    %dma_wait3A_65 = arith.constant 1 : i32
    %dma_wait3A_66 = arith.constant 0 : i32
    %dma_wait3A_67 = arith.constant 0 : i32
    %dma_wait3A_68 = arith.constant 0 : i32
    %dma_wait3A_69 = tpu.memref_slice %arg10[%dma_wait3A_63, %dma_wait3A_64, %dma_wait3A_67, %dma_wait3A_68] : memref<2x4x25x16xf32, #tpu.memory_space<vmem>> -> memref<1x1x25x16xf32, #tpu.memory_space<vmem>>
    %dma_wait3A_70 = tpu.memref_squeeze %dma_wait3A_69 : memref<1x1x25x16xf32, #tpu.memory_space<vmem>> -> memref<25x16xf32, #tpu.memory_space<vmem>>
    %dma_wait3A_71 = arith.constant 0 : i32
    %dma_wait3A_72 = arith.constant 0 : i32
    %dma_wait3A_73 = tpu.memref_slice %arg4[%add3A, %dma_wait3A_65, %dma_wait3A_66, %dma_wait3A_71, %dma_wait3A_72] : memref<32x4x25x25x16xf32, #tpu.memory_space<hbm>> -> memref<1x1x1x25x16xf32, #tpu.memory_space<hbm>>
    %dma_wait3A_74 = tpu.memref_squeeze %dma_wait3A_73 : memref<1x1x1x25x16xf32, #tpu.memory_space<hbm>> -> memref<25x16xf32, #tpu.memory_space<hbm>>
    %dma_wait3A_75 = arith.constant 0 : i32
    %dma_wait3A_76 = arith.constant 0 : i32
    %dma_wait3A_77 = tpu.memref_slice %arg4[%add3A, %dma_wait3A_65, %dma_wait3A_66, %dma_wait3A_75, %dma_wait3A_76] : memref<32x4x25x25x16xf32, #tpu.memory_space<hbm>> -> memref<1x1x1x25x16xf32, #tpu.memory_space<hbm>>
    %dma_wait3A_78 = tpu.memref_squeeze %dma_wait3A_77 : memref<1x1x1x25x16xf32, #tpu.memory_space<hbm>> -> memref<25x16xf32, #tpu.memory_space<hbm>>
    %dma_wait3A_79 = arith.constant 0 : i32
    %dma_wait3A_80 = arith.constant 0 : i32
    %dma_wait3A_81 = tpu.memref_slice %arg10[%dma_wait3A_63, %dma_wait3A_64, %dma_wait3A_79, %dma_wait3A_80] : memref<2x4x25x16xf32, #tpu.memory_space<vmem>> -> memref<1x1x25x16xf32, #tpu.memory_space<vmem>>
    %dma_wait3A_82 = tpu.memref_squeeze %dma_wait3A_81 : memref<1x1x25x16xf32, #tpu.memory_space<vmem>> -> memref<25x16xf32, #tpu.memory_space<vmem>>
    tpu.wait_dma2 semaphore(%arg13 : memref<!tpu.dma_semaphore, #tpu.memory_space<semaphore_mem>>) src(%dma_wait3A_82 : memref<25x16xf32, #tpu.memory_space<vmem>>) dst(%dma_wait3A_78 : memref<25x16xf32, #tpu.memory_space<hbm>>)
    %dma_wait3A_83 = arith.constant 0 : i32
    %dma_wait3A_84 = arith.constant 2 : i32
    %dma_wait3A_85 = arith.constant 2 : i32
    %dma_wait3A_86 = arith.constant 0 : i32
    %dma_wait3A_87 = arith.constant 0 : i32
    %dma_wait3A_88 = arith.constant 0 : i32
    %dma_wait3A_89 = tpu.memref_slice %arg10[%dma_wait3A_83, %dma_wait3A_84, %dma_wait3A_87, %dma_wait3A_88] : memref<2x4x25x16xf32, #tpu.memory_space<vmem>> -> memref<1x1x25x16xf32, #tpu.memory_space<vmem>>
    %dma_wait3A_90 = tpu.memref_squeeze %dma_wait3A_89 : memref<1x1x25x16xf32, #tpu.memory_space<vmem>> -> memref<25x16xf32, #tpu.memory_space<vmem>>
    %dma_wait3A_91 = arith.constant 0 : i32
    %dma_wait3A_92 = arith.constant 0 : i32
    %dma_wait3A_93 = tpu.memref_slice %arg4[%add3A, %dma_wait3A_85, %dma_wait3A_86, %dma_wait3A_91, %dma_wait3A_92] : memref<32x4x25x25x16xf32, #tpu.memory_space<hbm>> -> memref<1x1x1x25x16xf32, #tpu.memory_space<hbm>>
    %dma_wait3A_94 = tpu.memref_squeeze %dma_wait3A_93 : memref<1x1x1x25x16xf32, #tpu.memory_space<hbm>> -> memref<25x16xf32, #tpu.memory_space<hbm>>
    %dma_wait3A_95 = arith.constant 0 : i32
    %dma_wait3A_96 = arith.constant 0 : i32
    %dma_wait3A_97 = tpu.memref_slice %arg4[%add3A, %dma_wait3A_85, %dma_wait3A_86, %dma_wait3A_95, %dma_wait3A_96] : memref<32x4x25x25x16xf32, #tpu.memory_space<hbm>> -> memref<1x1x1x25x16xf32, #tpu.memory_space<hbm>>
    %dma_wait3A_98 = tpu.memref_squeeze %dma_wait3A_97 : memref<1x1x1x25x16xf32, #tpu.memory_space<hbm>> -> memref<25x16xf32, #tpu.memory_space<hbm>>
    %dma_wait3A_99 = arith.constant 0 : i32
    %dma_wait3A_100 = arith.constant 0 : i32
    %dma_wait3A_101 = tpu.memref_slice %arg10[%dma_wait3A_83, %dma_wait3A_84, %dma_wait3A_99, %dma_wait3A_100] : memref<2x4x25x16xf32, #tpu.memory_space<vmem>> -> memref<1x1x25x16xf32, #tpu.memory_space<vmem>>
    %dma_wait3A_102 = tpu.memref_squeeze %dma_wait3A_101 : memref<1x1x25x16xf32, #tpu.memory_space<vmem>> -> memref<25x16xf32, #tpu.memory_space<vmem>>
    tpu.wait_dma2 semaphore(%arg13 : memref<!tpu.dma_semaphore, #tpu.memory_space<semaphore_mem>>) src(%dma_wait3A_102 : memref<25x16xf32, #tpu.memory_space<vmem>>) dst(%dma_wait3A_98 : memref<25x16xf32, #tpu.memory_space<hbm>>)
    %dma_wait3A_103 = arith.constant 0 : i32
    %dma_wait3A_104 = arith.constant 3 : i32
    %dma_wait3A_105 = arith.constant 3 : i32
    %dma_wait3A_106 = arith.constant 0 : i32
    %dma_wait3A_107 = arith.constant 0 : i32
    %dma_wait3A_108 = arith.constant 0 : i32
    %dma_wait3A_109 = tpu.memref_slice %arg10[%dma_wait3A_103, %dma_wait3A_104, %dma_wait3A_107, %dma_wait3A_108] : memref<2x4x25x16xf32, #tpu.memory_space<vmem>> -> memref<1x1x25x16xf32, #tpu.memory_space<vmem>>
    %dma_wait3A_110 = tpu.memref_squeeze %dma_wait3A_109 : memref<1x1x25x16xf32, #tpu.memory_space<vmem>> -> memref<25x16xf32, #tpu.memory_space<vmem>>
    %dma_wait3A_111 = arith.constant 0 : i32
    %dma_wait3A_112 = arith.constant 0 : i32
    %dma_wait3A_113 = tpu.memref_slice %arg4[%add3A, %dma_wait3A_105, %dma_wait3A_106, %dma_wait3A_111, %dma_wait3A_112] : memref<32x4x25x25x16xf32, #tpu.memory_space<hbm>> -> memref<1x1x1x25x16xf32, #tpu.memory_space<hbm>>
    %dma_wait3A_114 = tpu.memref_squeeze %dma_wait3A_113 : memref<1x1x1x25x16xf32, #tpu.memory_space<hbm>> -> memref<25x16xf32, #tpu.memory_space<hbm>>
    %dma_wait3A_115 = arith.constant 0 : i32
    %dma_wait3A_116 = arith.constant 0 : i32
    %dma_wait3A_117 = tpu.memref_slice %arg4[%add3A, %dma_wait3A_105, %dma_wait3A_106, %dma_wait3A_115, %dma_wait3A_116] : memref<32x4x25x25x16xf32, #tpu.memory_space<hbm>> -> memref<1x1x1x25x16xf32, #tpu.memory_space<hbm>>
    %dma_wait3A_118 = tpu.memref_squeeze %dma_wait3A_117 : memref<1x1x1x25x16xf32, #tpu.memory_space<hbm>> -> memref<25x16xf32, #tpu.memory_space<hbm>>
    %dma_wait3A_119 = arith.constant 0 : i32
    %dma_wait3A_120 = arith.constant 0 : i32
    %dma_wait3A_121 = tpu.memref_slice %arg10[%dma_wait3A_103, %dma_wait3A_104, %dma_wait3A_119, %dma_wait3A_120] : memref<2x4x25x16xf32, #tpu.memory_space<vmem>> -> memref<1x1x25x16xf32, #tpu.memory_space<vmem>>
    %dma_wait3A_122 = tpu.memref_squeeze %dma_wait3A_121 : memref<1x1x25x16xf32, #tpu.memory_space<vmem>> -> memref<25x16xf32, #tpu.memory_space<vmem>>
    tpu.wait_dma2 semaphore(%arg13 : memref<!tpu.dma_semaphore, #tpu.memory_space<semaphore_mem>>) src(%dma_wait3A_122 : memref<25x16xf32, #tpu.memory_space<vmem>>) dst(%dma_wait3A_118 : memref<25x16xf32, #tpu.memory_space<hbm>>)
    %dma_wait3A_123 = arith.constant 1 : i32
    %dma_wait3A_124 = arith.constant 0 : i32
    %dma_wait3A_125 = arith.constant 0 : i32
    %dma_wait3A_126 = arith.constant 0 : i32
    %dma_wait3A_127 = arith.constant 0 : i32
    %dma_wait3A_128 = arith.constant 0 : i32
    %dma_wait3A_129 = tpu.memref_slice %arg10[%dma_wait3A_123, %dma_wait3A_124, %dma_wait3A_127, %dma_wait3A_128] : memref<2x4x25x16xf32, #tpu.memory_space<vmem>> -> memref<1x1x25x16xf32, #tpu.memory_space<vmem>>
    %dma_wait3A_130 = tpu.memref_squeeze %dma_wait3A_129 : memref<1x1x25x16xf32, #tpu.memory_space<vmem>> -> memref<25x16xf32, #tpu.memory_space<vmem>>
    %dma_wait3A_131 = arith.constant 0 : i32
    %dma_wait3A_132 = arith.constant 0 : i32
    %dma_wait3A_133 = tpu.memref_slice %arg4[%add3A, %dma_wait3A_125, %dma_wait3A_126, %dma_wait3A_131, %dma_wait3A_132] : memref<32x4x25x25x16xf32, #tpu.memory_space<hbm>> -> memref<1x1x1x25x16xf32, #tpu.memory_space<hbm>>
    %dma_wait3A_134 = tpu.memref_squeeze %dma_wait3A_133 : memref<1x1x1x25x16xf32, #tpu.memory_space<hbm>> -> memref<25x16xf32, #tpu.memory_space<hbm>>
    %dma_wait3A_135 = arith.constant 0 : i32
    %dma_wait3A_136 = arith.constant 0 : i32
    %dma_wait3A_137 = tpu.memref_slice %arg4[%add3A, %dma_wait3A_125, %dma_wait3A_126, %dma_wait3A_135, %dma_wait3A_136] : memref<32x4x25x25x16xf32, #tpu.memory_space<hbm>> -> memref<1x1x1x25x16xf32, #tpu.memory_space<hbm>>
    %dma_wait3A_138 = tpu.memref_squeeze %dma_wait3A_137 : memref<1x1x1x25x16xf32, #tpu.memory_space<hbm>> -> memref<25x16xf32, #tpu.memory_space<hbm>>
    %dma_wait3A_139 = arith.constant 0 : i32
    %dma_wait3A_140 = arith.constant 0 : i32
    %dma_wait3A_141 = tpu.memref_slice %arg10[%dma_wait3A_123, %dma_wait3A_124, %dma_wait3A_139, %dma_wait3A_140] : memref<2x4x25x16xf32, #tpu.memory_space<vmem>> -> memref<1x1x25x16xf32, #tpu.memory_space<vmem>>
    %dma_wait3A_142 = tpu.memref_squeeze %dma_wait3A_141 : memref<1x1x25x16xf32, #tpu.memory_space<vmem>> -> memref<25x16xf32, #tpu.memory_space<vmem>>
    tpu.wait_dma2 semaphore(%arg14 : memref<!tpu.dma_semaphore, #tpu.memory_space<semaphore_mem>>) src(%dma_wait3A_142 : memref<25x16xf32, #tpu.memory_space<vmem>>) dst(%dma_wait3A_138 : memref<25x16xf32, #tpu.memory_space<hbm>>)
    %dma_wait3A_143 = arith.constant 1 : i32
    %dma_wait3A_144 = arith.constant 1 : i32
    %dma_wait3A_145 = arith.constant 1 : i32
    %dma_wait3A_146 = arith.constant 0 : i32
    %dma_wait3A_147 = arith.constant 0 : i32
    %dma_wait3A_148 = arith.constant 0 : i32
    %dma_wait3A_149 = tpu.memref_slice %arg10[%dma_wait3A_143, %dma_wait3A_144, %dma_wait3A_147, %dma_wait3A_148] : memref<2x4x25x16xf32, #tpu.memory_space<vmem>> -> memref<1x1x25x16xf32, #tpu.memory_space<vmem>>
    %dma_wait3A_150 = tpu.memref_squeeze %dma_wait3A_149 : memref<1x1x25x16xf32, #tpu.memory_space<vmem>> -> memref<25x16xf32, #tpu.memory_space<vmem>>
    %dma_wait3A_151 = arith.constant 0 : i32
    %dma_wait3A_152 = arith.constant 0 : i32
    %dma_wait3A_153 = tpu.memref_slice %arg4[%add3A, %dma_wait3A_145, %dma_wait3A_146, %dma_wait3A_151, %dma_wait3A_152] : memref<32x4x25x25x16xf32, #tpu.memory_space<hbm>> -> memref<1x1x1x25x16xf32, #tpu.memory_space<hbm>>
    %dma_wait3A_154 = tpu.memref_squeeze %dma_wait3A_153 : memref<1x1x1x25x16xf32, #tpu.memory_space<hbm>> -> memref<25x16xf32, #tpu.memory_space<hbm>>
    %dma_wait3A_155 = arith.constant 0 : i32
    %dma_wait3A_156 = arith.constant 0 : i32
    %dma_wait3A_157 = tpu.memref_slice %arg4[%add3A, %dma_wait3A_145, %dma_wait3A_146, %dma_wait3A_155, %dma_wait3A_156] : memref<32x4x25x25x16xf32, #tpu.memory_space<hbm>> -> memref<1x1x1x25x16xf32, #tpu.memory_space<hbm>>
    %dma_wait3A_158 = tpu.memref_squeeze %dma_wait3A_157 : memref<1x1x1x25x16xf32, #tpu.memory_space<hbm>> -> memref<25x16xf32, #tpu.memory_space<hbm>>
    %dma_wait3A_159 = arith.constant 0 : i32
    %dma_wait3A_160 = arith.constant 0 : i32
    %dma_wait3A_161 = tpu.memref_slice %arg10[%dma_wait3A_143, %dma_wait3A_144, %dma_wait3A_159, %dma_wait3A_160] : memref<2x4x25x16xf32, #tpu.memory_space<vmem>> -> memref<1x1x25x16xf32, #tpu.memory_space<vmem>>
    %dma_wait3A_162 = tpu.memref_squeeze %dma_wait3A_161 : memref<1x1x25x16xf32, #tpu.memory_space<vmem>> -> memref<25x16xf32, #tpu.memory_space<vmem>>
    tpu.wait_dma2 semaphore(%arg14 : memref<!tpu.dma_semaphore, #tpu.memory_space<semaphore_mem>>) src(%dma_wait3A_162 : memref<25x16xf32, #tpu.memory_space<vmem>>) dst(%dma_wait3A_158 : memref<25x16xf32, #tpu.memory_space<hbm>>)
    %dma_wait3A_163 = arith.constant 1 : i32
    %dma_wait3A_164 = arith.constant 2 : i32
    %dma_wait3A_165 = arith.constant 2 : i32
    %dma_wait3A_166 = arith.constant 0 : i32
    %dma_wait3A_167 = arith.constant 0 : i32
    %dma_wait3A_168 = arith.constant 0 : i32
    %dma_wait3A_169 = tpu.memref_slice %arg10[%dma_wait3A_163, %dma_wait3A_164, %dma_wait3A_167, %dma_wait3A_168] : memref<2x4x25x16xf32, #tpu.memory_space<vmem>> -> memref<1x1x25x16xf32, #tpu.memory_space<vmem>>
    %dma_wait3A_170 = tpu.memref_squeeze %dma_wait3A_169 : memref<1x1x25x16xf32, #tpu.memory_space<vmem>> -> memref<25x16xf32, #tpu.memory_space<vmem>>
    %dma_wait3A_171 = arith.constant 0 : i32
    %dma_wait3A_172 = arith.constant 0 : i32
    %dma_wait3A_173 = tpu.memref_slice %arg4[%add3A, %dma_wait3A_165, %dma_wait3A_166, %dma_wait3A_171, %dma_wait3A_172] : memref<32x4x25x25x16xf32, #tpu.memory_space<hbm>> -> memref<1x1x1x25x16xf32, #tpu.memory_space<hbm>>
    %dma_wait3A_174 = tpu.memref_squeeze %dma_wait3A_173 : memref<1x1x1x25x16xf32, #tpu.memory_space<hbm>> -> memref<25x16xf32, #tpu.memory_space<hbm>>
    %dma_wait3A_175 = arith.constant 0 : i32
    %dma_wait3A_176 = arith.constant 0 : i32
    %dma_wait3A_177 = tpu.memref_slice %arg4[%add3A, %dma_wait3A_165, %dma_wait3A_166, %dma_wait3A_175, %dma_wait3A_176] : memref<32x4x25x25x16xf32, #tpu.memory_space<hbm>> -> memref<1x1x1x25x16xf32, #tpu.memory_space<hbm>>
    %dma_wait3A_178 = tpu.memref_squeeze %dma_wait3A_177 : memref<1x1x1x25x16xf32, #tpu.memory_space<hbm>> -> memref<25x16xf32, #tpu.memory_space<hbm>>
    %dma_wait3A_179 = arith.constant 0 : i32
    %dma_wait3A_180 = arith.constant 0 : i32
    %dma_wait3A_181 = tpu.memref_slice %arg10[%dma_wait3A_163, %dma_wait3A_164, %dma_wait3A_179, %dma_wait3A_180] : memref<2x4x25x16xf32, #tpu.memory_space<vmem>> -> memref<1x1x25x16xf32, #tpu.memory_space<vmem>>
    %dma_wait3A_182 = tpu.memref_squeeze %dma_wait3A_181 : memref<1x1x25x16xf32, #tpu.memory_space<vmem>> -> memref<25x16xf32, #tpu.memory_space<vmem>>
    tpu.wait_dma2 semaphore(%arg14 : memref<!tpu.dma_semaphore, #tpu.memory_space<semaphore_mem>>) src(%dma_wait3A_182 : memref<25x16xf32, #tpu.memory_space<vmem>>) dst(%dma_wait3A_178 : memref<25x16xf32, #tpu.memory_space<hbm>>)
    %dma_wait3A_183 = arith.constant 1 : i32
    %dma_wait3A_184 = arith.constant 3 : i32
    %dma_wait3A_185 = arith.constant 3 : i32
    %dma_wait3A_186 = arith.constant 0 : i32
    %dma_wait3A_187 = arith.constant 0 : i32
    %dma_wait3A_188 = arith.constant 0 : i32
    %dma_wait3A_189 = tpu.memref_slice %arg10[%dma_wait3A_183, %dma_wait3A_184, %dma_wait3A_187, %dma_wait3A_188] : memref<2x4x25x16xf32, #tpu.memory_space<vmem>> -> memref<1x1x25x16xf32, #tpu.memory_space<vmem>>
    %dma_wait3A_190 = tpu.memref_squeeze %dma_wait3A_189 : memref<1x1x25x16xf32, #tpu.memory_space<vmem>> -> memref<25x16xf32, #tpu.memory_space<vmem>>
    %dma_wait3A_191 = arith.constant 0 : i32
    %dma_wait3A_192 = arith.constant 0 : i32
    %dma_wait3A_193 = tpu.memref_slice %arg4[%add3A, %dma_wait3A_185, %dma_wait3A_186, %dma_wait3A_191, %dma_wait3A_192] : memref<32x4x25x25x16xf32, #tpu.memory_space<hbm>> -> memref<1x1x1x25x16xf32, #tpu.memory_space<hbm>>
    %dma_wait3A_194 = tpu.memref_squeeze %dma_wait3A_193 : memref<1x1x1x25x16xf32, #tpu.memory_space<hbm>> -> memref<25x16xf32, #tpu.memory_space<hbm>>
    %dma_wait3A_195 = arith.constant 0 : i32
    %dma_wait3A_196 = arith.constant 0 : i32
    %dma_wait3A_197 = tpu.memref_slice %arg4[%add3A, %dma_wait3A_185, %dma_wait3A_186, %dma_wait3A_195, %dma_wait3A_196] : memref<32x4x25x25x16xf32, #tpu.memory_space<hbm>> -> memref<1x1x1x25x16xf32, #tpu.memory_space<hbm>>
    %dma_wait3A_198 = tpu.memref_squeeze %dma_wait3A_197 : memref<1x1x1x25x16xf32, #tpu.memory_space<hbm>> -> memref<25x16xf32, #tpu.memory_space<hbm>>
    %dma_wait3A_199 = arith.constant 0 : i32
    %dma_wait3A_200 = arith.constant 0 : i32
    %dma_wait3A_201 = tpu.memref_slice %arg10[%dma_wait3A_183, %dma_wait3A_184, %dma_wait3A_199, %dma_wait3A_200] : memref<2x4x25x16xf32, #tpu.memory_space<vmem>> -> memref<1x1x25x16xf32, #tpu.memory_space<vmem>>
    %dma_wait3A_202 = tpu.memref_squeeze %dma_wait3A_201 : memref<1x1x25x16xf32, #tpu.memory_space<vmem>> -> memref<25x16xf32, #tpu.memory_space<vmem>>
    tpu.wait_dma2 semaphore(%arg14 : memref<!tpu.dma_semaphore, #tpu.memory_space<semaphore_mem>>) src(%dma_wait3A_202 : memref<25x16xf32, #tpu.memory_space<vmem>>) dst(%dma_wait3A_198 : memref<25x16xf32, #tpu.memory_space<hbm>>)
    return
  }
}

module attributes {stable_mosaic.version = 14 : i64} {
  func.func @_h_body(%arg0: i32, %arg1: memref<128x10000xf32, #tpu.memory_space<vmem>>, %arg2: memref<128x128xf32, #tpu.memory_space<vmem>>, %arg3: memref<128x1xf32, #tpu.memory_space<vmem>>, %arg4: memref<128x10000xf32, #tpu.memory_space<vmem>>) attributes {dimension_semantics = [#tpu.dimension_semantics<arbitrary>], iteration_bounds = array<i64: 1>, scalar_prefetch = 0 : i64, scratch_operands = 0 : i64, tpu.core_type = #tpu.core_type<tc>, window_params = [{transform_indices = @transform_0, window_bounds = array<i64: 128, 10000>}, {pipeline_mode = #tpu.pipeline_mode<synchronous>, transform_indices = @transform_1, window_bounds = array<i64: 128, 128>}, {pipeline_mode = #tpu.pipeline_mode<synchronous>, transform_indices = @transform_2, window_bounds = array<i64: 128, 1>}, {transform_indices = @transform_3, window_bounds = array<i64: 128, 10000>}]} {
    %get3A = arith.constant 0 : index
    %get3A_0 = arith.constant 0 : index
    %get3A_1 = vector.load %arg2[%get3A, %get3A_0] : memref<128x128xf32, #tpu.memory_space<vmem>>, vector<128x128xf32>
    %get3A_2 = arith.constant 0 : index
    %get3A_3 = arith.constant 0 : index
    %get3A_4 = vector.load %arg1[%get3A_2, %get3A_3] : memref<128x10000xf32, #tpu.memory_space<vmem>>, vector<128x10000xf32>
    %dot_general3A = arith.constant dense<0.000000e+00> : vector<128x10000xf32>
    %dot_general3A_5 = tpu.matmul %get3A_1, %get3A_4, %dot_general3A {dimension_numbers = #tpu.dot_dimension_numbers<[1], [0], [0], [1], [0, 0, 1, 1], [], []>, transpose_lhs_hint = false} : vector<128x128xf32>, vector<128x10000xf32>, vector<128x10000xf32> -> vector<128x10000xf32>
    %get3A_6 = arith.constant 0 : index
    %get3A_7 = arith.constant 0 : index
    %get3A_8 = vector.load %arg3[%get3A_6, %get3A_7] : memref<128x1xf32, #tpu.memory_space<vmem>>, vector<128x1xf32>
    %add3A = vector.broadcast %get3A_8 : vector<128x1xf32> to vector<128x10000xf32>
    %add3A_9 = arith.addf %dot_general3A_5, %add3A : vector<128x10000xf32>
    %max3A = arith.constant 0.000000e+00 : f32
    %max3A_10 = vector.broadcast %max3A : f32 to vector<128x10000xf32>
    %max3A_11 = arith.maximumf %add3A_9, %max3A_10 : vector<128x10000xf32>
    %swap3A = arith.constant 0 : index
    %swap3A_12 = arith.constant 0 : index
    %swap3A_13 = vector.load %arg4[%swap3A, %swap3A_12] : memref<128x10000xf32, #tpu.memory_space<vmem>>, vector<128x10000xf32>
    tpu.vector_store %arg4[%swap3A, %swap3A_12], %max3A_11 {strides = array<i32>} : memref<128x10000xf32, #tpu.memory_space<vmem>>, vector<128x10000xf32>,
    return
  }
  func.func @transform_0(%arg0: i32) -> (i32, i32) {
    %c0_i32 = arith.constant 0 : i32
    %c0_i32_0 = arith.constant 0 : i32
    return %c0_i32, %arg0 : i32, i32
  }
  func.func @transform_1(%arg0: i32) -> (i32, i32) {
    %c0_i32 = arith.constant 0 : i32
    %c0_i32_0 = arith.constant 0 : i32
    %c0_i32_1 = arith.constant 0 : i32
    return %c0_i32, %c0_i32_0 : i32, i32
  }
  func.func @transform_2(%arg0: i32) -> (i32, i32) {
    %c0_i32 = arith.constant 0 : i32
    %c0_i32_0 = arith.constant 0 : i32
    %c0_i32_1 = arith.constant 0 : i32
    return %c0_i32, %c0_i32_0 : i32, i32
  }
  func.func @transform_3(%arg0: i32) -> (i32, i32) {
    %c0_i32 = arith.constant 0 : i32
    %c0_i32_0 = arith.constant 0 : i32
    return %c0_i32, %arg0 : i32, i32
  }
}

module attributes {stable_mosaic.version = 14 : i64} {
  func.func @_out_body(%arg0: i32, %arg1: memref<128x10000xf32, #tpu.memory_space<vmem>>, %arg2: memref<128x10000xf32, #tpu.memory_space<vmem>>, %arg3: memref<128x128xf32, #tpu.memory_space<vmem>>, %arg4: memref<128x128xf32, #tpu.memory_space<vmem>>, %arg5: memref<128x1xf32, #tpu.memory_space<vmem>>, %arg6: memref<128x10000xf32, #tpu.memory_space<vmem>>) attributes {dimension_semantics = [#tpu.dimension_semantics<arbitrary>], iteration_bounds = array<i64: 1>, scalar_prefetch = 0 : i64, scratch_operands = 0 : i64, tpu.core_type = #tpu.core_type<tc>, window_params = [{transform_indices = @transform_0, window_bounds = array<i64: 128, 10000>}, {transform_indices = @transform_1, window_bounds = array<i64: 128, 10000>}, {pipeline_mode = #tpu.pipeline_mode<synchronous>, transform_indices = @transform_2, window_bounds = array<i64: 128, 128>}, {pipeline_mode = #tpu.pipeline_mode<synchronous>, transform_indices = @transform_3, window_bounds = array<i64: 128, 128>}, {pipeline_mode = #tpu.pipeline_mode<synchronous>, transform_indices = @transform_4, window_bounds = array<i64: 128, 1>}, {transform_indices = @transform_5, window_bounds = array<i64: 128, 10000>}]} {
    %get3A = arith.constant 0 : index
    %get3A_0 = arith.constant 0 : index
    %get3A_1 = vector.load %arg3[%get3A, %get3A_0] : memref<128x128xf32, #tpu.memory_space<vmem>>, vector<128x128xf32>
    %get3A_2 = arith.constant 0 : index
    %get3A_3 = arith.constant 0 : index
    %get3A_4 = vector.load %arg1[%get3A_2, %get3A_3] : memref<128x10000xf32, #tpu.memory_space<vmem>>, vector<128x10000xf32>
    %dot_general3A = arith.constant dense<0.000000e+00> : vector<128x10000xf32>
    %dot_general3A_5 = tpu.matmul %get3A_1, %get3A_4, %dot_general3A {dimension_numbers = #tpu.dot_dimension_numbers<[1], [0], [0], [1], [0, 0, 1, 1], [], []>, transpose_lhs_hint = false} : vector<128x128xf32>, vector<128x10000xf32>, vector<128x10000xf32> -> vector<128x10000xf32>
    %get3A_6 = arith.constant 0 : index
    %get3A_7 = arith.constant 0 : index
    %get3A_8 = vector.load %arg4[%get3A_6, %get3A_7] : memref<128x128xf32, #tpu.memory_space<vmem>>, vector<128x128xf32>
    %get3A_9 = arith.constant 0 : index
    %get3A_10 = arith.constant 0 : index
    %get3A_11 = vector.load %arg2[%get3A_9, %get3A_10] : memref<128x10000xf32, #tpu.memory_space<vmem>>, vector<128x10000xf32>
    %dot_general3A_12 = arith.constant dense<0.000000e+00> : vector<128x10000xf32>
    %dot_general3A_13 = tpu.matmul %get3A_8, %get3A_11, %dot_general3A_12 {dimension_numbers = #tpu.dot_dimension_numbers<[1], [0], [0], [1], [0, 0, 1, 1], [], []>, transpose_lhs_hint = false} : vector<128x128xf32>, vector<128x10000xf32>, vector<128x10000xf32> -> vector<128x10000xf32>
    %add3A = arith.addf %dot_general3A_5, %dot_general3A_13 : vector<128x10000xf32>
    %get3A_14 = arith.constant 0 : index
    %get3A_15 = arith.constant 0 : index
    %get3A_16 = vector.load %arg5[%get3A_14, %get3A_15] : memref<128x1xf32, #tpu.memory_space<vmem>>, vector<128x1xf32>
    %add3A_17 = vector.broadcast %get3A_16 : vector<128x1xf32> to vector<128x10000xf32>
    %add3A_18 = arith.addf %add3A, %add3A_17 : vector<128x10000xf32>
    %max3A = arith.constant 0.000000e+00 : f32
    %max3A_19 = vector.broadcast %max3A : f32 to vector<128x10000xf32>
    %max3A_20 = arith.maximumf %add3A_18, %max3A_19 : vector<128x10000xf32>
    %swap3A = arith.constant 0 : index
    %swap3A_21 = arith.constant 0 : index
    %swap3A_22 = vector.load %arg6[%swap3A, %swap3A_21] : memref<128x10000xf32, #tpu.memory_space<vmem>>, vector<128x10000xf32>
    tpu.vector_store %arg6[%swap3A, %swap3A_21], %max3A_20 {strides = array<i32>} : memref<128x10000xf32, #tpu.memory_space<vmem>>, vector<128x10000xf32>,
    return
  }
  func.func @transform_0(%arg0: i32) -> (i32, i32) {
    %c0_i32 = arith.constant 0 : i32
    %c0_i32_0 = arith.constant 0 : i32
    return %c0_i32, %arg0 : i32, i32
  }
  func.func @transform_1(%arg0: i32) -> (i32, i32) {
    %c0_i32 = arith.constant 0 : i32
    %c0_i32_0 = arith.constant 0 : i32
    return %c0_i32, %arg0 : i32, i32
  }
  func.func @transform_2(%arg0: i32) -> (i32, i32) {
    %c0_i32 = arith.constant 0 : i32
    %c0_i32_0 = arith.constant 0 : i32
    %c0_i32_1 = arith.constant 0 : i32
    return %c0_i32, %c0_i32_0 : i32, i32
  }
  func.func @transform_3(%arg0: i32) -> (i32, i32) {
    %c0_i32 = arith.constant 0 : i32
    %c0_i32_0 = arith.constant 0 : i32
    %c0_i32_1 = arith.constant 0 : i32
    return %c0_i32, %c0_i32_0 : i32, i32
  }
  func.func @transform_4(%arg0: i32) -> (i32, i32) {
    %c0_i32 = arith.constant 0 : i32
    %c0_i32_0 = arith.constant 0 : i32
    %c0_i32_1 = arith.constant 0 : i32
    return %c0_i32, %c0_i32_0 : i32, i32
  }
  func.func @transform_5(%arg0: i32) -> (i32, i32) {
    %c0_i32 = arith.constant 0 : i32
    %c0_i32_0 = arith.constant 0 : i32
    return %c0_i32, %arg0 : i32, i32
  }
}

</mosaic_0001>

<sc_bundles>
// kernel: kernel.5.cloned.1.call-start
scs
__scs_entry_jumppad:
0x0: {  	(pc) =	sbr.rel $0x88, $3  }
0x1: {  	(tag) =	ssettag $0x0;
	lr =	simm.s32 $0x1  }
0x2: {  	[smem:$0x3F9B] =	sst lr;
	_ =	strace $0xD0000000  }
0x3: {  	_ = 	snop  }
0x4: {  	_ = 	snop  }
0x5: {  	_ = 	snop  }
0x6: {  	_ = 	snop  }
0x7: {  	_ = 	snop  }
__scs_overlays_trampoline_lowered:
0x8: {  	[smem:$0x3FAA] =	sst s0  }
0x9: {  	[smem:$0x3FAB] =	sst s1  }
0xa: {  	[smem:$0x3FAC] =	sst s2  }
0xb: {  	[smem:$0x3FAD] =	sst s3  }
0xc: {  	[smem:$0x3FAE] =	sst s4  }
0xd: {  	[smem:$0x3FAF] =	sst s5  }
0xe: {  	[smem:$0x3FB0] =	sst s6  }
0xf: {  	[smem:$0x3FB1] =	sst s7  }
0x10: {  	[smem:$0x3FB2] =	sst s8  }
0x11: {  	[smem:$0x3FB3] =	sst s9;
	s0 =	simm.s32 @!p0 $0x0  }
0x12: {  	s1 =	sld [smem:$0x3F99];
	s0 =	simm.s32 @p0 $0x1  }
0x13: {  	[smem:$0x3FB4] =	sst s0;
	s0 =	simm.s32 @!p1 $0x0  }
0x14: {  	s2 =	sld [smem:$0x3F98];
	s0 =	simm.s32 @p1 $0x1  }
0x15: {  	[smem:$0x3FB5] =	sst s0;
	s0 =	simm.s32 @!p2 $0x0  }
0x16: {  	s3 =	sld [smem:$0x3FDB];
	s0 =	simm.s32 @p2 $0x1  }
0x17: {  	s4 =	simm.s32 $0x1BF5;
	[smem:$0x3FB7] =	sst s0  }
0x18: {  	s0 =	sld [smem:$0x3F9A];
	_ =	swait.ge [sflag:s4], $0x0  }
0x19: {  	s7 =	sld [smem:$0x3F9B]  }
0x1a: {  	s8 =	sadd.s32 $0xFFFFE003, lr  }
0x1b: {  	s9 =	sadd.s32 $0xFFFFFEF7, lr;
	s5 =	simm.s32 $0xFFFFFFFF;
	p2 =	slt.u32 s8, $0xFFFFF086  }
0x1c: {  	p1 =	slt.u32 s9, $0xF7A;
	s5 =	simm.s32 @!p2 $0x0  }
0x1d: {  	s5 =	simm.s32 @p1 $0x1;
	p0 =	seq.s32 s7, s2  }
0x1e: {  	s7 =	smul.u32 @!p0 $0xF7A, s2;
	p2 =	seq.s32 @!p0 s5, $0x0  }
0x1f: {  	s9 =	smul.u32 $0xF7A, s1;
	s8 =	simm.s32 @!p0 $0x1BF5;
	p2 =	por !p2, p0  }
0x20: {  	[sflag:s8] =	ssyncset.s32 @!p0 $0xFFFFF086;
	s6 =	sadd.s32 @!p0 s3, s7;
	s7 =	simm.s32 @!p0 $0x108  }
0x21: {  	s3 =	sadd.s32 s3, s9;
	s6 =	sadd.s32 @!p0 $0x88, s6;
	s7 =	simm.s32 @p2 $0x1082  }
0x22: {  	[simem:s7], [sflag:s8] =	dma.local @!p0 [hbm:s6], $0xF7A  }
0x23: {  	s9 =	sor.u32 $0xD0000000, s2;
	s6 =	simm.s32 $0x108;
	_ =	swait.ge @!p0 [sflag:s8], $0x0  }
0x24: {  	s3 =	sadd.s32 $0x88, s3;
	s6 =	simm.s32 @!p1 $0x1082;
	[sflag:s4] =	ssyncset.s32 $0xFFFFF086  }
0x25: {  	[simem:s6], [sflag:s4] =	dma.local [hbm:s3], $0xF7A  }
0x26: {  	[smem:$0x3F9B] =	sst s1;
	(tag) =	ssettag s2;
	_ =	strace s9  }
0x27: {  	s1 =	sld [smem:$0x3FAB]  }
0x28: {  	s2 =	sld [smem:$0x3FAC]  }
0x29: {  	s4 =	sld [smem:$0x3FAE]  }
0x2a: {  	p0 =	seq.s32 s5, $0x0;
	s5 =	sld [smem:$0x3FAF]  }
0x2b: {  	s6 =	sld [smem:$0x3FB0]  }
0x2c: {  	s7 =	sld [smem:$0x3FB1]  }
0x2d: {  	s3 =	simm.s32 $0x108;
	s8 =	sld [smem:$0x3FB2]  }
0x2e: {  	s3 =	simm.s32 @!p0 $0x1082;
	s9 =	sld [smem:$0x3FB3]  }
0x2f: {  	lr =	sadd.s32 s0, s3;
	s0 =	sld [smem:$0x3FAA]  }
0x30: {  	s3 =	sld [smem:$0x3FAD]  }
0x31: {  	[smem:$0x3FB6] =	sst s10  }
0x32: {  	s10 =	sld [smem:$0x3FB4];
	_ =	sdelay $0x3  }
0x33: {  	p0 =	seq.s32 s10, $0x1;
	s10 =	sld [smem:$0x3FB6];
	_ =	sdelay $0x3  }
0x34: {  	[smem:$0x3FB6] =	sst s10  }
0x35: {  	s10 =	sld [smem:$0x3FB5];
	_ =	sdelay $0x3  }
0x36: {  	p1 =	seq.s32 s10, $0x1;
	s10 =	sld [smem:$0x3FB6];
	_ =	sdelay $0x3  }
0x37: {  	[smem:$0x3FB6] =	sst s10  }
0x38: {  	s10 =	sld [smem:$0x3FB7]  }
0x39: {  	_ = 	snop;
	(pc) =	sbr.ind lr, $3  }
0x3a: {  	_ = 	snop  }
0x3b: {  	_ = 	snop  }
0x3c: {  	p2 =	seq.s32 s10, $0x1;
	s10 =	sld [smem:$0x3FB6]  }
0x3d: {  	_ =	shalt  }
0x3e: {  	_ =	shalt  }
0x3f: {  	_ =	shalt  }
0x40: {  	_ =	shalt  }
0x41: {  	_ =	shalt  }
0x42: {  	_ =	shalt  }
0x43: {  	_ =	shalt  }
0x44: {  	_ =	shalt  }
0x45: {  	_ =	shalt  }
0x46: {  	_ =	shalt  }
0x47: {  	_ =	shalt  }
0x48: {  	_ =	shalt  }
0x49: {  	_ =	shalt  }
0x4a: {  	_ =	shalt  }
0x4b: {  	_ =	shalt  }
0x4c: {  	_ =	shalt  }
0x4d: {  	_ =	shalt  }
0x4e: {  	_ =	shalt  }
0x4f: {  	_ =	shalt  }
0x50: {  	_ =	shalt  }
0x51: {  	_ =	shalt  }
0x52: {  	_ =	shalt  }
0x53: {  	_ =	shalt  }
0x54: {  	_ =	shalt  }
0x55: {  	_ =	shalt  }
0x56: {  	_ =	shalt  }
0x57: {  	_ =	shalt  }
0x58: {  	_ =	shalt  }
0x59: {  	_ =	shalt  }
0x5a: {  	_ =	shalt  }
0x5b: {  	_ =	shalt  }
0x5c: {  	_ =	shalt  }
0x5d: {  	_ =	shalt  }
0x5e: {  	_ =	shalt  }
0x5f: {  	_ =	shalt  }
0x60: {  	_ =	shalt  }
0x61: {  	_ =	shalt  }
0x62: {  	_ =	shalt  }
0x63: {  	_ =	shalt  }
0x64: {  	_ =	shalt  }
0x65: {  	_ =	shalt  }
0x66: {  	_ =	shalt  }
0x67: {  	_ =	shalt  }
0x68: {  	_ =	shalt  }
0x69: {  	_ =	shalt  }
0x6a: {  	_ =	shalt  }
0x6b: {  	_ =	shalt  }
0x6c: {  	_ =	shalt  }
0x6d: {  	_ =	shalt  }
0x6e: {  	_ =	shalt  }
0x6f: {  	_ =	shalt  }
0x70: {  	_ =	shalt  }
0x71: {  	_ =	shalt  }
0x72: {  	_ =	shalt  }
0x73: {  	_ =	shalt  }
0x74: {  	_ =	shalt  }
0x75: {  	_ =	shalt  }
0x76: {  	_ =	shalt  }
0x77: {  	_ =	shalt  }
0x78: {  	_ =	shalt  }
0x79: {  	_ =	shalt  }
0x7a: {  	_ =	shalt  }
0x7b: {  	_ =	shalt  }
0x7c: {  	_ =	shalt  }
0x7d: {  	_ =	shalt  }
0x7e: {  	_ =	shalt  }
0x7f: {  	_ =	shalt  }
0x80: {  	_ =	shalt  }
0x81: {  	_ =	shalt  }
0x82: {  	_ =	shalt  }
0x83: {  	_ =	shalt  }
0x84: {  	_ =	shalt  }
0x85: {  	_ =	shalt  }
0x86: {  	_ =	shalt  }
0x87: {  	_ =	shalt  }
.Lfunc_end0:
.L_simem_size_0:
called_computation_lowered:
.L_overlay_start_0:
0x88: {  	s2 =	sld [smem:$0x3FD9]  }
0x89: {  	s3 =	sld [smem:$0x3FFE];
	_ =	sdelay $0x1  }
0x8a: {  	s1 =	srdreg.scid  }
0x8b: {  	s0 =	sand.u32 $0x1, s1  }
0x8c: {  	s17 =	sshll.u32 s0, $0xA;
	s2 =	sadd.s32 s3, s2  }
0x8d: {  	s2 =	sadd.s32 s2, s17  }
0x8e: {  	[smem:$0x3FC2] =	sst s2  }
0x8f: {  	_ = 	snop  }
0x90: {  	s2 =	sld [smem:$0x3FD0];
	(tm) =	ssettm $0x1  }
0x91: {  	s18 =	sld [smem:$0x3FFB];
	_ =	sdelay $0x3  }
0x92: {  	_ =	strace s18  }
0x93: {  	s3 =	sld [smem:$0x3FFC];
	_ =	sdelay $0x3  }
0x94: {  	_ =	strace s3  }
0x95: {  	s3 =	sld [smem:$0x3FFD];
	_ =	sdelay $0x3  }
0x96: {  	_ =	strace s3  }
0x97: {  	_ =	strace $0x8FFFFFFF  }
0x98: {  	s19 =	sld [smem:$0x3FDB];
	_ =	sdelay $0x1  }
0x99: {  	s4 =	simm.s32 $_scs_section_size  }
0x9a: {  	s5 =	simm.s32 $_size__tile_overlayer_lowered;
	s6 =	simm.s32 $_tile_overlayer_lowered  }
0x9b: {  	s22 =	simm.s32 $0x1BFF;
	s21 =	sshll.u32 s6, $0x1;
	s3 =	sadd.s32 s4, s19  }
0x9c: {  	s7 =	simm.s32 $0x0;
	s20 =	sshll.u32 s5, $0x1;
	s5 =	sadd.s32 s21, s3  }
0x9d: {  	[timem:s7], [sflag:s22] =	dma.local [hbm:s5], s20  }
0x9e: {  	_ =	swait.ge [sflag:s22], s20  }
0x9f: {  	s4 =	ssub.s32 $0x0, s20;
	[sflag:s22] =	ssyncset.done $0x0  }
0xa0: {  	[sflag:s22] =	ssyncadd.s32 s4;
	_ =	sdelay $0x1  }
0xa1: {  	s23 =	simm.s32 $0x1B8B  }
0xa2: {  	_ =	swait.ge [sflag:s23], $0x1  }
0xa3: {  	[sflag:s23] =	ssyncset.done $0x0  }
0xa4: {  	s25 =	simm.s32 $0x1B8E;
	s24 =	sld [smem:$0x3FFE];
	[sflag:s23] =	ssyncadd.s32 $0xFFFFFFFF  }
0xa5: {  	s26 =	simm.s32 $execute0_lowered;
	[smem:$0x3FD2] =	sst s25  }
0xa6: {  	s5 =	sshll.u32 s26, $0x1;
	_ =	strace $0x80000046;
	[dreg:$0x1] =	wrdreg $0xFFFFFFFF  }
0xa7: {  	s28 =	simm.s32 $_size_execute0_lowered;
	s3 =	sadd.s32 s3, s5;
	[dreg:$0x0] =	wrdreg $0x0  }
0xa8: {  	s5 =	sshll.u32 s28, $0x1;
	[dreg:$0x2] =	wrdreg s3  }
0xa9: {  	[dreg:$0x3] =	wrdreg s5  }
0xaa: {  	[dreg:$0x4] =	wrdreg $0xC0  }
0xab: {  	_ =	task [dreg:s7], $0x5FFFF  }
0xac: {  	[dreg:$0x1] =	wrdreg $0xFFFFFFFF  }
0xad: {  	[dreg:$0x0] =	wrdreg $0x60  }
0xae: {  	[dreg:$0x2] =	wrdreg s2  }
0xaf: {  	[dreg:$0x3] =	wrdreg s24  }
0xb0: {  	[dreg:$0x4] =	wrdreg $0x9  }
0xb1: {  	_ =	task.clear_ibuf [dreg:s7], $0x5FFFF;
	_ =	strace $0x90000046  }
0xb2: {  	s29 =	simm.s32 $0x9;
	_ =	strace $0x80000048  }
0xb3: {  	_ =	swait.ge [sflag:s29], $0x1  }
0xb4: {  	[sflag:s29] =	ssyncadd.s32 $0xFFFFFFFF  }
0xb5: {  	_ =	strace $0x90000048  }
0xb6: {  	_ =	sfence  }
0xb7: {  	s30 =	sld [smem:$0x0];
	_ =	sdelay $0x2  }
0xb8: {  	s31 =	sshll.u32 s1, $0xD;
	s1 =	sshrl.u32 s1, $0x2  }
0xb9: {  	s3 =	sand.u32 $0x4000, s31;
	s1 =	sadd.s32 s1, s30  }
0xba: {  	s0 =	sor.u32 s3, s0;
	s1 =	sshll.u32 s1, $0x11  }
0xbb: {  	s0 =	sor.u32 s1, s0  }
0xbc: {  	s0 =	sadd.s32 $0x8F2B, s0  }
0xbd: {  	[sflag:s0] =	ssyncadd.remote.s32 $0x1  }
0xbe: {  	_ =	sfence.sel $0xFFFF  }
0xbf: {  	[dreg:$0x0] =	wrdreg $0xFFFFFFFF;
	(pc) =	sbr.abs _section_cstart, $3  }
0xc0: {  	[dreg:$0x1] =	wrdreg $0xFFFFFFFF  }
0xc1: {  	_ =	task.clear_ibuf [dreg:s7], $0x2FFFF;
	_ =	strace $0x9FFFFFFF  }
0xc2: {  	(tm) =	ssettm $0x7FFFFFFF  }
0xc3: {  	_ =	shalt  }
tec
execute0_lowered:
.L_overlay_start_1:
0x0: {  	(tag) =	ssettag $0x1  }
0x1: {  	s0 =	rddreg [dreg:$0x0]  }
0x2: {  	s1 =	srdreg.scid;
	s2 =	stileid.u32  }
0x3: {  	s5 =	rddreg [dreg:$0x1];
	s11 =	simm.s32 $0x5;
	s12 =	simm.s32 $0x2710  }
0x4: {  	s13 =	simm.s32 $0x4E20;
	s14 =	simm.s32 $0x7530;
	s15 =	simm.s32 $0x9C40  }
0x5: {  	s16 =	simm.s32 $0x1;
	s17 =	simm.s32 $0x10040;
	s18 =	simm.s32 $0x101D0  }
0x6: {  	s19 =	simm.s32 $0x10360;
	s20 =	simm.s32 $0x104F0;
	s21 =	simm.s32 $0x2  }
0x7: {  	s22 =	simm.s32 $0x10680;
	s23 =	simm.s32 $0x10810;
	s24 =	simm.s32 $0x109A0  }
0x8: {  	s25 =	simm.s32 $0x10B30;
	s1 =	sand.u32 $0x1, s1;
	s3 =	sshll.u32 s2, $0x1  }
0x9: {  	s26 =	simm.s32 $0x3;
	s28 =	simm.s32 $0x4;
	s6 =	sor.u32 s1, s3  }
0xa: {  	s29 =	simm.s32 $0x0;
	s2 =	simm.s32 $0x0;
	s3 =	smul.u32 $0x9C40, s6  }
0xb: {  	s4 =	sadd.s32 $0x1400, s5;
	s5 =	sadd.s32 $0xB200, s5;
	s6 =	smul.u32 $0x1388, s6  }
.Ltmp0:
0xc: {  	[smem:$0x7FF] =	sst s2;
	s1 =	ssub.s32 $0x2, s1;
	(pc) =	sbr.rel .LBB2_1-.Ltmp0, $4  }
0xd: {  	_ =	strace $0x80000047;
	s8 =	sshrl.u32 s1, $0x1;
	s7 =	sshrl.u32 s3, $0x3  }
0xe: {  	s1 =	ssub.s32 s1, s8;
	s7 =	sadd.s32 s0, s7;
	s0 =	sadd.s32 s0, s6  }
0xf: {  	s10 =	smax.u32 s1, $0x1;
	[dreg:$0x3] =	wrdreg s0;
	s31 =	sadd.s32 $0x4E2, s7  }
0x10: {  	s8 =	sadd.s32 $0x9C4, s7;
	s9 =	sadd.s32 $0xEA6, s7;
	[dreg:$0x4] =	wrdreg s31  }
.LBB2_9:
0x11: {  	_ =	swait.ge [sflag:s26], $0x190  }
0x12: {  	[sflag:s26] =	ssyncset.done $0x0  }
0x13: {  	[sflag:s26] =	ssyncadd.s32 $0xFFFFFE70  }
0x14: {  	_ =	swait.ge [sflag:s26], $0x190  }
0x15: {  	[sflag:s26] =	ssyncset.done $0x0  }
0x16: {  	[sflag:s26] =	ssyncadd.s32 $0xFFFFFE70  }
0x17: {  	_ =	swait.ge [sflag:s26], $0x190  }
0x18: {  	[sflag:s26] =	ssyncset.done $0x0  }
0x19: {  	[sflag:s26] =	ssyncadd.s32 $0xFFFFFE70  }
0x1a: {  	_ =	swait.ge [sflag:s26], $0x190  }
0x1b: {  	[sflag:s26] =	ssyncset.done $0x0  }
0x1c: {  	[sflag:s26] =	ssyncadd.s32 $0xFFFFFE70  }
0x1d: {  	_ =	swait.ge [sflag:s28], $0x190  }
0x1e: {  	[sflag:s28] =	ssyncset.done $0x0  }
0x1f: {  	[sflag:s28] =	ssyncadd.s32 $0xFFFFFE70  }
0x20: {  	_ =	swait.ge [sflag:s28], $0x190  }
0x21: {  	[sflag:s28] =	ssyncset.done $0x0  }
0x22: {  	s29 =	sadd.s32 $0x1, s29;
	[sflag:s28] =	ssyncadd.s32 $0xFFFFFE70  }
0x23: {  	p0 =	sne.s32 s29, s10;
	_ =	swait.ge [sflag:s28], $0x190  }
.Ltmp1:
0x24: {  	[sflag:s28] =	ssyncset.done $0x0;
	(pc) =	sbr.rel @!p0 .LBB2_10-.Ltmp1, $4  }
0x25: {  	[sflag:s28] =	ssyncadd.s32 $0xFFFFFE70  }
0x26: {  	_ =	swait.ge [sflag:s28], $0x190  }
0x27: {  	[sflag:s28] =	ssyncset.done $0x0  }
0x28: {  	[sflag:s28] =	ssyncadd.s32 $0xFFFFFE70  }
.LBB2_1:
0x29: {  	s0 =	rddreg [dreg:$0x3]  }
0x2a: {  	[tilespmem:s2], [sflag:$0x5] =	stream.linear.gather [hbm4b:s0+s2], $0x2710, $0x38;
	[tilespmem:$0x10CC0] =	vst v63  }
0x2b: {  	_ =	swait.ge [sflag:s11], $0x2710  }
0x2c: {  	[sflag:s11] =	ssyncset.done $0x0  }
0x2d: {  	s31 =	rddreg [dreg:$0x4];
	[sflag:s11] =	ssyncadd.s32 $0xFFFFD8F0  }
0x2e: {  	[tilespmem:s12], [sflag:$0x5] =	stream.linear.gather [hbm4b:s31+s2], $0x2710, $0x38;
	[tilespmem:$0x10CC0] =	vst v63  }
0x2f: {  	_ =	swait.ge [sflag:s11], $0x2710  }
0x30: {  	[sflag:s11] =	ssyncset.done $0x0  }
0x31: {  	[sflag:s11] =	ssyncadd.s32 $0xFFFFD8F0  }
0x32: {  	[tilespmem:s13], [sflag:$0x5] =	stream.linear.gather [hbm4b:s8+s2], $0x2710, $0x38;
	[tilespmem:$0x10CC0] =	vst v63  }
0x33: {  	_ =	swait.ge [sflag:s11], $0x2710  }
0x34: {  	[sflag:s11] =	ssyncset.done $0x0  }
0x35: {  	[sflag:s11] =	ssyncadd.s32 $0xFFFFD8F0  }
0x36: {  	[tilespmem:s14], [sflag:$0x5] =	stream.linear.gather [hbm4b:s9+s2], $0x2710, $0x38;
	[tilespmem:$0x10CC0] =	vst v63  }
.Ltmp2:
0x37: {  	_ = 	snop;
	(pc) =	sbr.rel .LBB2_2-.Ltmp2, $4  }
0x38: {  	_ =	swait.ge [sflag:s11], $0x2710  }
0x39: {  	[sflag:s11] =	ssyncset.done $0x0  }
0x3a: {  	s30 =	simm.s32 $0x0;
	[sflag:s11] =	ssyncadd.s32 $0xFFFFD8F0  }
0x3b: {  	[tilespmem:s15], [sflag:$0x1] =	stream.linear.gather [hbm4b:s4+s2], $0x3200, $0x38;
	[tilespmem:$0x10CC0] =	vst v63  }
.LBB2_8:
0x3c: {  	s30 =	sadd.s32 $0x1, s30  }
0x3d: {  	p0 =	sne.s32 s30, $0xD  }
.Ltmp3:
0x3e: {  	_ = 	snop;
	(pc) =	sbr.rel @!p0 .LBB2_9-.Ltmp3, $1  }
0x3f: {  	_ =	sdelay $0x3  }
.LBB2_2:
0x40: {  	s31 =	sshllo.u32 s30, $0x1  }
0x41: {  	p1 =	sgt.u32 s31, $0x18  }
0x42: {  	s0 =	smul.u32 @!p1 $0x640, s31;
	_ =	sdelay $0x1  }
0x43: {  	s1 =	simm.s32 @!p1 $0x0;
	s6 =	simm.s32 @!p1 $0xCE40;
	s0 =	sadd.s32 @!p1 s4, s0  }
0x44: {  	[tilespmem:s6], [sflag:$0x2] =	stream.linear.gather @!p1 [hbm4b:s0+s1], $0x3200, $0x38;
	[tilespmem:$0x10CC0] =	vst v63  }
0x45: {  	_ =	swait.ge [sflag:s16], $0x3200  }
0x46: {  	p0 =	seq.s32 s30, $0x0;
	[sflag:s16] =	ssyncset.done $0x0  }
0x47: {  	s0 =	simm.s32 @!p0 $0x3;
	[sflag:s16] =	ssyncadd.s32 $0xFFFFCE00  }
0x48: {  	_ =	swait.ge @!p0 [sflag:s0], $0x190  }
0x49: {  	[sflag:s0] =	ssyncset.done @!p0 $0x0  }
0x4a: {  	[sflag:s0] =	ssyncadd.s32 @!p0 $0xFFFFFE70  }
0x4b: {  	_ =	swait.ge @!p0 [sflag:s0], $0x190  }
0x4c: {  	[sflag:s0] =	ssyncset.done @!p0 $0x0  }
0x4d: {  	[sflag:s0] =	ssyncadd.s32 @!p0 $0xFFFFFE70  }
0x4e: {  	_ =	swait.ge @!p0 [sflag:s0], $0x190  }
0x4f: {  	[sflag:s0] =	ssyncset.done @!p0 $0x0  }
0x50: {  	[sflag:s0] =	ssyncadd.s32 @!p0 $0xFFFFFE70  }
0x51: {  	_ =	swait.ge @!p0 [sflag:s0], $0x190  }
0x52: {  	[sflag:s0] =	ssyncset.done @!p0 $0x0  }
0x53: {  	s1 =	simm.s32 $0x9D40;
	[sflag:s0] =	ssyncadd.s32 @!p0 $0xFFFFFE70  }
0x54: {  	v0 =	vld [tilespmem:s1+$0xF0]  }
0x55: {  	v1 =	vld [tilespmem:s1+$0xE0]  }
0x56: {  	v2 =	vld [tilespmem:s1+$0xD0]  }
0x57: {  	v3 =	vld [tilespmem:s1+$0xC0]  }
0x58: {  	v4 =	vld [tilespmem:s1+$0xB0]  }
0x59: {  	v5 =	vld [tilespmem:s1+$0xA0]  }
0x5a: {  	v6 =	vld [tilespmem:s1+$0x90]  }
0x5b: {  	v7 =	vld [tilespmem:s1+$0x80]  }
0x5c: {  	v8 =	vld [tilespmem:s1+$0x70]  }
0x5d: {  	v9 =	vld [tilespmem:s1+$0x60]  }
0x5e: {  	v10 =	vld [tilespmem:s1+$0x50]  }
0x5f: {  	v11 =	vld [tilespmem:s1+$0x40]  }
0x60: {  	v12 =	vld [tilespmem:s1+$0x30]  }
0x61: {  	v13 =	vld [tilespmem:s1+$0x20]  }
0x62: {  	v14 =	vld [tilespmem:s1+$0x10]  }
0x63: {  	v15 =	vld [tilespmem:s1+$0x0]  }
0x64: {  	v16 =	vld [tilespmem:s1+$0xFFFFFFF0]  }
0x65: {  	v17 =	vld [tilespmem:s1+$0xFFFFFFE0]  }
0x66: {  	v18 =	vld [tilespmem:s1+$0xFFFFFFD0]  }
0x67: {  	v19 =	vld [tilespmem:s1+$0xFFFFFFC0]  }
0x68: {  	v20 =	vld [tilespmem:s1+$0xFFFFFFB0]  }
0x69: {  	v21 =	vld [tilespmem:s1+$0xFFFFFFA0]  }
0x6a: {  	v22 =	vld [tilespmem:s1+$0xFFFFFF90]  }
0x6b: {  	v23 =	vld [tilespmem:s1+$0xFFFFFF80]  }
0x6c: {  	v24 =	vld [tilespmem:s1+$0xFFFFFF00]  }
0x6d: {  	v25 =	vld [tilespmem:s1+$0xFFFFFF10]  }
0x6e: {  	v26 =	vld [tilespmem:s1+$0xFFFFFF20]  }
0x6f: {  	v31 =	vld [tilespmem:s1+$0xFFFFFF30]  }
0x70: {  	v27 =	vld [tilespmem:s1+$0xFFFFFF40]  }
0x71: {  	v28 =	vld [tilespmem:s1+$0xFFFFFF50]  }
0x72: {  	v29 =	vld [tilespmem:s1+$0xFFFFFF60]  }
0x73: {  	v30 =	vld [tilespmem:s1+$0xFFFFFF70]  }
0x74: {  	v32 =	vld.idx.msk [tilespmem:v24+s2+$0x0], $0xffff  }
0x75: {  	v33 =	vld.idx.msk [tilespmem:v25+s2+$0x0], $0xffff  }
0x76: {  	v34 =	vld.idx.msk [tilespmem:v26+s2+$0x0], $0xffff  }
0x77: {  	v35 =	vld.idx.msk [tilespmem:v31+s2+$0x0], $0xffff  }
0x78: {  	v36 =	vld.idx.msk [tilespmem:v27+s2+$0x0], $0xffff  }
0x79: {  	v37 =	vld.idx.msk [tilespmem:v28+s2+$0x0], $0xffff  }
0x7a: {  	v38 =	vld.idx.msk [tilespmem:v29+s2+$0x0], $0xffff;
	v32 =	vmax.f32 v32, v33  }
0x7b: {  	v49 =	vld.idx.msk [tilespmem:v30+s2+$0x0], $0xffff;
	v32 =	vmax.f32 v32, v34  }
0x7c: {  	v50 =	vld.idx.msk [tilespmem:v23+s2+$0x0], $0xffff;
	v32 =	vmax.f32 v32, v35  }
0x7d: {  	v51 =	vld.idx.msk [tilespmem:v22+s2+$0x0], $0xffff;
	v32 =	vmax.f32 v32, v36  }
0x7e: {  	v52 =	vld.idx.msk [tilespmem:v21+s2+$0x0], $0xffff;
	v32 =	vmax.f32 v32, v37  }
0x7f: {  	v53 =	vld.idx.msk [tilespmem:v20+s2+$0x0], $0xffff;
	v32 =	vmax.f32 v32, v38  }
0x80: {  	v54 =	vld.idx.msk [tilespmem:v19+s2+$0x0], $0xffff;
	v32 =	vmax.f32 v32, v49  }
0x81: {  	v55 =	vld.idx.msk [tilespmem:v18+s2+$0x0], $0xffff;
	v32 =	vmax.f32 v32, v50  }
0x82: {  	v56 =	vld.idx.msk [tilespmem:v17+s2+$0x0], $0xffff;
	v32 =	vmax.f32 v32, v51  }
0x83: {  	v57 =	vld.idx.msk [tilespmem:v16+s2+$0x0], $0xffff;
	v32 =	vmax.f32 v32, v52  }
0x84: {  	v58 =	vld.idx.msk [tilespmem:v15+s2+$0x0], $0xffff;
	v32 =	vmax.f32 v32, v53  }
0x85: {  	v59 =	vld.idx.msk [tilespmem:v14+s2+$0x0], $0xffff;
	v32 =	vmax.f32 v32, v54  }
0x86: {  	v60 =	vld.idx.msk [tilespmem:v13+s2+$0x0], $0xffff;
	v32 =	vmax.f32 v32, v55  }
0x87: {  	v61 =	vld.idx.msk [tilespmem:v12+s2+$0x0], $0xffff;
	v32 =	vmax.f32 v32, v56  }
0x88: {  	v62 =	vld.idx.msk [tilespmem:v11+s2+$0x0], $0xffff;
	v32 =	vmax.f32 v32, v57  }
0x89: {  	v63 =	vld.idx.msk [tilespmem:v10+s2+$0x0], $0xffff;
	v32 =	vmax.f32 v32, v58  }
0x8a: {  	v40 =	vld.idx.msk [tilespmem:v9+s2+$0x0], $0xffff;
	v32 =	vmax.f32 v32, v59  }
0x8b: {  	v41 =	vld.idx.msk [tilespmem:v8+s2+$0x0], $0xffff;
	v32 =	vmax.f32 v32, v60  }
0x8c: {  	v42 =	vld.idx.msk [tilespmem:v7+s2+$0x0], $0xffff;
	v32 =	vmax.f32 v32, v61  }
0x8d: {  	v43 =	vld.idx.msk [tilespmem:v6+s2+$0x0], $0xffff;
	v32 =	vmax.f32 v32, v62  }
0x8e: {  	v44 =	vld.idx.msk [tilespmem:v5+s2+$0x0], $0xffff;
	v32 =	vmax.f32 v32, v63  }
0x8f: {  	v45 =	vld.idx.msk [tilespmem:v4+s2+$0x0], $0xffff;
	v32 =	vmax.f32 v32, v40  }
0x90: {  	v46 =	vld.idx.msk [tilespmem:v3+s2+$0x0], $0xffff;
	v32 =	vmax.f32 v32, v41  }
0x91: {  	v47 =	vld.idx.msk [tilespmem:v2+s2+$0x0], $0xffff;
	v32 =	vmax.f32 v32, v42  }
0x92: {  	v48 =	vld.idx.msk [tilespmem:v1+s2+$0x0], $0xffff;
	v32 =	vmax.f32 v32, v43  }
0x93: {  	v49 =	vld.idx.msk [tilespmem:v0+s2+$0x0], $0xffff;
	v32 =	vmax.f32 v32, v44  }
0x94: {  	v32 =	vmax.f32 v32, v45  }
0x95: {  	v32 =	vmax.f32 v32, v46  }
0x96: {  	v32 =	vmax.f32 v32, v47  }
0x97: {  	v32 =	vmax.f32 v32, v48  }
0x98: {  	s0 =	simm.s32 $0x190;
	v32 =	vmax.f32 v32, v49  }
0x99: {  	[tilespmem:s0+$0xFEB0] =	vst v32  }
0x9a: {  	v32 =	vld.idx.msk [tilespmem:v24+s12+$0x0], $0xffff  }
0x9b: {  	v50 =	vld.idx.msk [tilespmem:v25+s12+$0x0], $0xffff  }
0x9c: {  	v51 =	vld.idx.msk [tilespmem:v26+s12+$0x0], $0xffff  }
0x9d: {  	v52 =	vld.idx.msk [tilespmem:v31+s12+$0x0], $0xffff  }
0x9e: {  	v53 =	vld.idx.msk [tilespmem:v27+s12+$0x0], $0xffff  }
0x9f: {  	v54 =	vld.idx.msk [tilespmem:v28+s12+$0x0], $0xffff  }
0xa0: {  	v55 =	vld.idx.msk [tilespmem:v29+s12+$0x0], $0xffff;
	v32 =	vmax.f32 v32, v50  }
0xa1: {  	v56 =	vld.idx.msk [tilespmem:v30+s12+$0x0], $0xffff;
	v32 =	vmax.f32 v32, v51  }
0xa2: {  	v57 =	vld.idx.msk [tilespmem:v23+s12+$0x0], $0xffff;
	v32 =	vmax.f32 v32, v52  }
0xa3: {  	v58 =	vld.idx.msk [tilespmem:v22+s12+$0x0], $0xffff;
	v32 =	vmax.f32 v32, v53  }
0xa4: {  	v59 =	vld.idx.msk [tilespmem:v21+s12+$0x0], $0xffff;
	v32 =	vmax.f32 v32, v54  }
0xa5: {  	v60 =	vld.idx.msk [tilespmem:v20+s12+$0x0], $0xffff;
	v32 =	vmax.f32 v32, v55  }
0xa6: {  	v61 =	vld.idx.msk [tilespmem:v19+s12+$0x0], $0xffff;
	v32 =	vmax.f32 v32, v56  }
0xa7: {  	v62 =	vld.idx.msk [tilespmem:v18+s12+$0x0], $0xffff;
	v32 =	vmax.f32 v32, v57  }
0xa8: {  	v63 =	vld.idx.msk [tilespmem:v17+s12+$0x0], $0xffff;
	v32 =	vmax.f32 v32, v58  }
0xa9: {  	v40 =	vld.idx.msk [tilespmem:v16+s12+$0x0], $0xffff;
	v32 =	vmax.f32 v32, v59  }
0xaa: {  	v41 =	vld.idx.msk [tilespmem:v15+s12+$0x0], $0xffff;
	v32 =	vmax.f32 v32, v60  }
0xab: {  	v42 =	vld.idx.msk [tilespmem:v14+s12+$0x0], $0xffff;
	v32 =	vmax.f32 v32, v61  }
0xac: {  	v43 =	vld.idx.msk [tilespmem:v13+s12+$0x0], $0xffff;
	v32 =	vmax.f32 v32, v62  }
0xad: {  	v44 =	vld.idx.msk [tilespmem:v12+s12+$0x0], $0xffff;
	v32 =	vmax.f32 v32, v63  }
0xae: {  	v45 =	vld.idx.msk [tilespmem:v11+s12+$0x0], $0xffff;
	v32 =	vmax.f32 v32, v40  }
0xaf: {  	v46 =	vld.idx.msk [tilespmem:v10+s12+$0x0], $0xffff;
	v32 =	vmax.f32 v32, v41  }
0xb0: {  	v47 =	vld.idx.msk [tilespmem:v9+s12+$0x0], $0xffff;
	v32 =	vmax.f32 v32, v42  }
0xb1: {  	v48 =	vld.idx.msk [tilespmem:v8+s12+$0x0], $0xffff;
	v32 =	vmax.f32 v32, v43  }
0xb2: {  	v49 =	vld.idx.msk [tilespmem:v7+s12+$0x0], $0xffff;
	v32 =	vmax.f32 v32, v44  }
0xb3: {  	v50 =	vld.idx.msk [tilespmem:v6+s12+$0x0], $0xffff;
	v32 =	vmax.f32 v32, v45  }
0xb4: {  	v51 =	vld.idx.msk [tilespmem:v5+s12+$0x0], $0xffff;
	v32 =	vmax.f32 v32, v46  }
0xb5: {  	v52 =	vld.idx.msk [tilespmem:v4+s12+$0x0], $0xffff;
	v32 =	vmax.f32 v32, v47  }
0xb6: {  	v53 =	vld.idx.msk [tilespmem:v3+s12+$0x0], $0xffff;
	v32 =	vmax.f32 v32, v48  }
0xb7: {  	v54 =	vld.idx.msk [tilespmem:v2+s12+$0x0], $0xffff;
	v32 =	vmax.f32 v32, v49  }
0xb8: {  	v55 =	vld.idx.msk [tilespmem:v1+s12+$0x0], $0xffff;
	v32 =	vmax.f32 v32, v50  }
0xb9: {  	v56 =	vld.idx.msk [tilespmem:v0+s12+$0x0], $0xffff;
	v32 =	vmax.f32 v32, v51  }
0xba: {  	v32 =	vmax.f32 v32, v52  }
0xbb: {  	v32 =	vmax.f32 v32, v53  }
0xbc: {  	v32 =	vmax.f32 v32, v54  }
0xbd: {  	v32 =	vmax.f32 v32, v55  }
0xbe: {  	v32 =	vmax.f32 v32, v56  }
0xbf: {  	[tilespmem:s0+$0x10040] =	vst v32  }
0xc0: {  	v32 =	vld.idx.msk [tilespmem:v24+s13+$0x0], $0xffff  }
0xc1: {  	v57 =	vld.idx.msk [tilespmem:v25+s13+$0x0], $0xffff  }
0xc2: {  	v58 =	vld.idx.msk [tilespmem:v26+s13+$0x0], $0xffff  }
0xc3: {  	v59 =	vld.idx.msk [tilespmem:v31+s13+$0x0], $0xffff  }
0xc4: {  	v60 =	vld.idx.msk [tilespmem:v27+s13+$0x0], $0xffff  }
0xc5: {  	v61 =	vld.idx.msk [tilespmem:v28+s13+$0x0], $0xffff  }
0xc6: {  	v62 =	vld.idx.msk [tilespmem:v29+s13+$0x0], $0xffff;
	v32 =	vmax.f32 v32, v57  }
0xc7: {  	v63 =	vld.idx.msk [tilespmem:v30+s13+$0x0], $0xffff;
	v32 =	vmax.f32 v32, v58  }
0xc8: {  	v40 =	vld.idx.msk [tilespmem:v23+s13+$0x0], $0xffff;
	v32 =	vmax.f32 v32, v59  }
0xc9: {  	v41 =	vld.idx.msk [tilespmem:v22+s13+$0x0], $0xffff;
	v32 =	vmax.f32 v32, v60  }
0xca: {  	v42 =	vld.idx.msk [tilespmem:v21+s13+$0x0], $0xffff;
	v32 =	vmax.f32 v32, v61  }
0xcb: {  	v43 =	vld.idx.msk [tilespmem:v20+s13+$0x0], $0xffff;
	v32 =	vmax.f32 v32, v62  }
0xcc: {  	v44 =	vld.idx.msk [tilespmem:v19+s13+$0x0], $0xffff;
	v32 =	vmax.f32 v32, v63  }
0xcd: {  	v45 =	vld.idx.msk [tilespmem:v18+s13+$0x0], $0xffff;
	v32 =	vmax.f32 v32, v40  }
0xce: {  	v46 =	vld.idx.msk [tilespmem:v17+s13+$0x0], $0xffff;
	v32 =	vmax.f32 v32, v41  }
0xcf: {  	v47 =	vld.idx.msk [tilespmem:v16+s13+$0x0], $0xffff;
	v32 =	vmax.f32 v32, v42  }
0xd0: {  	v48 =	vld.idx.msk [tilespmem:v15+s13+$0x0], $0xffff;
	v32 =	vmax.f32 v32, v43  }
0xd1: {  	v49 =	vld.idx.msk [tilespmem:v14+s13+$0x0], $0xffff;
	v32 =	vmax.f32 v32, v44  }
0xd2: {  	v50 =	vld.idx.msk [tilespmem:v13+s13+$0x0], $0xffff;
	v32 =	vmax.f32 v32, v45  }
0xd3: {  	v51 =	vld.idx.msk [tilespmem:v12+s13+$0x0], $0xffff;
	v32 =	vmax.f32 v32, v46  }
0xd4: {  	v52 =	vld.idx.msk [tilespmem:v11+s13+$0x0], $0xffff;
	v32 =	vmax.f32 v32, v47  }
0xd5: {  	v53 =	vld.idx.msk [tilespmem:v10+s13+$0x0], $0xffff;
	v32 =	vmax.f32 v32, v48  }
0xd6: {  	v54 =	vld.idx.msk [tilespmem:v9+s13+$0x0], $0xffff;
	v32 =	vmax.f32 v32, v49  }
0xd7: {  	v55 =	vld.idx.msk [tilespmem:v8+s13+$0x0], $0xffff;
	v32 =	vmax.f32 v32, v50  }
0xd8: {  	v56 =	vld.idx.msk [tilespmem:v7+s13+$0x0], $0xffff;
	v32 =	vmax.f32 v32, v51  }
0xd9: {  	v57 =	vld.idx.msk [tilespmem:v6+s13+$0x0], $0xffff;
	v32 =	vmax.f32 v32, v52  }
0xda: {  	v58 =	vld.idx.msk [tilespmem:v5+s13+$0x0], $0xffff;
	v32 =	vmax.f32 v32, v53  }
0xdb: {  	v59 =	vld.idx.msk [tilespmem:v4+s13+$0x0], $0xffff;
	v32 =	vmax.f32 v32, v54  }
0xdc: {  	v60 =	vld.idx.msk [tilespmem:v3+s13+$0x0], $0xffff;
	v32 =	vmax.f32 v32, v55  }
0xdd: {  	v61 =	vld.idx.msk [tilespmem:v2+s13+$0x0], $0xffff;
	v32 =	vmax.f32 v32, v56  }
0xde: {  	v62 =	vld.idx.msk [tilespmem:v1+s13+$0x0], $0xffff;
	v32 =	vmax.f32 v32, v57  }
0xdf: {  	v63 =	vld.idx.msk [tilespmem:v0+s13+$0x0], $0xffff;
	v32 =	vmax.f32 v32, v58  }
0xe0: {  	v32 =	vmax.f32 v32, v59  }
0xe1: {  	v32 =	vmax.f32 v32, v60  }
0xe2: {  	v32 =	vmax.f32 v32, v61  }
0xe3: {  	v32 =	vmax.f32 v32, v62  }
0xe4: {  	v32 =	vmax.f32 v32, v63  }
0xe5: {  	[tilespmem:s0+$0x101D0] =	vst v32  }
0xe6: {  	v31 =	vld.idx.msk [tilespmem:v31+s14+$0x0], $0xffff  }
0xe7: {  	v24 =	vld.idx.msk [tilespmem:v24+s14+$0x0], $0xffff  }
0xe8: {  	v25 =	vld.idx.msk [tilespmem:v25+s14+$0x0], $0xffff  }
0xe9: {  	v26 =	vld.idx.msk [tilespmem:v26+s14+$0x0], $0xffff  }
0xea: {  	v27 =	vld.idx.msk [tilespmem:v27+s14+$0x0], $0xffff  }
0xeb: {  	v28 =	vld.idx.msk [tilespmem:v28+s14+$0x0], $0xffff  }
0xec: {  	v29 =	vld.idx.msk [tilespmem:v29+s14+$0x0], $0xffff  }
0xed: {  	v30 =	vld.idx.msk [tilespmem:v30+s14+$0x0], $0xffff;
	v24 =	vmax.f32 v24, v25  }
0xee: {  	v23 =	vld.idx.msk [tilespmem:v23+s14+$0x0], $0xffff;
	v24 =	vmax.f32 v24, v26  }
0xef: {  	v22 =	vld.idx.msk [tilespmem:v22+s14+$0x0], $0xffff;
	v24 =	vmax.f32 v24, v31  }
0xf0: {  	v21 =	vld.idx.msk [tilespmem:v21+s14+$0x0], $0xffff;
	v24 =	vmax.f32 v24, v27  }
0xf1: {  	v20 =	vld.idx.msk [tilespmem:v20+s14+$0x0], $0xffff;
	v24 =	vmax.f32 v24, v28  }
0xf2: {  	v19 =	vld.idx.msk [tilespmem:v19+s14+$0x0], $0xffff;
	v24 =	vmax.f32 v24, v29  }
0xf3: {  	v18 =	vld.idx.msk [tilespmem:v18+s14+$0x0], $0xffff;
	v24 =	vmax.f32 v24, v30  }
0xf4: {  	v17 =	vld.idx.msk [tilespmem:v17+s14+$0x0], $0xffff;
	v23 =	vmax.f32 v24, v23  }
0xf5: {  	v16 =	vld.idx.msk [tilespmem:v16+s14+$0x0], $0xffff;
	v22 =	vmax.f32 v23, v22  }
0xf6: {  	v15 =	vld.idx.msk [tilespmem:v15+s14+$0x0], $0xffff;
	v21 =	vmax.f32 v22, v21  }
0xf7: {  	v14 =	vld.idx.msk [tilespmem:v14+s14+$0x0], $0xffff;
	v20 =	vmax.f32 v21, v20  }
0xf8: {  	v13 =	vld.idx.msk [tilespmem:v13+s14+$0x0], $0xffff;
	v19 =	vmax.f32 v20, v19  }
0xf9: {  	v12 =	vld.idx.msk [tilespmem:v12+s14+$0x0], $0xffff;
	v18 =	vmax.f32 v19, v18  }
0xfa: {  	v11 =	vld.idx.msk [tilespmem:v11+s14+$0x0], $0xffff;
	v17 =	vmax.f32 v18, v17  }
0xfb: {  	v10 =	vld.idx.msk [tilespmem:v10+s14+$0x0], $0xffff;
	v16 =	vmax.f32 v17, v16  }
0xfc: {  	v9 =	vld.idx.msk [tilespmem:v9+s14+$0x0], $0xffff;
	v15 =	vmax.f32 v16, v15  }
0xfd: {  	v8 =	vld.idx.msk [tilespmem:v8+s14+$0x0], $0xffff;
	v14 =	vmax.f32 v15, v14  }
0xfe: {  	v7 =	vld.idx.msk [tilespmem:v7+s14+$0x0], $0xffff;
	v13 =	vmax.f32 v14, v13  }
0xff: {  	v6 =	vld.idx.msk [tilespmem:v6+s14+$0x0], $0xffff;
	v12 =	vmax.f32 v13, v12  }
0x100: {  	v5 =	vld.idx.msk [tilespmem:v5+s14+$0x0], $0xffff;
	v11 =	vmax.f32 v12, v11  }
0x101: {  	v4 =	vld.idx.msk [tilespmem:v4+s14+$0x0], $0xffff;
	v10 =	vmax.f32 v11, v10  }
0x102: {  	v3 =	vld.idx.msk [tilespmem:v3+s14+$0x0], $0xffff;
	v9 =	vmax.f32 v10, v9  }
0x103: {  	v2 =	vld.idx.msk [tilespmem:v2+s14+$0x0], $0xffff;
	v8 =	vmax.f32 v9, v8  }
0x104: {  	v1 =	vld.idx.msk [tilespmem:v1+s14+$0x0], $0xffff;
	v7 =	vmax.f32 v8, v7  }
0x105: {  	s6 =	simm.s32 $0x680;
	v0 =	vld.idx.msk [tilespmem:v0+s14+$0x0], $0xffff;
	v6 =	vmax.f32 v7, v6  }
.LBB2_3:
0x106: {  	p2 =	sne.s32 s6, $0xC40  }
0x107: {  	v5 =	vmax.f32 v6, v5;
	s1 =	sadd.s32 $0x200, s1;
	s7 =	smov.u32 s6;
	s6 =	sadd.s32 $0x40, s6  }
0x108: {  	v4 =	vmax.f32 v5, v4  }
0x109: {  	v3 =	vmax.f32 v4, v3  }
0x10a: {  	v2 =	vmax.f32 v3, v2  }
0x10b: {  	v1 =	vmax.f32 v2, v1  }
0x10c: {  	v0 =	vmax.f32 v1, v0  }
0x10d: {  	[tilespmem:s0+$0x10360] =	vst v0  }
0x10e: {  	v0 =	vld [tilespmem:s1+$0xF0]  }
0x10f: {  	v1 =	vld [tilespmem:s1+$0xE0]  }
0x110: {  	v2 =	vld [tilespmem:s1+$0xD0]  }
0x111: {  	v3 =	vld [tilespmem:s1+$0xC0]  }
0x112: {  	v4 =	vld [tilespmem:s1+$0xB0]  }
0x113: {  	v5 =	vld [tilespmem:s1+$0xA0]  }
0x114: {  	v6 =	vld [tilespmem:s1+$0x90]  }
0x115: {  	v7 =	vld [tilespmem:s1+$0x80]  }
0x116: {  	v8 =	vld [tilespmem:s1+$0x70]  }
0x117: {  	v9 =	vld [tilespmem:s1+$0x60]  }
0x118: {  	v10 =	vld [tilespmem:s1+$0x50]  }
0x119: {  	v11 =	vld [tilespmem:s1+$0x40]  }
0x11a: {  	v12 =	vld [tilespmem:s1+$0x30]  }
0x11b: {  	v13 =	vld [tilespmem:s1+$0x20]  }
0x11c: {  	v14 =	vld [tilespmem:s1+$0x10]  }
0x11d: {  	v15 =	vld [tilespmem:s1+$0x0]  }
0x11e: {  	v16 =	vld [tilespmem:s1+$0xFFFFFFF0]  }
0x11f: {  	v17 =	vld [tilespmem:s1+$0xFFFFFFE0]  }
0x120: {  	v18 =	vld [tilespmem:s1+$0xFFFFFFD0]  }
0x121: {  	v19 =	vld [tilespmem:s1+$0xFFFFFFC0]  }
0x122: {  	v20 =	vld [tilespmem:s1+$0xFFFFFFB0]  }
0x123: {  	v21 =	vld [tilespmem:s1+$0xFFFFFFA0]  }
0x124: {  	v22 =	vld [tilespmem:s1+$0xFFFFFF90]  }
0x125: {  	v23 =	vld [tilespmem:s1+$0xFFFFFF80]  }
0x126: {  	v24 =	vld [tilespmem:s1+$0xFFFFFF00]  }
0x127: {  	v25 =	vld [tilespmem:s1+$0xFFFFFF10]  }
0x128: {  	v30 =	vld [tilespmem:s1+$0xFFFFFF20]  }
0x129: {  	v31 =	vld [tilespmem:s1+$0xFFFFFF30]  }
0x12a: {  	v26 =	vld [tilespmem:s1+$0xFFFFFF40]  }
0x12b: {  	v27 =	vld [tilespmem:s1+$0xFFFFFF50]  }
0x12c: {  	v28 =	vld [tilespmem:s1+$0xFFFFFF60]  }
0x12d: {  	v29 =	vld [tilespmem:s1+$0xFFFFFF70]  }
0x12e: {  	v32 =	vld.idx.msk [tilespmem:v24+s2+$0x0], $0xffff  }
0x12f: {  	v33 =	vld.idx.msk [tilespmem:v25+s2+$0x0], $0xffff  }
0x130: {  	v34 =	vld.idx.msk [tilespmem:v30+s2+$0x0], $0xffff  }
0x131: {  	v35 =	vld.idx.msk [tilespmem:v31+s2+$0x0], $0xffff  }
0x132: {  	v36 =	vld.idx.msk [tilespmem:v26+s2+$0x0], $0xffff  }
0x133: {  	v37 =	vld.idx.msk [tilespmem:v27+s2+$0x0], $0xffff  }
0x134: {  	v38 =	vld.idx.msk [tilespmem:v28+s2+$0x0], $0xffff  }
0x135: {  	v32 =	vmax.f32 v32, v33;
	v33 =	vld.idx.msk [tilespmem:v29+s2+$0x0], $0xffff  }
0x136: {  	v32 =	vmax.f32 v32, v34;
	v34 =	vld.idx.msk [tilespmem:v23+s2+$0x0], $0xffff  }
0x137: {  	v32 =	vmax.f32 v32, v35;
	v35 =	vld.idx.msk [tilespmem:v22+s2+$0x0], $0xffff  }
0x138: {  	v32 =	vmax.f32 v32, v36;
	v36 =	vld.idx.msk [tilespmem:v21+s2+$0x0], $0xffff  }
0x139: {  	v32 =	vmax.f32 v32, v37;
	v37 =	vld.idx.msk [tilespmem:v20+s2+$0x0], $0xffff  }
0x13a: {  	v32 =	vmax.f32 v32, v38;
	v38 =	vld.idx.msk [tilespmem:v19+s2+$0x0], $0xffff  }
0x13b: {  	v32 =	vmax.f32 v32, v33;
	v33 =	vld.idx.msk [tilespmem:v18+s2+$0x0], $0xffff  }
0x13c: {  	v32 =	vmax.f32 v32, v34;
	v34 =	vld.idx.msk [tilespmem:v17+s2+$0x0], $0xffff  }
0x13d: {  	v32 =	vmax.f32 v32, v35;
	v35 =	vld.idx.msk [tilespmem:v16+s2+$0x0], $0xffff  }
0x13e: {  	v32 =	vmax.f32 v32, v36;
	v36 =	vld.idx.msk [tilespmem:v15+s2+$0x0], $0xffff  }
0x13f: {  	v32 =	vmax.f32 v32, v37;
	v37 =	vld.idx.msk [tilespmem:v14+s2+$0x0], $0xffff  }
0x140: {  	v32 =	vmax.f32 v32, v38;
	v38 =	vld.idx.msk [tilespmem:v13+s2+$0x0], $0xffff  }
0x141: {  	v32 =	vmax.f32 v32, v33;
	v33 =	vld.idx.msk [tilespmem:v12+s2+$0x0], $0xffff  }
0x142: {  	v32 =	vmax.f32 v32, v34;
	v34 =	vld.idx.msk [tilespmem:v11+s2+$0x0], $0xffff  }
0x143: {  	v32 =	vmax.f32 v32, v35;
	v35 =	vld.idx.msk [tilespmem:v10+s2+$0x0], $0xffff  }
0x144: {  	v32 =	vmax.f32 v32, v36;
	v36 =	vld.idx.msk [tilespmem:v9+s2+$0x0], $0xffff  }
0x145: {  	v32 =	vmax.f32 v32, v37;
	v37 =	vld.idx.msk [tilespmem:v8+s2+$0x0], $0xffff  }
0x146: {  	v32 =	vmax.f32 v32, v38;
	v38 =	vld.idx.msk [tilespmem:v7+s2+$0x0], $0xffff  }
0x147: {  	v32 =	vmax.f32 v32, v33;
	v33 =	vld.idx.msk [tilespmem:v6+s2+$0x0], $0xffff  }
0x148: {  	v32 =	vmax.f32 v32, v34;
	v34 =	vld.idx.msk [tilespmem:v5+s2+$0x0], $0xffff  }
0x149: {  	v32 =	vmax.f32 v32, v35;
	v35 =	vld.idx.msk [tilespmem:v4+s2+$0x0], $0xffff  }
0x14a: {  	v32 =	vmax.f32 v32, v36;
	v36 =	vld.idx.msk [tilespmem:v3+s2+$0x0], $0xffff  }
0x14b: {  	v32 =	vmax.f32 v32, v37;
	v37 =	vld.idx.msk [tilespmem:v2+s2+$0x0], $0xffff  }
0x14c: {  	v32 =	vmax.f32 v32, v38;
	v38 =	vld.idx.msk [tilespmem:v1+s2+$0x0], $0xffff  }
0x14d: {  	v32 =	vmax.f32 v32, v33;
	v33 =	vld.idx.msk [tilespmem:v0+s2+$0x0], $0xffff  }
0x14e: {  	v32 =	vmax.f32 v32, v34  }
0x14f: {  	v32 =	vmax.f32 v32, v35  }
0x150: {  	v32 =	vmax.f32 v32, v36  }
0x151: {  	v32 =	vmax.f32 v32, v37  }
0x152: {  	v32 =	vmax.f32 v32, v38  }
0x153: {  	s0 =	sshra.s32 s7, $0x2;
	v32 =	vmax.f32 v32, v33  }
0x154: {  	[tilespmem:s0+$0xFEB0] =	vst v32  }
0x155: {  	v32 =	vld.idx.msk [tilespmem:v30+s12+$0x0], $0xffff  }
0x156: {  	v33 =	vld.idx.msk [tilespmem:v24+s12+$0x0], $0xffff  }
0x157: {  	v34 =	vld.idx.msk [tilespmem:v25+s12+$0x0], $0xffff;
	_ =	sdelay $0x1  }
0x158: {  	v35 =	vld.idx.msk [tilespmem:v31+s12+$0x0], $0xffff  }
0x159: {  	v36 =	vld.idx.msk [tilespmem:v26+s12+$0x0], $0xffff  }
0x15a: {  	v37 =	vld.idx.msk [tilespmem:v27+s12+$0x0], $0xffff  }
0x15b: {  	v38 =	vld.idx.msk [tilespmem:v28+s12+$0x0], $0xffff  }
0x15c: {  	v33 =	vmax.f32 v33, v34;
	v34 =	vld.idx.msk [tilespmem:v29+s12+$0x0], $0xffff  }
0x15d: {  	v32 =	vmax.f32 v33, v32;
	v33 =	vld.idx.msk [tilespmem:v23+s12+$0x0], $0xffff  }
0x15e: {  	v32 =	vmax.f32 v32, v35;
	v35 =	vld.idx.msk [tilespmem:v22+s12+$0x0], $0xffff  }
0x15f: {  	v32 =	vmax.f32 v32, v36;
	v36 =	vld.idx.msk [tilespmem:v21+s12+$0x0], $0xffff  }
0x160: {  	v32 =	vmax.f32 v32, v37;
	v37 =	vld.idx.msk [tilespmem:v20+s12+$0x0], $0xffff  }
0x161: {  	v32 =	vmax.f32 v32, v38;
	v38 =	vld.idx.msk [tilespmem:v19+s12+$0x0], $0xffff  }
0x162: {  	v32 =	vmax.f32 v32, v34;
	v34 =	vld.idx.msk [tilespmem:v18+s12+$0x0], $0xffff  }
0x163: {  	v32 =	vmax.f32 v32, v33;
	v33 =	vld.idx.msk [tilespmem:v17+s12+$0x0], $0xffff  }
0x164: {  	v32 =	vmax.f32 v32, v35;
	v35 =	vld.idx.msk [tilespmem:v16+s12+$0x0], $0xffff  }
0x165: {  	v32 =	vmax.f32 v32, v36;
	v36 =	vld.idx.msk [tilespmem:v15+s12+$0x0], $0xffff  }
0x166: {  	v32 =	vmax.f32 v32, v37;
	v37 =	vld.idx.msk [tilespmem:v14+s12+$0x0], $0xffff  }
0x167: {  	v32 =	vmax.f32 v32, v38;
	v38 =	vld.idx.msk [tilespmem:v13+s12+$0x0], $0xffff  }
0x168: {  	v32 =	vmax.f32 v32, v34;
	v34 =	vld.idx.msk [tilespmem:v12+s12+$0x0], $0xffff  }
0x169: {  	v32 =	vmax.f32 v32, v33;
	v33 =	vld.idx.msk [tilespmem:v11+s12+$0x0], $0xffff  }
0x16a: {  	v32 =	vmax.f32 v32, v35;
	v35 =	vld.idx.msk [tilespmem:v10+s12+$0x0], $0xffff  }
0x16b: {  	v32 =	vmax.f32 v32, v36;
	v36 =	vld.idx.msk [tilespmem:v9+s12+$0x0], $0xffff  }
0x16c: {  	v32 =	vmax.f32 v32, v37;
	v37 =	vld.idx.msk [tilespmem:v8+s12+$0x0], $0xffff  }
0x16d: {  	v32 =	vmax.f32 v32, v38;
	v38 =	vld.idx.msk [tilespmem:v7+s12+$0x0], $0xffff  }
0x16e: {  	v32 =	vmax.f32 v32, v34;
	v34 =	vld.idx.msk [tilespmem:v6+s12+$0x0], $0xffff  }
0x16f: {  	v32 =	vmax.f32 v32, v33;
	v33 =	vld.idx.msk [tilespmem:v5+s12+$0x0], $0xffff  }
0x170: {  	v32 =	vmax.f32 v32, v35;
	v35 =	vld.idx.msk [tilespmem:v4+s12+$0x0], $0xffff  }
0x171: {  	v32 =	vmax.f32 v32, v36;
	v36 =	vld.idx.msk [tilespmem:v3+s12+$0x0], $0xffff  }
0x172: {  	v32 =	vmax.f32 v32, v37;
	v37 =	vld.idx.msk [tilespmem:v2+s12+$0x0], $0xffff  }
0x173: {  	v32 =	vmax.f32 v32, v38;
	v38 =	vld.idx.msk [tilespmem:v1+s12+$0x0], $0xffff  }
0x174: {  	v32 =	vmax.f32 v32, v34;
	v34 =	vld.idx.msk [tilespmem:v0+s12+$0x0], $0xffff  }
0x175: {  	v32 =	vmax.f32 v32, v33  }
0x176: {  	v32 =	vmax.f32 v32, v35  }
0x177: {  	v32 =	vmax.f32 v32, v36  }
0x178: {  	v32 =	vmax.f32 v32, v37  }
0x179: {  	v32 =	vmax.f32 v32, v38  }
0x17a: {  	v32 =	vmax.f32 v32, v34  }
0x17b: {  	[tilespmem:s0+$0x10040] =	vst v32  }
0x17c: {  	v32 =	vld.idx.msk [tilespmem:v24+s13+$0x0], $0xffff  }
0x17d: {  	v33 =	vld.idx.msk [tilespmem:v25+s13+$0x0], $0xffff  }
0x17e: {  	v34 =	vld.idx.msk [tilespmem:v30+s13+$0x0], $0xffff  }
0x17f: {  	v35 =	vld.idx.msk [tilespmem:v31+s13+$0x0], $0xffff  }
0x180: {  	v36 =	vld.idx.msk [tilespmem:v26+s13+$0x0], $0xffff  }
0x181: {  	v37 =	vld.idx.msk [tilespmem:v27+s13+$0x0], $0xffff  }
0x182: {  	v38 =	vld.idx.msk [tilespmem:v28+s13+$0x0], $0xffff  }
0x183: {  	v32 =	vmax.f32 v32, v33;
	v33 =	vld.idx.msk [tilespmem:v29+s13+$0x0], $0xffff  }
0x184: {  	v32 =	vmax.f32 v32, v34;
	v34 =	vld.idx.msk [tilespmem:v23+s13+$0x0], $0xffff  }
0x185: {  	v32 =	vmax.f32 v32, v35;
	v35 =	vld.idx.msk [tilespmem:v22+s13+$0x0], $0xffff  }
0x186: {  	v32 =	vmax.f32 v32, v36;
	v36 =	vld.idx.msk [tilespmem:v21+s13+$0x0], $0xffff  }
0x187: {  	v32 =	vmax.f32 v32, v37;
	v37 =	vld.idx.msk [tilespmem:v20+s13+$0x0], $0xffff  }
0x188: {  	v32 =	vmax.f32 v32, v38;
	v38 =	vld.idx.msk [tilespmem:v19+s13+$0x0], $0xffff  }
0x189: {  	v32 =	vmax.f32 v32, v33;
	v33 =	vld.idx.msk [tilespmem:v18+s13+$0x0], $0xffff  }
0x18a: {  	v32 =	vmax.f32 v32, v34;
	v34 =	vld.idx.msk [tilespmem:v17+s13+$0x0], $0xffff  }
0x18b: {  	v32 =	vmax.f32 v32, v35;
	v35 =	vld.idx.msk [tilespmem:v16+s13+$0x0], $0xffff  }
0x18c: {  	v32 =	vmax.f32 v32, v36;
	v36 =	vld.idx.msk [tilespmem:v15+s13+$0x0], $0xffff  }
0x18d: {  	v32 =	vmax.f32 v32, v37;
	v37 =	vld.idx.msk [tilespmem:v14+s13+$0x0], $0xffff  }
0x18e: {  	v32 =	vmax.f32 v32, v38;
	v38 =	vld.idx.msk [tilespmem:v13+s13+$0x0], $0xffff  }
0x18f: {  	v32 =	vmax.f32 v32, v33;
	v33 =	vld.idx.msk [tilespmem:v12+s13+$0x0], $0xffff  }
0x190: {  	v32 =	vmax.f32 v32, v34;
	v34 =	vld.idx.msk [tilespmem:v11+s13+$0x0], $0xffff  }
0x191: {  	v32 =	vmax.f32 v32, v35;
	v35 =	vld.idx.msk [tilespmem:v10+s13+$0x0], $0xffff  }
0x192: {  	v32 =	vmax.f32 v32, v36;
	v36 =	vld.idx.msk [tilespmem:v9+s13+$0x0], $0xffff  }
0x193: {  	v32 =	vmax.f32 v32, v37;
	v37 =	vld.idx.msk [tilespmem:v8+s13+$0x0], $0xffff  }
0x194: {  	v32 =	vmax.f32 v32, v38;
	v38 =	vld.idx.msk [tilespmem:v7+s13+$0x0], $0xffff  }
0x195: {  	v32 =	vmax.f32 v32, v33;
	v33 =	vld.idx.msk [tilespmem:v6+s13+$0x0], $0xffff  }
0x196: {  	v32 =	vmax.f32 v32, v34;
	v34 =	vld.idx.msk [tilespmem:v5+s13+$0x0], $0xffff  }
0x197: {  	v32 =	vmax.f32 v32, v35;
	v35 =	vld.idx.msk [tilespmem:v4+s13+$0x0], $0xffff  }
0x198: {  	v32 =	vmax.f32 v32, v36;
	v36 =	vld.idx.msk [tilespmem:v3+s13+$0x0], $0xffff  }
0x199: {  	v32 =	vmax.f32 v32, v37;
	v37 =	vld.idx.msk [tilespmem:v2+s13+$0x0], $0xffff  }
0x19a: {  	v32 =	vmax.f32 v32, v38;
	v38 =	vld.idx.msk [tilespmem:v1+s13+$0x0], $0xffff  }
0x19b: {  	v32 =	vmax.f32 v32, v33;
	v33 =	vld.idx.msk [tilespmem:v0+s13+$0x0], $0xffff  }
0x19c: {  	v32 =	vmax.f32 v32, v34  }
0x19d: {  	v32 =	vmax.f32 v32, v35  }
0x19e: {  	v32 =	vmax.f32 v32, v36  }
0x19f: {  	v32 =	vmax.f32 v32, v37  }
0x1a0: {  	v32 =	vmax.f32 v32, v38  }
0x1a1: {  	v32 =	vmax.f32 v32, v33  }
0x1a2: {  	[tilespmem:s0+$0x101D0] =	vst v32  }
0x1a3: {  	v31 =	vld.idx.msk [tilespmem:v31+s14+$0x0], $0xffff  }
0x1a4: {  	v30 =	vld.idx.msk [tilespmem:v30+s14+$0x0], $0xffff  }
0x1a5: {  	v24 =	vld.idx.msk [tilespmem:v24+s14+$0x0], $0xffff  }
0x1a6: {  	v25 =	vld.idx.msk [tilespmem:v25+s14+$0x0], $0xffff  }
0x1a7: {  	v26 =	vld.idx.msk [tilespmem:v26+s14+$0x0], $0xffff  }
0x1a8: {  	v27 =	vld.idx.msk [tilespmem:v27+s14+$0x0], $0xffff  }
0x1a9: {  	v28 =	vld.idx.msk [tilespmem:v28+s14+$0x0], $0xffff  }
0x1aa: {  	v29 =	vld.idx.msk [tilespmem:v29+s14+$0x0], $0xffff  }
0x1ab: {  	v23 =	vld.idx.msk [tilespmem:v23+s14+$0x0], $0xffff  }
0x1ac: {  	v24 =	vmax.f32 v24, v25;
	v22 =	vld.idx.msk [tilespmem:v22+s14+$0x0], $0xffff  }
0x1ad: {  	v24 =	vmax.f32 v24, v30;
	v21 =	vld.idx.msk [tilespmem:v21+s14+$0x0], $0xffff  }
0x1ae: {  	v24 =	vmax.f32 v24, v31;
	v20 =	vld.idx.msk [tilespmem:v20+s14+$0x0], $0xffff  }
0x1af: {  	v24 =	vmax.f32 v24, v26;
	v19 =	vld.idx.msk [tilespmem:v19+s14+$0x0], $0xffff  }
0x1b0: {  	v24 =	vmax.f32 v24, v27;
	v18 =	vld.idx.msk [tilespmem:v18+s14+$0x0], $0xffff  }
0x1b1: {  	v24 =	vmax.f32 v24, v28;
	v17 =	vld.idx.msk [tilespmem:v17+s14+$0x0], $0xffff  }
0x1b2: {  	v24 =	vmax.f32 v24, v29;
	v16 =	vld.idx.msk [tilespmem:v16+s14+$0x0], $0xffff  }
0x1b3: {  	v23 =	vmax.f32 v24, v23;
	v15 =	vld.idx.msk [tilespmem:v15+s14+$0x0], $0xffff  }
0x1b4: {  	v22 =	vmax.f32 v23, v22;
	v14 =	vld.idx.msk [tilespmem:v14+s14+$0x0], $0xffff  }
0x1b5: {  	v21 =	vmax.f32 v22, v21;
	v13 =	vld.idx.msk [tilespmem:v13+s14+$0x0], $0xffff  }
0x1b6: {  	v20 =	vmax.f32 v21, v20;
	v12 =	vld.idx.msk [tilespmem:v12+s14+$0x0], $0xffff  }
0x1b7: {  	v19 =	vmax.f32 v20, v19;
	v11 =	vld.idx.msk [tilespmem:v11+s14+$0x0], $0xffff  }
0x1b8: {  	v18 =	vmax.f32 v19, v18;
	v10 =	vld.idx.msk [tilespmem:v10+s14+$0x0], $0xffff  }
0x1b9: {  	v17 =	vmax.f32 v18, v17;
	v9 =	vld.idx.msk [tilespmem:v9+s14+$0x0], $0xffff  }
0x1ba: {  	v16 =	vmax.f32 v17, v16;
	v8 =	vld.idx.msk [tilespmem:v8+s14+$0x0], $0xffff  }
0x1bb: {  	v15 =	vmax.f32 v16, v15;
	v7 =	vld.idx.msk [tilespmem:v7+s14+$0x0], $0xffff  }
0x1bc: {  	v14 =	vmax.f32 v15, v14;
	v6 =	vld.idx.msk [tilespmem:v6+s14+$0x0], $0xffff  }
0x1bd: {  	v13 =	vmax.f32 v14, v13;
	v5 =	vld.idx.msk [tilespmem:v5+s14+$0x0], $0xffff  }
0x1be: {  	v12 =	vmax.f32 v13, v12;
	v4 =	vld.idx.msk [tilespmem:v4+s14+$0x0], $0xffff  }
0x1bf: {  	v11 =	vmax.f32 v12, v11;
	v3 =	vld.idx.msk [tilespmem:v3+s14+$0x0], $0xffff  }
.Ltmp4:
0x1c0: {  	v10 =	vmax.f32 v11, v10;
	v2 =	vld.idx.msk [tilespmem:v2+s14+$0x0], $0xffff;
	(pc) =	sbr.rel @p2 .LBB2_3-.Ltmp4, $4  }
0x1c1: {  	v9 =	vmax.f32 v10, v9;
	v1 =	vld.idx.msk [tilespmem:v1+s14+$0x0], $0xffff  }
0x1c2: {  	v8 =	vmax.f32 v9, v8;
	v0 =	vld.idx.msk [tilespmem:v0+s14+$0x0], $0xffff  }
0x1c3: {  	v7 =	vmax.f32 v8, v7  }
0x1c4: {  	v6 =	vmax.f32 v7, v6  }
0x1c5: {  	v5 =	vmax.f32 v6, v5  }
0x1c6: {  	v4 =	vmax.f32 v5, v4  }
0x1c7: {  	s1 =	smul.u32 $0x320, s30;
	v3 =	vmax.f32 v4, v3  }
0x1c8: {  	v2 =	vmax.f32 v3, v2  }
0x1c9: {  	s1 =	sadd.s32 s3, s1;
	v1 =	vmax.f32 v2, v1  }
0x1ca: {  	s1 =	sshrl.u32 s1, $0x3;
	v0 =	vmax.f32 v1, v0  }
0x1cb: {  	s6 =	sadd.s32 s5, s1;
	[tilespmem:s0+$0x10360] =	vst v0  }
0x1cc: {  	[hbm4b:s6+s2] =	stream.linear.scatter [tilespmem:s17], [sflag:$0x3], $0x190, $0x38;
	[tilespmem:$0x10CC0] =	vst v63  }
0x1cd: {  	s1 =	sadd.s32 $0x4E2, s6  }
0x1ce: {  	[hbm4b:s1+s2] =	stream.linear.scatter [tilespmem:s18], [sflag:$0x3], $0x190, $0x38;
	[tilespmem:$0x10CC0] =	vst v63  }
.Ltmp5:
0x1cf: {  	_ = 	snop;
	(pc) =	sbr.rel @p1 .LBB2_8-.Ltmp5, $4  }
0x1d0: {  	s7 =	sadd.s32 $0x9C4, s6  }
0x1d1: {  	[hbm4b:s7+s2] =	stream.linear.scatter [tilespmem:s19], [sflag:$0x3], $0x190, $0x38;
	[tilespmem:$0x10CC0] =	vst v63  }
0x1d2: {  	s0 =	sadd.s32 $0xEA6, s6  }
0x1d3: {  	[hbm4b:s0+s2] =	stream.linear.scatter [tilespmem:s20], [sflag:$0x3], $0x190, $0x38;
	[tilespmem:$0x10CC0] =	vst v63  }
0x1d4: {  	s0 =	smul.u32 $0x6400, s30;
	_ =	sdelay $0x1  }
0x1d5: {  	s0 =	sshrl.u32 s0, $0x3  }
0x1d6: {  	s0 =	sadd.s32 s4, s0  }
0x1d7: {  	s0 =	sadd.s32 $0xC80, s0  }
0x1d8: {  	[tilespmem:s15], [sflag:$0x1] =	stream.linear.gather [hbm4b:s0+s2], $0x3200, $0x38;
	[tilespmem:$0x10CC0] =	vst v63  }
0x1d9: {  	_ =	swait.ge [sflag:s21], $0x3200  }
0x1da: {  	[sflag:s21] =	ssyncset.done $0x0  }
0x1db: {  	s0 =	simm.s32 @!p0 $0x4;
	[sflag:s21] =	ssyncadd.s32 $0xFFFFCE00  }
0x1dc: {  	_ =	swait.ge @!p0 [sflag:s0], $0x190  }
0x1dd: {  	[sflag:s0] =	ssyncset.done @!p0 $0x0  }
0x1de: {  	[sflag:s0] =	ssyncadd.s32 @!p0 $0xFFFFFE70  }
0x1df: {  	_ =	swait.ge @!p0 [sflag:s0], $0x190  }
0x1e0: {  	[sflag:s0] =	ssyncset.done @!p0 $0x0  }
0x1e1: {  	[sflag:s0] =	ssyncadd.s32 @!p0 $0xFFFFFE70  }
0x1e2: {  	_ =	swait.ge @!p0 [sflag:s0], $0x190  }
0x1e3: {  	[sflag:s0] =	ssyncset.done @!p0 $0x0  }
0x1e4: {  	[sflag:s0] =	ssyncadd.s32 @!p0 $0xFFFFFE70  }
0x1e5: {  	_ =	swait.ge @!p0 [sflag:s0], $0x190  }
0x1e6: {  	[sflag:s0] =	ssyncset.done @!p0 $0x0  }
0x1e7: {  	s1 =	simm.s32 $0xD030;
	[sflag:s0] =	ssyncadd.s32 @!p0 $0xFFFFFE70  }
0x1e8: {  	v0 =	vld [tilespmem:s1+$0x0]  }
0x1e9: {  	v1 =	vld [tilespmem:s1+$0xFFFFFFF0]  }
0x1ea: {  	v2 =	vld [tilespmem:s1+$0xFFFFFFE0]  }
0x1eb: {  	v3 =	vld [tilespmem:s1+$0xFFFFFFD0]  }
0x1ec: {  	v4 =	vld [tilespmem:s1+$0xFFFFFFC0]  }
0x1ed: {  	v5 =	vld [tilespmem:s1+$0xFFFFFFB0]  }
0x1ee: {  	v6 =	vld [tilespmem:s1+$0xFFFFFFA0]  }
0x1ef: {  	v7 =	vld [tilespmem:s1+$0xFFFFFF90]  }
0x1f0: {  	v8 =	vld [tilespmem:s1+$0xFFFFFF80]  }
0x1f1: {  	v9 =	vld [tilespmem:s1+$0xFFFFFF70]  }
0x1f2: {  	v10 =	vld [tilespmem:s1+$0xFFFFFF60]  }
0x1f3: {  	v11 =	vld [tilespmem:s1+$0xFFFFFF50]  }
0x1f4: {  	v12 =	vld [tilespmem:s1+$0xFFFFFF40]  }
0x1f5: {  	v13 =	vld [tilespmem:s1+$0xFFFFFF30]  }
0x1f6: {  	v14 =	vld [tilespmem:s1+$0xFFFFFF20]  }
0x1f7: {  	v15 =	vld [tilespmem:s1+$0xFFFFFF10]  }
0x1f8: {  	v16 =	vld [tilespmem:s1+$0xFFFFFF00]  }
0x1f9: {  	v17 =	vld [tilespmem:s1+$0xFFFFFEF0]  }
0x1fa: {  	v18 =	vld [tilespmem:s1+$0xFFFFFEE0]  }
0x1fb: {  	v19 =	vld [tilespmem:s1+$0xFFFFFED0]  }
0x1fc: {  	v20 =	vld [tilespmem:s1+$0xFFFFFEC0]  }
0x1fd: {  	v21 =	vld [tilespmem:s1+$0xFFFFFEB0]  }
0x1fe: {  	v22 =	vld [tilespmem:s1+$0xFFFFFEA0]  }
0x1ff: {  	v23 =	vld [tilespmem:s1+$0xFFFFFE90]  }
0x200: {  	v24 =	vld [tilespmem:s1+$0xFFFFFE10]  }
0x201: {  	v25 =	vld [tilespmem:s1+$0xFFFFFE20]  }
0x202: {  	v26 =	vld [tilespmem:s1+$0xFFFFFE30]  }
0x203: {  	v31 =	vld [tilespmem:s1+$0xFFFFFE40]  }
0x204: {  	v27 =	vld [tilespmem:s1+$0xFFFFFE50]  }
0x205: {  	v28 =	vld [tilespmem:s1+$0xFFFFFE60]  }
0x206: {  	v29 =	vld [tilespmem:s1+$0xFFFFFE70]  }
0x207: {  	v30 =	vld [tilespmem:s1+$0xFFFFFE80]  }
0x208: {  	v32 =	vld.idx.msk [tilespmem:v24+s2+$0x0], $0xffff  }
0x209: {  	v33 =	vld.idx.msk [tilespmem:v25+s2+$0x0], $0xffff  }
0x20a: {  	v34 =	vld.idx.msk [tilespmem:v26+s2+$0x0], $0xffff  }
0x20b: {  	v35 =	vld.idx.msk [tilespmem:v31+s2+$0x0], $0xffff  }
0x20c: {  	v36 =	vld.idx.msk [tilespmem:v27+s2+$0x0], $0xffff  }
0x20d: {  	v37 =	vld.idx.msk [tilespmem:v28+s2+$0x0], $0xffff  }
0x20e: {  	v38 =	vld.idx.msk [tilespmem:v29+s2+$0x0], $0xffff;
	v32 =	vmax.f32 v32, v33  }
0x20f: {  	v49 =	vld.idx.msk [tilespmem:v30+s2+$0x0], $0xffff;
	v32 =	vmax.f32 v32, v34  }
0x210: {  	v50 =	vld.idx.msk [tilespmem:v23+s2+$0x0], $0xffff;
	v32 =	vmax.f32 v32, v35  }
0x211: {  	v51 =	vld.idx.msk [tilespmem:v22+s2+$0x0], $0xffff;
	v32 =	vmax.f32 v32, v36  }
0x212: {  	v52 =	vld.idx.msk [tilespmem:v21+s2+$0x0], $0xffff;
	v32 =	vmax.f32 v32, v37  }
0x213: {  	v53 =	vld.idx.msk [tilespmem:v20+s2+$0x0], $0xffff;
	v32 =	vmax.f32 v32, v38  }
0x214: {  	v54 =	vld.idx.msk [tilespmem:v19+s2+$0x0], $0xffff;
	v32 =	vmax.f32 v32, v49  }
0x215: {  	v55 =	vld.idx.msk [tilespmem:v18+s2+$0x0], $0xffff;
	v32 =	vmax.f32 v32, v50  }
0x216: {  	v56 =	vld.idx.msk [tilespmem:v17+s2+$0x0], $0xffff;
	v32 =	vmax.f32 v32, v51  }
0x217: {  	v57 =	vld.idx.msk [tilespmem:v16+s2+$0x0], $0xffff;
	v32 =	vmax.f32 v32, v52  }
0x218: {  	v58 =	vld.idx.msk [tilespmem:v15+s2+$0x0], $0xffff;
	v32 =	vmax.f32 v32, v53  }
0x219: {  	v59 =	vld.idx.msk [tilespmem:v14+s2+$0x0], $0xffff;
	v32 =	vmax.f32 v32, v54  }
0x21a: {  	v60 =	vld.idx.msk [tilespmem:v13+s2+$0x0], $0xffff;
	v32 =	vmax.f32 v32, v55  }
0x21b: {  	v61 =	vld.idx.msk [tilespmem:v12+s2+$0x0], $0xffff;
	v32 =	vmax.f32 v32, v56  }
0x21c: {  	v62 =	vld.idx.msk [tilespmem:v11+s2+$0x0], $0xffff;
	v32 =	vmax.f32 v32, v57  }
0x21d: {  	v63 =	vld.idx.msk [tilespmem:v10+s2+$0x0], $0xffff;
	v32 =	vmax.f32 v32, v58  }
0x21e: {  	v40 =	vld.idx.msk [tilespmem:v9+s2+$0x0], $0xffff;
	v32 =	vmax.f32 v32, v59  }
0x21f: {  	v41 =	vld.idx.msk [tilespmem:v8+s2+$0x0], $0xffff;
	v32 =	vmax.f32 v32, v60  }
0x220: {  	v42 =	vld.idx.msk [tilespmem:v7+s2+$0x0], $0xffff;
	v32 =	vmax.f32 v32, v61  }
0x221: {  	v43 =	vld.idx.msk [tilespmem:v6+s2+$0x0], $0xffff;
	v32 =	vmax.f32 v32, v62  }
0x222: {  	v44 =	vld.idx.msk [tilespmem:v5+s2+$0x0], $0xffff;
	v32 =	vmax.f32 v32, v63  }
0x223: {  	v45 =	vld.idx.msk [tilespmem:v4+s2+$0x0], $0xffff;
	v32 =	vmax.f32 v32, v40  }
0x224: {  	v46 =	vld.idx.msk [tilespmem:v3+s2+$0x0], $0xffff;
	v32 =	vmax.f32 v32, v41  }
0x225: {  	v47 =	vld.idx.msk [tilespmem:v2+s2+$0x0], $0xffff;
	v32 =	vmax.f32 v32, v42  }
0x226: {  	v48 =	vld.idx.msk [tilespmem:v1+s2+$0x0], $0xffff;
	v32 =	vmax.f32 v32, v43  }
0x227: {  	v49 =	vld.idx.msk [tilespmem:v0+s2+$0x0], $0xffff;
	v32 =	vmax.f32 v32, v44  }
0x228: {  	v32 =	vmax.f32 v32, v45  }
0x229: {  	v32 =	vmax.f32 v32, v46  }
0x22a: {  	v32 =	vmax.f32 v32, v47  }
0x22b: {  	v32 =	vmax.f32 v32, v48  }
0x22c: {  	s0 =	simm.s32 $0x0;
	v32 =	vmax.f32 v32, v49  }
0x22d: {  	[tilespmem:s0+$0x10680] =	vst v32  }
0x22e: {  	v32 =	vld.idx.msk [tilespmem:v24+s12+$0x0], $0xffff  }
0x22f: {  	v50 =	vld.idx.msk [tilespmem:v25+s12+$0x0], $0xffff  }
0x230: {  	v51 =	vld.idx.msk [tilespmem:v26+s12+$0x0], $0xffff  }
0x231: {  	v52 =	vld.idx.msk [tilespmem:v31+s12+$0x0], $0xffff  }
0x232: {  	v53 =	vld.idx.msk [tilespmem:v27+s12+$0x0], $0xffff  }
0x233: {  	v54 =	vld.idx.msk [tilespmem:v28+s12+$0x0], $0xffff  }
0x234: {  	v55 =	vld.idx.msk [tilespmem:v29+s12+$0x0], $0xffff;
	v32 =	vmax.f32 v32, v50  }
0x235: {  	v56 =	vld.idx.msk [tilespmem:v30+s12+$0x0], $0xffff;
	v32 =	vmax.f32 v32, v51  }
0x236: {  	v57 =	vld.idx.msk [tilespmem:v23+s12+$0x0], $0xffff;
	v32 =	vmax.f32 v32, v52  }
0x237: {  	v58 =	vld.idx.msk [tilespmem:v22+s12+$0x0], $0xffff;
	v32 =	vmax.f32 v32, v53  }
0x238: {  	v59 =	vld.idx.msk [tilespmem:v21+s12+$0x0], $0xffff;
	v32 =	vmax.f32 v32, v54  }
0x239: {  	v60 =	vld.idx.msk [tilespmem:v20+s12+$0x0], $0xffff;
	v32 =	vmax.f32 v32, v55  }
0x23a: {  	v61 =	vld.idx.msk [tilespmem:v19+s12+$0x0], $0xffff;
	v32 =	vmax.f32 v32, v56  }
0x23b: {  	v62 =	vld.idx.msk [tilespmem:v18+s12+$0x0], $0xffff;
	v32 =	vmax.f32 v32, v57  }
0x23c: {  	v63 =	vld.idx.msk [tilespmem:v17+s12+$0x0], $0xffff;
	v32 =	vmax.f32 v32, v58  }
0x23d: {  	v40 =	vld.idx.msk [tilespmem:v16+s12+$0x0], $0xffff;
	v32 =	vmax.f32 v32, v59  }
0x23e: {  	v41 =	vld.idx.msk [tilespmem:v15+s12+$0x0], $0xffff;
	v32 =	vmax.f32 v32, v60  }
0x23f: {  	v42 =	vld.idx.msk [tilespmem:v14+s12+$0x0], $0xffff;
	v32 =	vmax.f32 v32, v61  }
0x240: {  	v43 =	vld.idx.msk [tilespmem:v13+s12+$0x0], $0xffff;
	v32 =	vmax.f32 v32, v62  }
0x241: {  	v44 =	vld.idx.msk [tilespmem:v12+s12+$0x0], $0xffff;
	v32 =	vmax.f32 v32, v63  }
0x242: {  	v45 =	vld.idx.msk [tilespmem:v11+s12+$0x0], $0xffff;
	v32 =	vmax.f32 v32, v40  }
0x243: {  	v46 =	vld.idx.msk [tilespmem:v10+s12+$0x0], $0xffff;
	v32 =	vmax.f32 v32, v41  }
0x244: {  	v47 =	vld.idx.msk [tilespmem:v9+s12+$0x0], $0xffff;
	v32 =	vmax.f32 v32, v42  }
0x245: {  	v48 =	vld.idx.msk [tilespmem:v8+s12+$0x0], $0xffff;
	v32 =	vmax.f32 v32, v43  }
0x246: {  	v49 =	vld.idx.msk [tilespmem:v7+s12+$0x0], $0xffff;
	v32 =	vmax.f32 v32, v44  }
0x247: {  	v50 =	vld.idx.msk [tilespmem:v6+s12+$0x0], $0xffff;
	v32 =	vmax.f32 v32, v45  }
0x248: {  	v51 =	vld.idx.msk [tilespmem:v5+s12+$0x0], $0xffff;
	v32 =	vmax.f32 v32, v46  }
0x249: {  	v52 =	vld.idx.msk [tilespmem:v4+s12+$0x0], $0xffff;
	v32 =	vmax.f32 v32, v47  }
0x24a: {  	v53 =	vld.idx.msk [tilespmem:v3+s12+$0x0], $0xffff;
	v32 =	vmax.f32 v32, v48  }
0x24b: {  	v54 =	vld.idx.msk [tilespmem:v2+s12+$0x0], $0xffff;
	v32 =	vmax.f32 v32, v49  }
0x24c: {  	v55 =	vld.idx.msk [tilespmem:v1+s12+$0x0], $0xffff;
	v32 =	vmax.f32 v32, v50  }
0x24d: {  	v56 =	vld.idx.msk [tilespmem:v0+s12+$0x0], $0xffff;
	v32 =	vmax.f32 v32, v51  }
0x24e: {  	v32 =	vmax.f32 v32, v52  }
0x24f: {  	v32 =	vmax.f32 v32, v53  }
0x250: {  	v32 =	vmax.f32 v32, v54  }
0x251: {  	v32 =	vmax.f32 v32, v55  }
0x252: {  	v32 =	vmax.f32 v32, v56  }
0x253: {  	[tilespmem:s0+$0x10810] =	vst v32  }
0x254: {  	v32 =	vld.idx.msk [tilespmem:v24+s13+$0x0], $0xffff  }
0x255: {  	v57 =	vld.idx.msk [tilespmem:v25+s13+$0x0], $0xffff  }
0x256: {  	v58 =	vld.idx.msk [tilespmem:v26+s13+$0x0], $0xffff  }
0x257: {  	v59 =	vld.idx.msk [tilespmem:v31+s13+$0x0], $0xffff  }
0x258: {  	v60 =	vld.idx.msk [tilespmem:v27+s13+$0x0], $0xffff  }
0x259: {  	v61 =	vld.idx.msk [tilespmem:v28+s13+$0x0], $0xffff  }
0x25a: {  	v62 =	vld.idx.msk [tilespmem:v29+s13+$0x0], $0xffff;
	v32 =	vmax.f32 v32, v57  }
0x25b: {  	v63 =	vld.idx.msk [tilespmem:v30+s13+$0x0], $0xffff;
	v32 =	vmax.f32 v32, v58  }
0x25c: {  	v40 =	vld.idx.msk [tilespmem:v23+s13+$0x0], $0xffff;
	v32 =	vmax.f32 v32, v59  }
0x25d: {  	v41 =	vld.idx.msk [tilespmem:v22+s13+$0x0], $0xffff;
	v32 =	vmax.f32 v32, v60  }
0x25e: {  	v42 =	vld.idx.msk [tilespmem:v21+s13+$0x0], $0xffff;
	v32 =	vmax.f32 v32, v61  }
0x25f: {  	v43 =	vld.idx.msk [tilespmem:v20+s13+$0x0], $0xffff;
	v32 =	vmax.f32 v32, v62  }
0x260: {  	v44 =	vld.idx.msk [tilespmem:v19+s13+$0x0], $0xffff;
	v32 =	vmax.f32 v32, v63  }
0x261: {  	v45 =	vld.idx.msk [tilespmem:v18+s13+$0x0], $0xffff;
	v32 =	vmax.f32 v32, v40  }
0x262: {  	v46 =	vld.idx.msk [tilespmem:v17+s13+$0x0], $0xffff;
	v32 =	vmax.f32 v32, v41  }
0x263: {  	v47 =	vld.idx.msk [tilespmem:v16+s13+$0x0], $0xffff;
	v32 =	vmax.f32 v32, v42  }
0x264: {  	v48 =	vld.idx.msk [tilespmem:v15+s13+$0x0], $0xffff;
	v32 =	vmax.f32 v32, v43  }
0x265: {  	v49 =	vld.idx.msk [tilespmem:v14+s13+$0x0], $0xffff;
	v32 =	vmax.f32 v32, v44  }
0x266: {  	v50 =	vld.idx.msk [tilespmem:v13+s13+$0x0], $0xffff;
	v32 =	vmax.f32 v32, v45  }
0x267: {  	v51 =	vld.idx.msk [tilespmem:v12+s13+$0x0], $0xffff;
	v32 =	vmax.f32 v32, v46  }
0x268: {  	v52 =	vld.idx.msk [tilespmem:v11+s13+$0x0], $0xffff;
	v32 =	vmax.f32 v32, v47  }
0x269: {  	v53 =	vld.idx.msk [tilespmem:v10+s13+$0x0], $0xffff;
	v32 =	vmax.f32 v32, v48  }
0x26a: {  	v54 =	vld.idx.msk [tilespmem:v9+s13+$0x0], $0xffff;
	v32 =	vmax.f32 v32, v49  }
0x26b: {  	v55 =	vld.idx.msk [tilespmem:v8+s13+$0x0], $0xffff;
	v32 =	vmax.f32 v32, v50  }
0x26c: {  	v56 =	vld.idx.msk [tilespmem:v7+s13+$0x0], $0xffff;
	v32 =	vmax.f32 v32, v51  }
0x26d: {  	v57 =	vld.idx.msk [tilespmem:v6+s13+$0x0], $0xffff;
	v32 =	vmax.f32 v32, v52  }
0x26e: {  	v58 =	vld.idx.msk [tilespmem:v5+s13+$0x0], $0xffff;
	v32 =	vmax.f32 v32, v53  }
0x26f: {  	v59 =	vld.idx.msk [tilespmem:v4+s13+$0x0], $0xffff;
	v32 =	vmax.f32 v32, v54  }
0x270: {  	v60 =	vld.idx.msk [tilespmem:v3+s13+$0x0], $0xffff;
	v32 =	vmax.f32 v32, v55  }
0x271: {  	v61 =	vld.idx.msk [tilespmem:v2+s13+$0x0], $0xffff;
	v32 =	vmax.f32 v32, v56  }
0x272: {  	v62 =	vld.idx.msk [tilespmem:v1+s13+$0x0], $0xffff;
	v32 =	vmax.f32 v32, v57  }
0x273: {  	v63 =	vld.idx.msk [tilespmem:v0+s13+$0x0], $0xffff;
	v32 =	vmax.f32 v32, v58  }
0x274: {  	v32 =	vmax.f32 v32, v59  }
0x275: {  	v32 =	vmax.f32 v32, v60  }
0x276: {  	v32 =	vmax.f32 v32, v61  }
0x277: {  	v32 =	vmax.f32 v32, v62  }
0x278: {  	v32 =	vmax.f32 v32, v63  }
0x279: {  	[tilespmem:s0+$0x109A0] =	vst v32  }
0x27a: {  	v31 =	vld.idx.msk [tilespmem:v31+s14+$0x0], $0xffff  }
0x27b: {  	v24 =	vld.idx.msk [tilespmem:v24+s14+$0x0], $0xffff  }
0x27c: {  	v25 =	vld.idx.msk [tilespmem:v25+s14+$0x0], $0xffff  }
0x27d: {  	v26 =	vld.idx.msk [tilespmem:v26+s14+$0x0], $0xffff  }
0x27e: {  	v27 =	vld.idx.msk [tilespmem:v27+s14+$0x0], $0xffff  }
0x27f: {  	v28 =	vld.idx.msk [tilespmem:v28+s14+$0x0], $0xffff  }
0x280: {  	v29 =	vld.idx.msk [tilespmem:v29+s14+$0x0], $0xffff  }
0x281: {  	v30 =	vld.idx.msk [tilespmem:v30+s14+$0x0], $0xffff;
	v24 =	vmax.f32 v24, v25  }
0x282: {  	v23 =	vld.idx.msk [tilespmem:v23+s14+$0x0], $0xffff;
	v24 =	vmax.f32 v24, v26  }
0x283: {  	v22 =	vld.idx.msk [tilespmem:v22+s14+$0x0], $0xffff;
	v24 =	vmax.f32 v24, v31  }
0x284: {  	v21 =	vld.idx.msk [tilespmem:v21+s14+$0x0], $0xffff;
	v24 =	vmax.f32 v24, v27  }
0x285: {  	v20 =	vld.idx.msk [tilespmem:v20+s14+$0x0], $0xffff;
	v24 =	vmax.f32 v24, v28  }
0x286: {  	v19 =	vld.idx.msk [tilespmem:v19+s14+$0x0], $0xffff;
	v24 =	vmax.f32 v24, v29  }
0x287: {  	v18 =	vld.idx.msk [tilespmem:v18+s14+$0x0], $0xffff;
	v24 =	vmax.f32 v24, v30  }
0x288: {  	v17 =	vld.idx.msk [tilespmem:v17+s14+$0x0], $0xffff;
	v23 =	vmax.f32 v24, v23  }
0x289: {  	v16 =	vld.idx.msk [tilespmem:v16+s14+$0x0], $0xffff;
	v22 =	vmax.f32 v23, v22  }
0x28a: {  	v15 =	vld.idx.msk [tilespmem:v15+s14+$0x0], $0xffff;
	v21 =	vmax.f32 v22, v21  }
0x28b: {  	v14 =	vld.idx.msk [tilespmem:v14+s14+$0x0], $0xffff;
	v20 =	vmax.f32 v21, v20  }
0x28c: {  	v13 =	vld.idx.msk [tilespmem:v13+s14+$0x0], $0xffff;
	v19 =	vmax.f32 v20, v19  }
0x28d: {  	v12 =	vld.idx.msk [tilespmem:v12+s14+$0x0], $0xffff;
	v18 =	vmax.f32 v19, v18  }
0x28e: {  	v11 =	vld.idx.msk [tilespmem:v11+s14+$0x0], $0xffff;
	v17 =	vmax.f32 v18, v17  }
0x28f: {  	v10 =	vld.idx.msk [tilespmem:v10+s14+$0x0], $0xffff;
	v16 =	vmax.f32 v17, v16  }
0x290: {  	v9 =	vld.idx.msk [tilespmem:v9+s14+$0x0], $0xffff;
	v15 =	vmax.f32 v16, v15  }
0x291: {  	v8 =	vld.idx.msk [tilespmem:v8+s14+$0x0], $0xffff;
	v14 =	vmax.f32 v15, v14  }
0x292: {  	v7 =	vld.idx.msk [tilespmem:v7+s14+$0x0], $0xffff;
	v13 =	vmax.f32 v14, v13  }
0x293: {  	v6 =	vld.idx.msk [tilespmem:v6+s14+$0x0], $0xffff;
	v12 =	vmax.f32 v13, v12  }
0x294: {  	v5 =	vld.idx.msk [tilespmem:v5+s14+$0x0], $0xffff;
	v11 =	vmax.f32 v12, v11  }
0x295: {  	v4 =	vld.idx.msk [tilespmem:v4+s14+$0x0], $0xffff;
	v10 =	vmax.f32 v11, v10  }
0x296: {  	v3 =	vld.idx.msk [tilespmem:v3+s14+$0x0], $0xffff;
	v9 =	vmax.f32 v10, v9  }
0x297: {  	v2 =	vld.idx.msk [tilespmem:v2+s14+$0x0], $0xffff;
	v8 =	vmax.f32 v9, v8  }
0x298: {  	v1 =	vld.idx.msk [tilespmem:v1+s14+$0x0], $0xffff;
	v7 =	vmax.f32 v8, v7  }
0x299: {  	s6 =	simm.s32 $0x40;
	v0 =	vld.idx.msk [tilespmem:v0+s14+$0x0], $0xffff;
	v6 =	vmax.f32 v7, v6  }
.LBB2_6:
0x29a: {  	p0 =	sne.s32 s6, $0x600  }
0x29b: {  	v5 =	vmax.f32 v6, v5;
	s1 =	sadd.s32 $0x200, s1;
	s7 =	smov.u32 s6;
	s6 =	sadd.s32 $0x40, s6  }
0x29c: {  	v4 =	vmax.f32 v5, v4  }
0x29d: {  	v3 =	vmax.f32 v4, v3  }
0x29e: {  	v2 =	vmax.f32 v3, v2  }
0x29f: {  	v1 =	vmax.f32 v2, v1  }
0x2a0: {  	v0 =	vmax.f32 v1, v0  }
0x2a1: {  	[tilespmem:s0+$0x10B30] =	vst v0  }
0x2a2: {  	v0 =	vld [tilespmem:s1+$0x0]  }
0x2a3: {  	v1 =	vld [tilespmem:s1+$0xFFFFFFF0]  }
0x2a4: {  	v2 =	vld [tilespmem:s1+$0xFFFFFFE0]  }
0x2a5: {  	v3 =	vld [tilespmem:s1+$0xFFFFFFD0]  }
0x2a6: {  	v4 =	vld [tilespmem:s1+$0xFFFFFFC0]  }
0x2a7: {  	v5 =	vld [tilespmem:s1+$0xFFFFFFB0]  }
0x2a8: {  	v6 =	vld [tilespmem:s1+$0xFFFFFFA0]  }
0x2a9: {  	v7 =	vld [tilespmem:s1+$0xFFFFFF90]  }
0x2aa: {  	v8 =	vld [tilespmem:s1+$0xFFFFFF80]  }
0x2ab: {  	v9 =	vld [tilespmem:s1+$0xFFFFFF70]  }
0x2ac: {  	v10 =	vld [tilespmem:s1+$0xFFFFFF60]  }
0x2ad: {  	v11 =	vld [tilespmem:s1+$0xFFFFFF50]  }
0x2ae: {  	v12 =	vld [tilespmem:s1+$0xFFFFFF40]  }
0x2af: {  	v13 =	vld [tilespmem:s1+$0xFFFFFF30]  }
0x2b0: {  	v14 =	vld [tilespmem:s1+$0xFFFFFF20]  }
0x2b1: {  	v15 =	vld [tilespmem:s1+$0xFFFFFF10]  }
0x2b2: {  	v16 =	vld [tilespmem:s1+$0xFFFFFF00]  }
0x2b3: {  	v17 =	vld [tilespmem:s1+$0xFFFFFEF0]  }
0x2b4: {  	v18 =	vld [tilespmem:s1+$0xFFFFFEE0]  }
0x2b5: {  	v19 =	vld [tilespmem:s1+$0xFFFFFED0]  }
0x2b6: {  	v20 =	vld [tilespmem:s1+$0xFFFFFEC0]  }
0x2b7: {  	v21 =	vld [tilespmem:s1+$0xFFFFFEB0]  }
0x2b8: {  	v22 =	vld [tilespmem:s1+$0xFFFFFEA0]  }
0x2b9: {  	v23 =	vld [tilespmem:s1+$0xFFFFFE90]  }
0x2ba: {  	v24 =	vld [tilespmem:s1+$0xFFFFFE10]  }
0x2bb: {  	v25 =	vld [tilespmem:s1+$0xFFFFFE20]  }
0x2bc: {  	v30 =	vld [tilespmem:s1+$0xFFFFFE30]  }
0x2bd: {  	v31 =	vld [tilespmem:s1+$0xFFFFFE40]  }
0x2be: {  	v26 =	vld [tilespmem:s1+$0xFFFFFE50]  }
0x2bf: {  	v27 =	vld [tilespmem:s1+$0xFFFFFE60]  }
0x2c0: {  	v28 =	vld [tilespmem:s1+$0xFFFFFE70]  }
0x2c1: {  	v29 =	vld [tilespmem:s1+$0xFFFFFE80]  }
0x2c2: {  	v32 =	vld.idx.msk [tilespmem:v24+s2+$0x0], $0xffff  }
0x2c3: {  	v33 =	vld.idx.msk [tilespmem:v25+s2+$0x0], $0xffff  }
0x2c4: {  	v34 =	vld.idx.msk [tilespmem:v30+s2+$0x0], $0xffff  }
0x2c5: {  	v35 =	vld.idx.msk [tilespmem:v31+s2+$0x0], $0xffff  }
0x2c6: {  	v36 =	vld.idx.msk [tilespmem:v26+s2+$0x0], $0xffff  }
0x2c7: {  	v37 =	vld.idx.msk [tilespmem:v27+s2+$0x0], $0xffff  }
0x2c8: {  	v38 =	vld.idx.msk [tilespmem:v28+s2+$0x0], $0xffff  }
0x2c9: {  	v32 =	vmax.f32 v32, v33;
	v33 =	vld.idx.msk [tilespmem:v29+s2+$0x0], $0xffff  }
0x2ca: {  	v32 =	vmax.f32 v32, v34;
	v34 =	vld.idx.msk [tilespmem:v23+s2+$0x0], $0xffff  }
0x2cb: {  	v32 =	vmax.f32 v32, v35;
	v35 =	vld.idx.msk [tilespmem:v22+s2+$0x0], $0xffff  }
0x2cc: {  	v32 =	vmax.f32 v32, v36;
	v36 =	vld.idx.msk [tilespmem:v21+s2+$0x0], $0xffff  }
0x2cd: {  	v32 =	vmax.f32 v32, v37;
	v37 =	vld.idx.msk [tilespmem:v20+s2+$0x0], $0xffff  }
0x2ce: {  	v32 =	vmax.f32 v32, v38;
	v38 =	vld.idx.msk [tilespmem:v19+s2+$0x0], $0xffff  }
0x2cf: {  	v32 =	vmax.f32 v32, v33;
	v33 =	vld.idx.msk [tilespmem:v18+s2+$0x0], $0xffff  }
0x2d0: {  	v32 =	vmax.f32 v32, v34;
	v34 =	vld.idx.msk [tilespmem:v17+s2+$0x0], $0xffff  }
0x2d1: {  	v32 =	vmax.f32 v32, v35;
	v35 =	vld.idx.msk [tilespmem:v16+s2+$0x0], $0xffff  }
0x2d2: {  	v32 =	vmax.f32 v32, v36;
	v36 =	vld.idx.msk [tilespmem:v15+s2+$0x0], $0xffff  }
0x2d3: {  	v32 =	vmax.f32 v32, v37;
	v37 =	vld.idx.msk [tilespmem:v14+s2+$0x0], $0xffff  }
0x2d4: {  	v32 =	vmax.f32 v32, v38;
	v38 =	vld.idx.msk [tilespmem:v13+s2+$0x0], $0xffff  }
0x2d5: {  	v32 =	vmax.f32 v32, v33;
	v33 =	vld.idx.msk [tilespmem:v12+s2+$0x0], $0xffff  }
0x2d6: {  	v32 =	vmax.f32 v32, v34;
	v34 =	vld.idx.msk [tilespmem:v11+s2+$0x0], $0xffff  }
0x2d7: {  	v32 =	vmax.f32 v32, v35;
	v35 =	vld.idx.msk [tilespmem:v10+s2+$0x0], $0xffff  }
0x2d8: {  	v32 =	vmax.f32 v32, v36;
	v36 =	vld.idx.msk [tilespmem:v9+s2+$0x0], $0xffff  }
0x2d9: {  	v32 =	vmax.f32 v32, v37;
	v37 =	vld.idx.msk [tilespmem:v8+s2+$0x0], $0xffff  }
0x2da: {  	v32 =	vmax.f32 v32, v38;
	v38 =	vld.idx.msk [tilespmem:v7+s2+$0x0], $0xffff  }
0x2db: {  	v32 =	vmax.f32 v32, v33;
	v33 =	vld.idx.msk [tilespmem:v6+s2+$0x0], $0xffff  }
0x2dc: {  	v32 =	vmax.f32 v32, v34;
	v34 =	vld.idx.msk [tilespmem:v5+s2+$0x0], $0xffff  }
0x2dd: {  	v32 =	vmax.f32 v32, v35;
	v35 =	vld.idx.msk [tilespmem:v4+s2+$0x0], $0xffff  }
0x2de: {  	v32 =	vmax.f32 v32, v36;
	v36 =	vld.idx.msk [tilespmem:v3+s2+$0x0], $0xffff  }
0x2df: {  	v32 =	vmax.f32 v32, v37;
	v37 =	vld.idx.msk [tilespmem:v2+s2+$0x0], $0xffff  }
0x2e0: {  	v32 =	vmax.f32 v32, v38;
	v38 =	vld.idx.msk [tilespmem:v1+s2+$0x0], $0xffff  }
0x2e1: {  	v32 =	vmax.f32 v32, v33;
	v33 =	vld.idx.msk [tilespmem:v0+s2+$0x0], $0xffff  }
0x2e2: {  	v32 =	vmax.f32 v32, v34  }
0x2e3: {  	v32 =	vmax.f32 v32, v35  }
0x2e4: {  	v32 =	vmax.f32 v32, v36  }
0x2e5: {  	v32 =	vmax.f32 v32, v37  }
0x2e6: {  	v32 =	vmax.f32 v32, v38  }
0x2e7: {  	s0 =	sshra.s32 s7, $0x2;
	v32 =	vmax.f32 v32, v33  }
0x2e8: {  	[tilespmem:s0+$0x10680] =	vst v32  }
0x2e9: {  	v32 =	vld.idx.msk [tilespmem:v30+s12+$0x0], $0xffff  }
0x2ea: {  	v33 =	vld.idx.msk [tilespmem:v24+s12+$0x0], $0xffff  }
0x2eb: {  	v34 =	vld.idx.msk [tilespmem:v25+s12+$0x0], $0xffff;
	_ =	sdelay $0x1  }
0x2ec: {  	v35 =	vld.idx.msk [tilespmem:v31+s12+$0x0], $0xffff  }
0x2ed: {  	v36 =	vld.idx.msk [tilespmem:v26+s12+$0x0], $0xffff  }
0x2ee: {  	v37 =	vld.idx.msk [tilespmem:v27+s12+$0x0], $0xffff  }
0x2ef: {  	v38 =	vld.idx.msk [tilespmem:v28+s12+$0x0], $0xffff  }
0x2f0: {  	v33 =	vmax.f32 v33, v34;
	v34 =	vld.idx.msk [tilespmem:v29+s12+$0x0], $0xffff  }
0x2f1: {  	v32 =	vmax.f32 v33, v32;
	v33 =	vld.idx.msk [tilespmem:v23+s12+$0x0], $0xffff  }
0x2f2: {  	v32 =	vmax.f32 v32, v35;
	v35 =	vld.idx.msk [tilespmem:v22+s12+$0x0], $0xffff  }
0x2f3: {  	v32 =	vmax.f32 v32, v36;
	v36 =	vld.idx.msk [tilespmem:v21+s12+$0x0], $0xffff  }
0x2f4: {  	v32 =	vmax.f32 v32, v37;
	v37 =	vld.idx.msk [tilespmem:v20+s12+$0x0], $0xffff  }
0x2f5: {  	v32 =	vmax.f32 v32, v38;
	v38 =	vld.idx.msk [tilespmem:v19+s12+$0x0], $0xffff  }
0x2f6: {  	v32 =	vmax.f32 v32, v34;
	v34 =	vld.idx.msk [tilespmem:v18+s12+$0x0], $0xffff  }
0x2f7: {  	v32 =	vmax.f32 v32, v33;
	v33 =	vld.idx.msk [tilespmem:v17+s12+$0x0], $0xffff  }
0x2f8: {  	v32 =	vmax.f32 v32, v35;
	v35 =	vld.idx.msk [tilespmem:v16+s12+$0x0], $0xffff  }
0x2f9: {  	v32 =	vmax.f32 v32, v36;
	v36 =	vld.idx.msk [tilespmem:v15+s12+$0x0], $0xffff  }
0x2fa: {  	v32 =	vmax.f32 v32, v37;
	v37 =	vld.idx.msk [tilespmem:v14+s12+$0x0], $0xffff  }
0x2fb: {  	v32 =	vmax.f32 v32, v38;
	v38 =	vld.idx.msk [tilespmem:v13+s12+$0x0], $0xffff  }
0x2fc: {  	v32 =	vmax.f32 v32, v34;
	v34 =	vld.idx.msk [tilespmem:v12+s12+$0x0], $0xffff  }
0x2fd: {  	v32 =	vmax.f32 v32, v33;
	v33 =	vld.idx.msk [tilespmem:v11+s12+$0x0], $0xffff  }
0x2fe: {  	v32 =	vmax.f32 v32, v35;
	v35 =	vld.idx.msk [tilespmem:v10+s12+$0x0], $0xffff  }
0x2ff: {  	v32 =	vmax.f32 v32, v36;
	v36 =	vld.idx.msk [tilespmem:v9+s12+$0x0], $0xffff  }
0x300: {  	v32 =	vmax.f32 v32, v37;
	v37 =	vld.idx.msk [tilespmem:v8+s12+$0x0], $0xffff  }
0x301: {  	v32 =	vmax.f32 v32, v38;
	v38 =	vld.idx.msk [tilespmem:v7+s12+$0x0], $0xffff  }
0x302: {  	v32 =	vmax.f32 v32, v34;
	v34 =	vld.idx.msk [tilespmem:v6+s12+$0x0], $0xffff  }
0x303: {  	v32 =	vmax.f32 v32, v33;
	v33 =	vld.idx.msk [tilespmem:v5+s12+$0x0], $0xffff  }
0x304: {  	v32 =	vmax.f32 v32, v35;
	v35 =	vld.idx.msk [tilespmem:v4+s12+$0x0], $0xffff  }
0x305: {  	v32 =	vmax.f32 v32, v36;
	v36 =	vld.idx.msk [tilespmem:v3+s12+$0x0], $0xffff  }
0x306: {  	v32 =	vmax.f32 v32, v37;
	v37 =	vld.idx.msk [tilespmem:v2+s12+$0x0], $0xffff  }
0x307: {  	v32 =	vmax.f32 v32, v38;
	v38 =	vld.idx.msk [tilespmem:v1+s12+$0x0], $0xffff  }
0x308: {  	v32 =	vmax.f32 v32, v34;
	v34 =	vld.idx.msk [tilespmem:v0+s12+$0x0], $0xffff  }
0x309: {  	v32 =	vmax.f32 v32, v33  }
0x30a: {  	v32 =	vmax.f32 v32, v35  }
0x30b: {  	v32 =	vmax.f32 v32, v36  }
0x30c: {  	v32 =	vmax.f32 v32, v37  }
0x30d: {  	v32 =	vmax.f32 v32, v38  }
0x30e: {  	v32 =	vmax.f32 v32, v34  }
0x30f: {  	[tilespmem:s0+$0x10810] =	vst v32  }
0x310: {  	v32 =	vld.idx.msk [tilespmem:v24+s13+$0x0], $0xffff  }
0x311: {  	v33 =	vld.idx.msk [tilespmem:v25+s13+$0x0], $0xffff  }
0x312: {  	v34 =	vld.idx.msk [tilespmem:v30+s13+$0x0], $0xffff  }
0x313: {  	v35 =	vld.idx.msk [tilespmem:v31+s13+$0x0], $0xffff  }
0x314: {  	v36 =	vld.idx.msk [tilespmem:v26+s13+$0x0], $0xffff  }
0x315: {  	v37 =	vld.idx.msk [tilespmem:v27+s13+$0x0], $0xffff  }
0x316: {  	v38 =	vld.idx.msk [tilespmem:v28+s13+$0x0], $0xffff  }
0x317: {  	v32 =	vmax.f32 v32, v33;
	v33 =	vld.idx.msk [tilespmem:v29+s13+$0x0], $0xffff  }
0x318: {  	v32 =	vmax.f32 v32, v34;
	v34 =	vld.idx.msk [tilespmem:v23+s13+$0x0], $0xffff  }
0x319: {  	v32 =	vmax.f32 v32, v35;
	v35 =	vld.idx.msk [tilespmem:v22+s13+$0x0], $0xffff  }
0x31a: {  	v32 =	vmax.f32 v32, v36;
	v36 =	vld.idx.msk [tilespmem:v21+s13+$0x0], $0xffff  }
0x31b: {  	v32 =	vmax.f32 v32, v37;
	v37 =	vld.idx.msk [tilespmem:v20+s13+$0x0], $0xffff  }
0x31c: {  	v32 =	vmax.f32 v32, v38;
	v38 =	vld.idx.msk [tilespmem:v19+s13+$0x0], $0xffff  }
0x31d: {  	v32 =	vmax.f32 v32, v33;
	v33 =	vld.idx.msk [tilespmem:v18+s13+$0x0], $0xffff  }
0x31e: {  	v32 =	vmax.f32 v32, v34;
	v34 =	vld.idx.msk [tilespmem:v17+s13+$0x0], $0xffff  }
0x31f: {  	v32 =	vmax.f32 v32, v35;
	v35 =	vld.idx.msk [tilespmem:v16+s13+$0x0], $0xffff  }
0x320: {  	v32 =	vmax.f32 v32, v36;
	v36 =	vld.idx.msk [tilespmem:v15+s13+$0x0], $0xffff  }
0x321: {  	v32 =	vmax.f32 v32, v37;
	v37 =	vld.idx.msk [tilespmem:v14+s13+$0x0], $0xffff  }
0x322: {  	v32 =	vmax.f32 v32, v38;
	v38 =	vld.idx.msk [tilespmem:v13+s13+$0x0], $0xffff  }
0x323: {  	v32 =	vmax.f32 v32, v33;
	v33 =	vld.idx.msk [tilespmem:v12+s13+$0x0], $0xffff  }
0x324: {  	v32 =	vmax.f32 v32, v34;
	v34 =	vld.idx.msk [tilespmem:v11+s13+$0x0], $0xffff  }
0x325: {  	v32 =	vmax.f32 v32, v35;
	v35 =	vld.idx.msk [tilespmem:v10+s13+$0x0], $0xffff  }
0x326: {  	v32 =	vmax.f32 v32, v36;
	v36 =	vld.idx.msk [tilespmem:v9+s13+$0x0], $0xffff  }
0x327: {  	v32 =	vmax.f32 v32, v37;
	v37 =	vld.idx.msk [tilespmem:v8+s13+$0x0], $0xffff  }
0x328: {  	v32 =	vmax.f32 v32, v38;
	v38 =	vld.idx.msk [tilespmem:v7+s13+$0x0], $0xffff  }
0x329: {  	v32 =	vmax.f32 v32, v33;
	v33 =	vld.idx.msk [tilespmem:v6+s13+$0x0], $0xffff  }
0x32a: {  	v32 =	vmax.f32 v32, v34;
	v34 =	vld.idx.msk [tilespmem:v5+s13+$0x0], $0xffff  }
0x32b: {  	v32 =	vmax.f32 v32, v35;
	v35 =	vld.idx.msk [tilespmem:v4+s13+$0x0], $0xffff  }
0x32c: {  	v32 =	vmax.f32 v32, v36;
	v36 =	vld.idx.msk [tilespmem:v3+s13+$0x0], $0xffff  }
0x32d: {  	v32 =	vmax.f32 v32, v37;
	v37 =	vld.idx.msk [tilespmem:v2+s13+$0x0], $0xffff  }
0x32e: {  	v32 =	vmax.f32 v32, v38;
	v38 =	vld.idx.msk [tilespmem:v1+s13+$0x0], $0xffff  }
0x32f: {  	v32 =	vmax.f32 v32, v33;
	v33 =	vld.idx.msk [tilespmem:v0+s13+$0x0], $0xffff  }
0x330: {  	v32 =	vmax.f32 v32, v34  }
0x331: {  	v32 =	vmax.f32 v32, v35  }
0x332: {  	v32 =	vmax.f32 v32, v36  }
0x333: {  	v32 =	vmax.f32 v32, v37  }
0x334: {  	v32 =	vmax.f32 v32, v38  }
0x335: {  	v32 =	vmax.f32 v32, v33  }
0x336: {  	[tilespmem:s0+$0x109A0] =	vst v32  }
0x337: {  	v31 =	vld.idx.msk [tilespmem:v31+s14+$0x0], $0xffff  }
0x338: {  	v30 =	vld.idx.msk [tilespmem:v30+s14+$0x0], $0xffff  }
0x339: {  	v24 =	vld.idx.msk [tilespmem:v24+s14+$0x0], $0xffff  }
0x33a: {  	v25 =	vld.idx.msk [tilespmem:v25+s14+$0x0], $0xffff  }
0x33b: {  	v26 =	vld.idx.msk [tilespmem:v26+s14+$0x0], $0xffff  }
0x33c: {  	v27 =	vld.idx.msk [tilespmem:v27+s14+$0x0], $0xffff  }
0x33d: {  	v28 =	vld.idx.msk [tilespmem:v28+s14+$0x0], $0xffff  }
0x33e: {  	v29 =	vld.idx.msk [tilespmem:v29+s14+$0x0], $0xffff  }
0x33f: {  	v23 =	vld.idx.msk [tilespmem:v23+s14+$0x0], $0xffff  }
0x340: {  	v24 =	vmax.f32 v24, v25;
	v22 =	vld.idx.msk [tilespmem:v22+s14+$0x0], $0xffff  }
0x341: {  	v24 =	vmax.f32 v24, v30;
	v21 =	vld.idx.msk [tilespmem:v21+s14+$0x0], $0xffff  }
0x342: {  	v24 =	vmax.f32 v24, v31;
	v20 =	vld.idx.msk [tilespmem:v20+s14+$0x0], $0xffff  }
0x343: {  	v24 =	vmax.f32 v24, v26;
	v19 =	vld.idx.msk [tilespmem:v19+s14+$0x0], $0xffff  }
0x344: {  	v24 =	vmax.f32 v24, v27;
	v18 =	vld.idx.msk [tilespmem:v18+s14+$0x0], $0xffff  }
0x345: {  	v24 =	vmax.f32 v24, v28;
	v17 =	vld.idx.msk [tilespmem:v17+s14+$0x0], $0xffff  }
0x346: {  	v24 =	vmax.f32 v24, v29;
	v16 =	vld.idx.msk [tilespmem:v16+s14+$0x0], $0xffff  }
0x347: {  	v23 =	vmax.f32 v24, v23;
	v15 =	vld.idx.msk [tilespmem:v15+s14+$0x0], $0xffff  }
0x348: {  	v22 =	vmax.f32 v23, v22;
	v14 =	vld.idx.msk [tilespmem:v14+s14+$0x0], $0xffff  }
0x349: {  	v21 =	vmax.f32 v22, v21;
	v13 =	vld.idx.msk [tilespmem:v13+s14+$0x0], $0xffff  }
0x34a: {  	v20 =	vmax.f32 v21, v20;
	v12 =	vld.idx.msk [tilespmem:v12+s14+$0x0], $0xffff  }
0x34b: {  	v19 =	vmax.f32 v20, v19;
	v11 =	vld.idx.msk [tilespmem:v11+s14+$0x0], $0xffff  }
0x34c: {  	v18 =	vmax.f32 v19, v18;
	v10 =	vld.idx.msk [tilespmem:v10+s14+$0x0], $0xffff  }
0x34d: {  	v17 =	vmax.f32 v18, v17;
	v9 =	vld.idx.msk [tilespmem:v9+s14+$0x0], $0xffff  }
0x34e: {  	v16 =	vmax.f32 v17, v16;
	v8 =	vld.idx.msk [tilespmem:v8+s14+$0x0], $0xffff  }
0x34f: {  	v15 =	vmax.f32 v16, v15;
	v7 =	vld.idx.msk [tilespmem:v7+s14+$0x0], $0xffff  }
0x350: {  	v14 =	vmax.f32 v15, v14;
	v6 =	vld.idx.msk [tilespmem:v6+s14+$0x0], $0xffff  }
0x351: {  	v13 =	vmax.f32 v14, v13;
	v5 =	vld.idx.msk [tilespmem:v5+s14+$0x0], $0xffff  }
0x352: {  	v12 =	vmax.f32 v13, v12;
	v4 =	vld.idx.msk [tilespmem:v4+s14+$0x0], $0xffff  }
0x353: {  	v11 =	vmax.f32 v12, v11;
	v3 =	vld.idx.msk [tilespmem:v3+s14+$0x0], $0xffff  }
.Ltmp6:
0x354: {  	v10 =	vmax.f32 v11, v10;
	v2 =	vld.idx.msk [tilespmem:v2+s14+$0x0], $0xffff;
	(pc) =	sbr.rel @p0 .LBB2_6-.Ltmp6, $4  }
0x355: {  	v9 =	vmax.f32 v10, v9;
	v1 =	vld.idx.msk [tilespmem:v1+s14+$0x0], $0xffff  }
0x356: {  	v8 =	vmax.f32 v9, v8;
	v0 =	vld.idx.msk [tilespmem:v0+s14+$0x0], $0xffff  }
0x357: {  	v7 =	vmax.f32 v8, v7  }
0x358: {  	v6 =	vmax.f32 v7, v6  }
0x359: {  	v5 =	vmax.f32 v6, v5  }
0x35a: {  	v4 =	vmax.f32 v5, v4  }
0x35b: {  	s1 =	smul.u32 $0x190, s31;
	v3 =	vmax.f32 v4, v3  }
0x35c: {  	v2 =	vmax.f32 v3, v2  }
0x35d: {  	s1 =	sadd.s32 s3, s1;
	v1 =	vmax.f32 v2, v1  }
0x35e: {  	s1 =	sshrl.u32 s1, $0x3;
	v0 =	vmax.f32 v1, v0  }
0x35f: {  	s7 =	sadd.s32 s5, s1;
	[tilespmem:s0+$0x10B30] =	vst v0  }
0x360: {  	[hbm4b:s7+s2] =	stream.linear.scatter [tilespmem:s22], [sflag:$0x4], $0x190, $0x38;
	[tilespmem:$0x10CC0] =	vst v63  }
0x361: {  	s1 =	sadd.s32 $0x4E2, s7  }
0x362: {  	[hbm4b:s1+s2] =	stream.linear.scatter [tilespmem:s23], [sflag:$0x4], $0x190, $0x38;
	[tilespmem:$0x10CC0] =	vst v63  }
.Ltmp7:
0x363: {  	_ = 	snop;
	(pc) =	sbr.rel .LBB2_8-.Ltmp7, $4  }
0x364: {  	s31 =	sadd.s32 $0x9C4, s7  }
0x365: {  	[hbm4b:s31+s2] =	stream.linear.scatter [tilespmem:s24], [sflag:$0x4], $0x190, $0x38;
	[tilespmem:$0x10CC0] =	vst v63  }
0x366: {  	s0 =	sadd.s32 $0xEA6, s7  }
0x367: {  	[hbm4b:s0+s2] =	stream.linear.scatter [tilespmem:s25], [sflag:$0x4], $0x190, $0x38;
	[tilespmem:$0x10CC0] =	vst v63  }
.LBB2_10:
0x368: {  	_ =	sfence.sel $0x180000  }
0x369: {  	[bflag:$0x0] =	sbarrier.arrive $0xFFFF  }
0x36a: {  	_ =	strace $0x90000047  }
0x36b: {  	s0 =	stileid.u32;
	[bflag:$0x2] =	sbarrier.arrive $0xFFFF  }
0x36c: {  	p0 =	sne.s32 s0, $0x0;
	s0 =	rddreg [dreg:$0x2]  }
0x36d: {  	s0 =	sadd.s32 @!p0 $0x100000, s0  }
0x36e: {  	[sflag:s0] =	ssyncadd.tile.s32 @!p0 $0x1;
	_ =	shalt  }
.Lfunc_end2:
_tile_overlayer_lowered:
.L_overlay_start_2:
0x36f: {  	(tag) =	ssettag $0x2  }
0x370: {  	s0 =	rddreg [dreg:$0x0];
	s2 =	stileid.u32  }
0x371: {  	s1 =	rddreg [dreg:$0x1];
	p0 =	sne.s32 s2, $0x0  }
0x372: {  	s3 =	rddreg [dreg:$0x2];
	[bflag:$0x3] =	sbarrier.arrive $0xFFFF;
	s2 =	simm.s32 @!p0 $0x1C05  }
0x373: {  	[timem:s3], [sflag:s2] =	dma.local @!p0 [hbm:s0], s1  }
0x374: {  	s0 =	simm.s32 @!p0 $0x5  }
0x375: {  	_ =	swait.ge @!p0 [sflag:s0], s1  }
0x376: {  	s1 =	ssub.s32 @!p0 $0x0, s1;
	[sflag:s0] =	ssyncset.done @!p0 $0x0  }
0x377: {  	[sflag:s0] =	ssyncadd.s32 @!p0 s1  }
0x378: {  	[bflag:$0x3] =	sbarrier.arrive $0xFFFF  }
0x379: {  	_ =	shalt  }

</sc_bundles>
